<compile_context>
chip_gen: v7x
topology: tpu7x:2x2x1
jax: 0.10.2.dev20260603
libtpu: 0.0.44.dev20260713+nightly
codegen_flags: <defaults>
</compile_context>

<pallas_src>
import functools

import jax
import jax.numpy as jnp
from jax import lax
from jax.experimental import pallas as pl
from jax.experimental.pallas import tpu as pltpu
from jax.experimental.pallas import tpu_sc as plsc

B, L, D, C = 4, 8192, 1024, 128
K = 4096
ROWS, LANES = 64, 128

NC, NS = 2, 16
NW = NC * NS
RPT = (B * K) // NW
CH = 32


TROWS = 16


def _rel_body(post_ref, rel_ref):
    p = post_ref[...]
    ent = -jnp.sum(p * jnp.log(p + 1e-8), axis=-1)
    rel = 1.0 - ent / jnp.log(float(C))
    rel_ref[...] = rel.reshape(1, TROWS, LANES)


def _select_body(rel_ref, sel_ref, pos_ref):
    rel3 = rel_ref[...]

    u = lax.bitcast_convert_type(rel3, jnp.uint32)
    key = jnp.where(u < jnp.uint32(0x80000000),
                    u + jnp.uint32(0x80000000), ~u)

    def _cnt(x):
        s = jnp.sum(x.astype(jnp.int32), axis=2, keepdims=True)
        return jnp.sum(s, axis=1, keepdims=True)

    t = jnp.zeros((B, 1, 1), jnp.uint32)
    for i in range(31, -1, -1):
        cand = t | jnp.uint32(1 << i)
        t = jnp.where(_cnt(key >= cand) >= K, cand, t)

    gt = key > t
    eq = key == t
    quota = (K - _cnt(gt)).astype(jnp.float32)

    half = B * ROWS
    s2 = jnp.concatenate([gt.reshape(half, LANES),
                          eq.reshape(half, LANES)], axis=0
                         ).astype(jnp.float32)
    incl = (lax.broadcasted_iota(jnp.int32, (LANES, LANES), 0)
            <= lax.broadcasted_iota(jnp.int32, (LANES, LANES), 1)
            ).astype(jnp.float32)
    ones = jnp.ones((LANES, LANES), jnp.float32)
    r0 = lax.broadcasted_iota(jnp.int32, (2 * half, 2 * half), 0)
    r1 = lax.broadcasted_iota(jnp.int32, (2 * half, 2 * half), 1)
    bd = ((jnp.right_shift(r0, 6) == jnp.right_shift(r1, 6))
          & (r1 < r0)).astype(jnp.float32)
    row_incl = jnp.dot(s2, incl, preferred_element_type=jnp.float32)
    tot = jnp.dot(s2, ones, preferred_element_type=jnp.float32)
    off = jnp.dot(bd, tot, preferred_element_type=jnp.float32)
    ex = row_incl + off - s2
    cumgt = ex[:half].reshape(B, ROWS, LANES)
    eqrank = ex[half:].reshape(B, ROWS, LANES)

    sel = gt | (eq & (eqrank < quota))
    pos = cumgt + jnp.minimum(eqrank, quota)

    sel_ref[...] = sel.astype(jnp.int32)
    pos_ref[...] = pos.astype(jnp.int32)


def _tc_select(posteriors_a):
    rel = pl.pallas_call(
        _rel_body,
        grid=(B, ROWS // TROWS),
        in_specs=[pl.BlockSpec((1, TROWS * LANES, C), lambda b, t: (b, t, 0))],
        out_specs=pl.BlockSpec((1, TROWS, LANES), lambda b, t: (b, t, 0)),
        out_shape=jax.ShapeDtypeStruct((B, ROWS, LANES), jnp.float32),
    )(posteriors_a)
    return pl.pallas_call(
        _select_body,
        out_shape=[jax.ShapeDtypeStruct((B, ROWS, LANES), jnp.int32),
                   jax.ShapeDtypeStruct((B, ROWS, LANES), jnp.int32)],
    )(rel)


@functools.cache
def _make_sc_fused():
    mesh = plsc.VectorSubcoreMesh(core_axis_name="c", subcore_axis_name="s")
    nch = RPT // CH

    @functools.partial(
        pl.kernel,
        mesh=mesh,
        out_type=[jax.ShapeDtypeStruct((B * K,), jnp.int32),
                  jax.ShapeDtypeStruct((B * K,), jnp.int32),
                  jax.ShapeDtypeStruct((B * K, D), jnp.float32)],
        scratch_types=[pltpu.VMEM((L,), jnp.int32),
                       pltpu.VMEM((L,), jnp.int32),
                       pltpu.VMEM((K,), jnp.int32),
                       pltpu.VMEM((K,), jnp.int32),
                       pltpu.VMEM((RPT,), jnp.int32),
                       [pltpu.VMEM((CH, D), jnp.float32)] * 2,
                       pltpu.SemaphoreType.DMA,
                       [pltpu.SemaphoreType.DMA] * 2],
        compiler_params=pltpu.CompilerParams(needs_layout_passes=False),
    )
    def _fused(sel_hbm, pos_hbm, hid_hbm, ret_hbm, flat_hbm, out_hbm,
               sel_v, pos_v, ret_v, flat_v, idx_v, bufs, isem, gsems):
        cid = lax.axis_index("c")
        sid = lax.axis_index("s")
        slot = sid // 8
        myb = 2 * cid + slot
        part = sid % 8

        @pl.when(part == 0)
        def _():
            b = myb
            pltpu.sync_copy(sel_hbm.at[pl.ds(b * L, L)], sel_v)
            pltpu.sync_copy(pos_hbm.at[pl.ds(b * L, L)], pos_v)
            iota = lax.iota(jnp.int32, 16)

            def _body(j, carry):
                m = sel_v[pl.ds(j * 16, 16)]
                ps = pos_v[pl.ds(j * 16, 16)]
                idx = iota + j * 16
                msk = m != 0
                plsc.store_scatter(ret_v, [ps], idx, mask=msk)
                plsc.store_scatter(flat_v, [ps], idx + b * L, mask=msk)
                return carry

            lax.fori_loop(0, L // 16, _body, 0)
            pltpu.sync_copy(ret_v, ret_hbm.at[pl.ds(b * K, K)])
            pltpu.sync_copy(flat_v, flat_hbm.at[pl.ds(b * K, K)])

        plsc.subcore_barrier()

        base = myb * K + part * RPT
        pltpu.async_copy(flat_hbm.at[pl.ds(base, RPT)], idx_v, isem).wait()

        def _pre(c):
            s = c % 2
            return pltpu.async_copy(
                hid_hbm.at[idx_v.at[pl.ds(c * CH, CH)]], bufs[s], gsems[s])

        g = _pre(0)
        for c in range(nch):
            g.wait()
            if c + 1 < nch:
                g = _pre(c + 1)
            pltpu.sync_copy(bufs[c % 2],
                            out_hbm.at[pl.ds(base + c * CH, CH)])

    return _fused


@functools.cache
def _make_compact():
    mesh = plsc.VectorSubcoreMesh(core_axis_name="c", subcore_axis_name="s")

    @functools.partial(
        pl.kernel,
        mesh=mesh,
        out_type=[jax.ShapeDtypeStruct((B * K,), jnp.int32),
                  jax.ShapeDtypeStruct((B * K,), jnp.int32)],
        scratch_types=[pltpu.VMEM((L,), jnp.int32),
                       pltpu.VMEM((L,), jnp.int32),
                       pltpu.VMEM((K,), jnp.int32),
                       pltpu.VMEM((K,), jnp.int32)],
        compiler_params=pltpu.CompilerParams(needs_layout_passes=False),
    )
    def _compact(sel_hbm, pos_hbm, ret_hbm, flat_hbm,
                 sel_v, pos_v, ret_v, flat_v):
        wid = lax.axis_index("c") * NS + lax.axis_index("s")

        @pl.when(wid < B)
        def _():
            b = wid
            pltpu.sync_copy(sel_hbm.at[pl.ds(b * L, L)], sel_v)
            pltpu.sync_copy(pos_hbm.at[pl.ds(b * L, L)], pos_v)
            iota = lax.iota(jnp.int32, 16)

            def _body(j, carry):
                m = sel_v[pl.ds(j * 16, 16)]
                ps = pos_v[pl.ds(j * 16, 16)]
                idx = iota + j * 16
                msk = m != 0
                plsc.store_scatter(ret_v, [ps], idx, mask=msk)
                plsc.store_scatter(flat_v, [ps], idx + b * L, mask=msk)
                return carry

            lax.fori_loop(0, L // 16, _body, 0)
            pltpu.sync_copy(ret_v, ret_hbm.at[pl.ds(b * K, K)])
            pltpu.sync_copy(flat_v, flat_hbm.at[pl.ds(b * K, K)])

    return _compact


@functools.cache
def _make_gather():
    mesh = plsc.VectorSubcoreMesh(core_axis_name="c", subcore_axis_name="s")

    nch = RPT // CH

    @functools.partial(
        pl.kernel,
        mesh=mesh,
        out_type=jax.ShapeDtypeStruct((B * K, D), jnp.float32),
        scratch_types=[pltpu.VMEM((RPT,), jnp.int32),
                       [pltpu.VMEM((CH, D), jnp.float32)] * 2,
                       pltpu.SemaphoreType.DMA,
                       [pltpu.SemaphoreType.DMA] * 2],
    )
    def _gather(flat_hbm, hid_hbm, out_hbm, idx_v, bufs, isem, gsems):
        wid = lax.axis_index("c") * NS + lax.axis_index("s")
        base = wid * RPT
        pltpu.async_copy(flat_hbm.at[pl.ds(base, RPT)], idx_v, isem).wait()

        def _pre(c):
            s = c % 2
            return pltpu.async_copy(
                hid_hbm.at[idx_v.at[pl.ds(c * CH, CH)]], bufs[s], gsems[s])

        g = _pre(0)
        for c in range(nch):
            g.wait()
            if c + 1 < nch:
                g = _pre(c + 1)
            pltpu.sync_copy(bufs[c % 2],
                            out_hbm.at[pl.ds(base + c * CH, CH)])

    return _gather


def kernel(hidden_a, posteriors_a):
    sel, pos = _tc_select(posteriors_a)
    ret_flat, _, out_flat = _make_sc_fused()(
        sel.reshape(-1), pos.reshape(-1), hidden_a.reshape(B * L, D))
    hidden_a_filtered = out_flat.reshape(B, K, D)
    retained_indices = ret_flat.reshape(B, K)
    pruned_mask = jnp.ones((B, K), dtype=bool)
    return (hidden_a_filtered, retained_indices, pruned_mask)

# --- scband reference (transcript-rebuilt; emitter-appended) ---
"""Pipeline reference for scband-audio-token-filter-83004537962991 (READ-ONLY COPY).

The authoritative reference and input builder live on the scoring server;
editing this copy changes nothing except your own understanding.
"""

import jax, jax.numpy as jnp
import numpy as np


def _reliability_from_entropy(p):
    # Normalized-entropy reliability: rel = 1 - H(p) / log(C), in [0, 1].
    eps = 1e-8
    C = p.shape[-1]
    ent = -jnp.sum(p * jnp.log(p + eps), axis=-1)
    return 1.0 - ent / jnp.log(float(C))


def setup_inputs(seed: int = 0) -> dict:
    key = jax.random.key(seed)
    k1, k2 = jax.random.split(key)
    hidden_a = jax.random.normal(k1, (4, 8192, 1024), dtype=jnp.float32)
    raw = jax.random.uniform(k2, (4, 8192, 128), dtype=jnp.float32, minval=1e-4, maxval=1.0)
    posteriors_a = raw / jnp.sum(raw, axis=-1, keepdims=True)
    return {"hidden_a": hidden_a, "posteriors_a": posteriors_a}


def reference(hidden_a, posteriors_a):
    # mode='top_r', tau_rel=0.3, target_ratio=0.5, min_retain=10
    target_ratio = 0.5
    min_retain = 10
    B, L_a, D = hidden_a.shape
    rel = _reliability_from_entropy(posteriors_a)  # [B, L_a]
    target_num = max(int(np.ceil(L_a * target_ratio)), min_retain)
    target_num = min(target_num, L_a)
    # top-r% reliability per sample; same static count for every batch row in 'top_r' mode
    _, top_idx = jax.lax.top_k(rel, target_num)          # [B, K]
    retained_indices = jnp.sort(top_idx, axis=-1)        # preserve temporal order
    hidden_a_filtered = jnp.take_along_axis(hidden_a, retained_indices[..., None], axis=1)  # [B, K, D]
    pruned_mask = jnp.ones((B, target_num), dtype=bool)  # all K slots valid in top_r mode
    return (hidden_a_filtered, retained_indices, pruned_mask)

if __name__ == "__main__":
    import jax
    _d = setup_inputs()
    print(jax.jit(kernel)(*tuple(_d.values())))

</pallas_src>

<mosaic_0001>
#map = affine_map<(d0, d1) -> (0)>
#map1 = affine_map<(d0, d1) -> (0, 0)>
module attributes {stable_mosaic.version = 14 : i64} {
  func.func @_fused(%arg0: i32, %arg1: i32, %arg2: memref<32768xi32, #tpu.memory_space<hbm>>, %arg3: memref<32768xi32, #tpu.memory_space<hbm>>, %arg4: memref<32768x1024xf32, #tpu.memory_space<hbm>>, %arg5: memref<16384xi32, #tpu.memory_space<hbm>>, %arg6: memref<16384xi32, #tpu.memory_space<hbm>>, %arg7: memref<16384x1024xf32, #tpu.memory_space<hbm>>, %arg8: memref<8192xi32, #tpu.memory_space<vmem>>, %arg9: memref<8192xi32, #tpu.memory_space<vmem>>, %arg10: memref<4096xi32, #tpu.memory_space<vmem>>, %arg11: memref<4096xi32, #tpu.memory_space<vmem>>, %arg12: memref<512xi32, #tpu.memory_space<vmem>>, %arg13: memref<32x1024xf32, #tpu.memory_space<vmem>>, %arg14: memref<32x1024xf32, #tpu.memory_space<vmem>>, %arg15: memref<!tpu.dma_semaphore, #tpu.memory_space<semaphore_mem>>, %arg16: memref<!tpu.dma_semaphore, #tpu.memory_space<semaphore_mem>>, %arg17: memref<!tpu.dma_semaphore, #tpu.memory_space<semaphore_mem>>) attributes {dimension_semantics = [#tpu.dimension_semantics<core_parallel>, #tpu.dimension_semantics<subcore_parallel>], iteration_bounds = array<i64: 2, 16>, scalar_prefetch = 0 : i64, scratch_operands = 10 : i64, tpu.core_type = #tpu.core_type<sc_vector_subcore>, window_params = [{transform_indices = #map}, {transform_indices = #map}, {transform_indices = #map1}, {transform_indices = #map}, {transform_indices = #map}, {transform_indices = #map1}]} {
    %jit3A = arith.constant 8 : i32
    %div3A = arith.divsi %arg1, %jit3A : i32
    %sign3A = arith.constant 0 : i32
    %sign3A_0 = arith.cmpi sgt, %arg1, %sign3A : i32
    %sign3A_1 = arith.extui %sign3A_0 : i1 to i32
    %sign3A_2 = arith.constant 0 : i32
    %sign3A_3 = arith.cmpi slt, %arg1, %sign3A_2 : i32
    %sign3A_4 = arith.extui %sign3A_3 : i1 to i32
    %sign3A_5 = arith.subi %sign3A_1, %sign3A_4 : i32
    %sign3A_6 = arith.constant 0 : i32
    %sign3A_7 = arith.cmpi sgt, %jit3A, %sign3A_6 : i32
    %sign3A_8 = arith.extui %sign3A_7 : i1 to i32
    %sign3A_9 = arith.constant 0 : i32
    %sign3A_10 = arith.cmpi slt, %jit3A, %sign3A_9 : i32
    %sign3A_11 = arith.extui %sign3A_10 : i1 to i32
    %sign3A_12 = arith.subi %sign3A_8, %sign3A_11 : i32
    %ne3A = arith.cmpi ne, %sign3A_5, %sign3A_12 : i32
    %rem3A = arith.remsi %arg1, %jit3A : i32
    %ne3A_13 = arith.constant 0 : i32
    %ne3A_14 = arith.cmpi ne, %rem3A, %ne3A_13 : i32
    %and3A = arith.andi %ne3A, %ne3A_14 : i1
    %sub3A = arith.constant 1 : i32
    %sub3A_15 = arith.subi %div3A, %sub3A : i32
    %select_n3A = arith.select %and3A, %sub3A_15, %div3A : i32
    %mul3A = arith.constant 2 : i32
    %mul3A_16 = arith.muli %mul3A, %arg0 : i32
    %add3A = arith.addi %mul3A_16, %select_n3A : i32
    %jit3A_17 = arith.constant 8 : i32
    %eq3A = arith.constant 0 : i32
    %eq3A_18 = arith.cmpi eq, %jit3A_17, %eq3A : i32
    %jit3A_19 = arith.constant 1 : i32
    %select_n3A_20 = arith.select %eq3A_18, %jit3A_19, %jit3A_17 : i32
    %rem3A_21 = arith.remsi %arg1, %select_n3A_20 : i32
    %ne3A_22 = arith.constant 0 : i32
    %ne3A_23 = arith.cmpi ne, %rem3A_21, %ne3A_22 : i32
    %lt3A = arith.constant 0 : i32
    %lt3A_24 = arith.cmpi slt, %rem3A_21, %lt3A : i32
    %lt3A_25 = arith.constant 0 : i32
    %lt3A_26 = arith.cmpi slt, %select_n3A_20, %lt3A_25 : i32
    %ne3A_27 = arith.xori %lt3A_24, %lt3A_26 : i1
    %and3A_28 = arith.andi %ne3A_27, %ne3A_23 : i1
    %add3A_29 = arith.addi %rem3A_21, %select_n3A_20 : i32
    %select_n3A_30 = arith.select %and3A_28, %add3A_29, %rem3A_21 : i32
    %eq3A_31 = arith.constant 0 : i32
    %eq3A_32 = arith.cmpi eq, %select_n3A_30, %eq3A_31 : i32
    %convert_element_type3A = arith.extui %eq3A_32 : i1 to i32
    %cond3A = arith.constant 0 : i32
    %cond3A_33 = arith.cmpi ne, %convert_element_type3A, %cond3A : i32
    scf.if %cond3A_33 {
      %mul3A_233 = arith.constant 8192 : i32
      %mul3A_234 = arith.muli %add3A, %mul3A_233 : i32
      "tpu.region"() ({
        %run_scoped3A = tpu.sem_alloc : memref<!tpu.dma_semaphore, #tpu.memory_space<semaphore_mem>>
        %dma_start3A_246 = tpu.memref_slice %arg2[%mul3A_234] : memref<32768xi32, #tpu.memory_space<hbm>> -> memref<8192xi32, #tpu.memory_space<hbm>>
        %dma_start3A_247 = tpu.memref_slice %arg2[%mul3A_234] : memref<32768xi32, #tpu.memory_space<hbm>> -> memref<8192xi32, #tpu.memory_space<hbm>>
        tpu.enqueue_dma source(%dma_start3A_247 : memref<8192xi32, #tpu.memory_space<hbm>>) target(%arg8 : memref<8192xi32, #tpu.memory_space<vmem>>) target_semaphore(%run_scoped3A : memref<!tpu.dma_semaphore, #tpu.memory_space<semaphore_mem>>)
        %dma_wait3A_248 = tpu.memref_slice %arg2[%mul3A_234] : memref<32768xi32, #tpu.memory_space<hbm>> -> memref<8192xi32, #tpu.memory_space<hbm>>
        %dma_wait3A_249 = tpu.memref_slice %arg2[%mul3A_234] : memref<32768xi32, #tpu.memory_space<hbm>> -> memref<8192xi32, #tpu.memory_space<hbm>>
        tpu.wait_dma2 semaphore(%run_scoped3A : memref<!tpu.dma_semaphore, #tpu.memory_space<semaphore_mem>>) src(%dma_wait3A_249 : memref<8192xi32, #tpu.memory_space<hbm>>) dst(%arg8 : memref<8192xi32, #tpu.memory_space<vmem>>)
        tpu.yield
      }) : () -> ()
      %mul3A_235 = arith.constant 8192 : i32
      %mul3A_236 = arith.muli %add3A, %mul3A_235 : i32
      "tpu.region"() ({
        %run_scoped3A = tpu.sem_alloc : memref<!tpu.dma_semaphore, #tpu.memory_space<semaphore_mem>>
        %dma_start3A_246 = tpu.memref_slice %arg3[%mul3A_236] : memref<32768xi32, #tpu.memory_space<hbm>> -> memref<8192xi32, #tpu.memory_space<hbm>>
        %dma_start3A_247 = tpu.memref_slice %arg3[%mul3A_236] : memref<32768xi32, #tpu.memory_space<hbm>> -> memref<8192xi32, #tpu.memory_space<hbm>>
        tpu.enqueue_dma source(%dma_start3A_247 : memref<8192xi32, #tpu.memory_space<hbm>>) target(%arg9 : memref<8192xi32, #tpu.memory_space<vmem>>) target_semaphore(%run_scoped3A : memref<!tpu.dma_semaphore, #tpu.memory_space<semaphore_mem>>)
        %dma_wait3A_248 = tpu.memref_slice %arg3[%mul3A_236] : memref<32768xi32, #tpu.memory_space<hbm>> -> memref<8192xi32, #tpu.memory_space<hbm>>
        %dma_wait3A_249 = tpu.memref_slice %arg3[%mul3A_236] : memref<32768xi32, #tpu.memory_space<hbm>> -> memref<8192xi32, #tpu.memory_space<hbm>>
        tpu.wait_dma2 semaphore(%run_scoped3A : memref<!tpu.dma_semaphore, #tpu.memory_space<semaphore_mem>>) src(%dma_wait3A_249 : memref<8192xi32, #tpu.memory_space<hbm>>) dst(%arg9 : memref<8192xi32, #tpu.memory_space<vmem>>)
        tpu.yield
      }) : () -> ()
      %iota3A = tpu.iota {dimensions = array<i32: 0>} : vector<16xi32>
      %scan3A = arith.constant 0 : i32
      %scan3A_237 = arith.constant 0 : i32
      %scan3A_238 = arith.constant 512 : i32
      %scan3A_239 = arith.addi %scan3A_237, %scan3A_238 : i32
      %scan3A_240 = arith.constant 1 : i32
      scf.for %scan3A_246 = %scan3A_237 to %scan3A_239 step %scan3A_240  : i32 {
        %mul3A_247 = arith.constant 16 : i32
        %mul3A_248 = arith.muli %scan3A_246, %mul3A_247 : i32
        %get3A = arith.index_cast %mul3A_248 : i32 to index
        %get3A_249 = tpu.vector_load %arg8[%get3A] {strides = array<i32>} : memref<8192xi32, #tpu.memory_space<vmem>>, vector<16xi32>,
        %mul3A_250 = arith.constant 16 : i32
        %mul3A_251 = arith.muli %scan3A_246, %mul3A_250 : i32
        %get3A_252 = arith.index_cast %mul3A_251 : i32 to index
        %get3A_253 = tpu.vector_load %arg9[%get3A_252] {strides = array<i32>} : memref<8192xi32, #tpu.memory_space<vmem>>, vector<16xi32>,
        %mul3A_254 = arith.constant 16 : i32
        %mul3A_255 = arith.muli %scan3A_246, %mul3A_254 : i32
        %add3A_256 = vector.broadcast %mul3A_255 : i32 to vector<16xi32>
        %add3A_257 = arith.addi %iota3A, %add3A_256 : vector<16xi32>
        %ne3A_258 = arith.constant 0 : i32
        %ne3A_259 = vector.broadcast %ne3A_258 : i32 to vector<16xi32>
        %ne3A_260 = arith.cmpi ne, %get3A_249, %ne3A_259 : vector<16xi32>
        tpu.vector_store_idx %arg10[%get3A_253], %add3A_257 masked %ne3A_260 : memref<4096xi32, #tpu.memory_space<vmem>>[vector<16xi32>], vector<16xi32>, vector<16xi1>
        %mul3A_261 = arith.constant 8192 : i32
        %mul3A_262 = arith.muli %add3A, %mul3A_261 : i32
        %add3A_263 = vector.broadcast %mul3A_262 : i32 to vector<16xi32>
        %add3A_264 = arith.addi %add3A_257, %add3A_263 : vector<16xi32>
        tpu.vector_store_idx %arg11[%get3A_253], %add3A_264 masked %ne3A_260 : memref<4096xi32, #tpu.memory_space<vmem>>[vector<16xi32>], vector<16xi32>, vector<16xi1>
      }
      %scan3A_241 = arith.constant 512 : i32
      %mul3A_242 = arith.constant 4096 : i32
      %mul3A_243 = arith.muli %add3A, %mul3A_242 : i32
      "tpu.region"() ({
        %run_scoped3A = tpu.sem_alloc : memref<!tpu.dma_semaphore, #tpu.memory_space<semaphore_mem>>
        %dma_start3A_246 = tpu.memref_slice %arg5[%mul3A_243] : memref<16384xi32, #tpu.memory_space<hbm>> -> memref<4096xi32, #tpu.memory_space<hbm>>
        %dma_start3A_247 = tpu.memref_slice %arg5[%mul3A_243] : memref<16384xi32, #tpu.memory_space<hbm>> -> memref<4096xi32, #tpu.memory_space<hbm>>
        tpu.enqueue_dma source(%arg10 : memref<4096xi32, #tpu.memory_space<vmem>>) target(%dma_start3A_247 : memref<4096xi32, #tpu.memory_space<hbm>>) target_semaphore(%run_scoped3A : memref<!tpu.dma_semaphore, #tpu.memory_space<semaphore_mem>>)
        %dma_wait3A_248 = tpu.memref_slice %arg5[%mul3A_243] : memref<16384xi32, #tpu.memory_space<hbm>> -> memref<4096xi32, #tpu.memory_space<hbm>>
        %dma_wait3A_249 = tpu.memref_slice %arg5[%mul3A_243] : memref<16384xi32, #tpu.memory_space<hbm>> -> memref<4096xi32, #tpu.memory_space<hbm>>
        tpu.wait_dma2 semaphore(%run_scoped3A : memref<!tpu.dma_semaphore, #tpu.memory_space<semaphore_mem>>) src(%arg10 : memref<4096xi32, #tpu.memory_space<vmem>>) dst(%dma_wait3A_249 : memref<4096xi32, #tpu.memory_space<hbm>>)
        tpu.yield
      }) : () -> ()
      %mul3A_244 = arith.constant 4096 : i32
      %mul3A_245 = arith.muli %add3A, %mul3A_244 : i32
      "tpu.region"() ({
        %run_scoped3A = tpu.sem_alloc : memref<!tpu.dma_semaphore, #tpu.memory_space<semaphore_mem>>
        %dma_start3A_246 = tpu.memref_slice %arg6[%mul3A_245] : memref<16384xi32, #tpu.memory_space<hbm>> -> memref<4096xi32, #tpu.memory_space<hbm>>
        %dma_start3A_247 = tpu.memref_slice %arg6[%mul3A_245] : memref<16384xi32, #tpu.memory_space<hbm>> -> memref<4096xi32, #tpu.memory_space<hbm>>
        tpu.enqueue_dma source(%arg11 : memref<4096xi32, #tpu.memory_space<vmem>>) target(%dma_start3A_247 : memref<4096xi32, #tpu.memory_space<hbm>>) target_semaphore(%run_scoped3A : memref<!tpu.dma_semaphore, #tpu.memory_space<semaphore_mem>>)
        %dma_wait3A_248 = tpu.memref_slice %arg6[%mul3A_245] : memref<16384xi32, #tpu.memory_space<hbm>> -> memref<4096xi32, #tpu.memory_space<hbm>>
        %dma_wait3A_249 = tpu.memref_slice %arg6[%mul3A_245] : memref<16384xi32, #tpu.memory_space<hbm>> -> memref<4096xi32, #tpu.memory_space<hbm>>
        tpu.wait_dma2 semaphore(%run_scoped3A : memref<!tpu.dma_semaphore, #tpu.memory_space<semaphore_mem>>) src(%arg11 : memref<4096xi32, #tpu.memory_space<vmem>>) dst(%dma_wait3A_249 : memref<4096xi32, #tpu.memory_space<hbm>>)
        tpu.yield
      }) : () -> ()
    } else {
    }
    %barrier3A = arith.constant 0 : index
    tpu.barrier barrier_id(%barrier3A)
    %mul3A_34 = arith.constant 4096 : i32
    %mul3A_35 = arith.muli %add3A, %mul3A_34 : i32
    %mul3A_36 = arith.constant 512 : i32
    %mul3A_37 = arith.muli %select_n3A_30, %mul3A_36 : i32
    %add3A_38 = arith.addi %mul3A_35, %mul3A_37 : i32
    %dma_start3A = tpu.memref_slice %arg6[%add3A_38] : memref<16384xi32, #tpu.memory_space<hbm>> -> memref<512xi32, #tpu.memory_space<hbm>>
    %dma_start3A_39 = tpu.memref_slice %arg6[%add3A_38] : memref<16384xi32, #tpu.memory_space<hbm>> -> memref<512xi32, #tpu.memory_space<hbm>>
    tpu.enqueue_dma source(%dma_start3A_39 : memref<512xi32, #tpu.memory_space<hbm>>) target(%arg12 : memref<512xi32, #tpu.memory_space<vmem>>) target_semaphore(%arg15 : memref<!tpu.dma_semaphore, #tpu.memory_space<semaphore_mem>>)
    %dma_wait3A = tpu.memref_slice %arg6[%add3A_38] : memref<16384xi32, #tpu.memory_space<hbm>> -> memref<512xi32, #tpu.memory_space<hbm>>
    %dma_wait3A_40 = tpu.memref_slice %arg6[%add3A_38] : memref<16384xi32, #tpu.memory_space<hbm>> -> memref<512xi32, #tpu.memory_space<hbm>>
    tpu.wait_dma2 semaphore(%arg15 : memref<!tpu.dma_semaphore, #tpu.memory_space<semaphore_mem>>) src(%dma_wait3A_40 : memref<512xi32, #tpu.memory_space<hbm>>) dst(%arg12 : memref<512xi32, #tpu.memory_space<vmem>>)
    %dma_start3A_41 = arith.constant 0 : i32
    %dma_start3A_42 = tpu.memref_slice %arg12[%dma_start3A_41] : memref<512xi32, #tpu.memory_space<vmem>> -> memref<32xi32, #tpu.memory_space<vmem>>
    %dma_start3A_43 = arith.constant 0 : i32
    %dma_start3A_44 = arith.constant 0 : i32
    %dma_start3A_45 = tpu.memref_slice %arg4[%dma_start3A_43, %dma_start3A_44] : memref<32768x1024xf32, #tpu.memory_space<hbm>> -> memref<32768x1024xf32, #tpu.memory_space<hbm>>
    tpu.enqueue_indirect_dma source(%dma_start3A_45 : memref<32768x1024xf32, #tpu.memory_space<hbm>>) target(%arg13 : memref<32x1024xf32, #tpu.memory_space<vmem>>) offsets(%dma_start3A_42 : memref<32xi32, #tpu.memory_space<vmem>>) semaphore(%arg16 : memref<!tpu.dma_semaphore, #tpu.memory_space<semaphore_mem>>)
    %dma_wait3A_46 = arith.constant 0 : i32
    %dma_wait3A_47 = tpu.memref_slice %arg12[%dma_wait3A_46] : memref<512xi32, #tpu.memory_space<vmem>> -> memref<32xi32, #tpu.memory_space<vmem>>
    %dma_wait3A_48 = arith.constant 0 : i32
    %dma_wait3A_49 = arith.constant 0 : i32
    %dma_wait3A_50 = tpu.memref_slice %arg4[%dma_wait3A_48, %dma_wait3A_49] : memref<32768x1024xf32, #tpu.memory_space<hbm>> -> memref<32768x1024xf32, #tpu.memory_space<hbm>>
    tpu.wait_indirect_dma semaphore(%arg16 : memref<!tpu.dma_semaphore, #tpu.memory_space<semaphore_mem>>) src(%dma_wait3A_50 : memref<32768x1024xf32, #tpu.memory_space<hbm>>) dst(%arg13 : memref<32x1024xf32, #tpu.memory_space<vmem>>)
    %dma_start3A_51 = arith.constant 32 : i32
    %dma_start3A_52 = tpu.memref_slice %arg12[%dma_start3A_51] : memref<512xi32, #tpu.memory_space<vmem>> -> memref<32xi32, #tpu.memory_space<vmem>>
    %dma_start3A_53 = arith.constant 0 : i32
    %dma_start3A_54 = arith.constant 0 : i32
    %dma_start3A_55 = tpu.memref_slice %arg4[%dma_start3A_53, %dma_start3A_54] : memref<32768x1024xf32, #tpu.memory_space<hbm>> -> memref<32768x1024xf32, #tpu.memory_space<hbm>>
    tpu.enqueue_indirect_dma source(%dma_start3A_55 : memref<32768x1024xf32, #tpu.memory_space<hbm>>) target(%arg14 : memref<32x1024xf32, #tpu.memory_space<vmem>>) offsets(%dma_start3A_52 : memref<32xi32, #tpu.memory_space<vmem>>) semaphore(%arg17 : memref<!tpu.dma_semaphore, #tpu.memory_space<semaphore_mem>>)
    %add3A_56 = arith.constant 0 : i32
    %add3A_57 = arith.addi %add3A_38, %add3A_56 : i32
    "tpu.region"() ({
      %run_scoped3A = tpu.sem_alloc : memref<!tpu.dma_semaphore, #tpu.memory_space<semaphore_mem>>
      %dma_start3A_233 = arith.constant 0 : i32
      %dma_start3A_234 = tpu.memref_slice %arg7[%add3A_57, %dma_start3A_233] : memref<16384x1024xf32, #tpu.memory_space<hbm>> -> memref<32x1024xf32, #tpu.memory_space<hbm>>
      %dma_start3A_235 = arith.constant 0 : i32
      %dma_start3A_236 = tpu.memref_slice %arg7[%add3A_57, %dma_start3A_235] : memref<16384x1024xf32, #tpu.memory_space<hbm>> -> memref<32x1024xf32, #tpu.memory_space<hbm>>
      tpu.enqueue_dma source(%arg13 : memref<32x1024xf32, #tpu.memory_space<vmem>>) target(%dma_start3A_236 : memref<32x1024xf32, #tpu.memory_space<hbm>>) target_semaphore(%run_scoped3A : memref<!tpu.dma_semaphore, #tpu.memory_space<semaphore_mem>>)
      %dma_wait3A_237 = arith.constant 0 : i32
      %dma_wait3A_238 = tpu.memref_slice %arg7[%add3A_57, %dma_wait3A_237] : memref<16384x1024xf32, #tpu.memory_space<hbm>> -> memref<32x1024xf32, #tpu.memory_space<hbm>>
      %dma_wait3A_239 = arith.constant 0 : i32
      %dma_wait3A_240 = tpu.memref_slice %arg7[%add3A_57, %dma_wait3A_239] : memref<16384x1024xf32, #tpu.memory_space<hbm>> -> memref<32x1024xf32, #tpu.memory_space<hbm>>
      tpu.wait_dma2 semaphore(%run_scoped3A : memref<!tpu.dma_semaphore, #tpu.memory_space<semaphore_mem>>) src(%arg13 : memref<32x1024xf32, #tpu.memory_space<vmem>>) dst(%dma_wait3A_240 : memref<32x1024xf32, #tpu.memory_space<hbm>>)
      tpu.yield
    }) : () -> ()
    %dma_wait3A_58 = arith.constant 32 : i32
    %dma_wait3A_59 = tpu.memref_slice %arg12[%dma_wait3A_58] : memref<512xi32, #tpu.memory_space<vmem>> -> memref<32xi32, #tpu.memory_space<vmem>>
    %dma_wait3A_60 = arith.constant 0 : i32
    %dma_wait3A_61 = arith.constant 0 : i32
    %dma_wait3A_62 = tpu.memref_slice %arg4[%dma_wait3A_60, %dma_wait3A_61] : memref<32768x1024xf32, #tpu.memory_space<hbm>> -> memref<32768x1024xf32, #tpu.memory_space<hbm>>
    tpu.wait_indirect_dma semaphore(%arg17 : memref<!tpu.dma_semaphore, #tpu.memory_space<semaphore_mem>>) src(%dma_wait3A_62 : memref<32768x1024xf32, #tpu.memory_space<hbm>>) dst(%arg14 : memref<32x1024xf32, #tpu.memory_space<vmem>>)
    %dma_start3A_63 = arith.constant 64 : i32
    %dma_start3A_64 = tpu.memref_slice %arg12[%dma_start3A_63] : memref<512xi32, #tpu.memory_space<vmem>> -> memref<32xi32, #tpu.memory_space<vmem>>
    %dma_start3A_65 = arith.constant 0 : i32
    %dma_start3A_66 = arith.constant 0 : i32
    %dma_start3A_67 = tpu.memref_slice %arg4[%dma_start3A_65, %dma_start3A_66] : memref<32768x1024xf32, #tpu.memory_space<hbm>> -> memref<32768x1024xf32, #tpu.memory_space<hbm>>
    tpu.enqueue_indirect_dma source(%dma_start3A_67 : memref<32768x1024xf32, #tpu.memory_space<hbm>>) target(%arg13 : memref<32x1024xf32, #tpu.memory_space<vmem>>) offsets(%dma_start3A_64 : memref<32xi32, #tpu.memory_space<vmem>>) semaphore(%arg16 : memref<!tpu.dma_semaphore, #tpu.memory_space<semaphore_mem>>)
    %add3A_68 = arith.constant 32 : i32
    %add3A_69 = arith.addi %add3A_38, %add3A_68 : i32
    "tpu.region"() ({
      %run_scoped3A = tpu.sem_alloc : memref<!tpu.dma_semaphore, #tpu.memory_space<semaphore_mem>>
      %dma_start3A_233 = arith.constant 0 : i32
      %dma_start3A_234 = tpu.memref_slice %arg7[%add3A_69, %dma_start3A_233] : memref<16384x1024xf32, #tpu.memory_space<hbm>> -> memref<32x1024xf32, #tpu.memory_space<hbm>>
      %dma_start3A_235 = arith.constant 0 : i32
      %dma_start3A_236 = tpu.memref_slice %arg7[%add3A_69, %dma_start3A_235] : memref<16384x1024xf32, #tpu.memory_space<hbm>> -> memref<32x1024xf32, #tpu.memory_space<hbm>>
      tpu.enqueue_dma source(%arg14 : memref<32x1024xf32, #tpu.memory_space<vmem>>) target(%dma_start3A_236 : memref<32x1024xf32, #tpu.memory_space<hbm>>) target_semaphore(%run_scoped3A : memref<!tpu.dma_semaphore, #tpu.memory_space<semaphore_mem>>)
      %dma_wait3A_237 = arith.constant 0 : i32
      %dma_wait3A_238 = tpu.memref_slice %arg7[%add3A_69, %dma_wait3A_237] : memref<16384x1024xf32, #tpu.memory_space<hbm>> -> memref<32x1024xf32, #tpu.memory_space<hbm>>
      %dma_wait3A_239 = arith.constant 0 : i32
      %dma_wait3A_240 = tpu.memref_slice %arg7[%add3A_69, %dma_wait3A_239] : memref<16384x1024xf32, #tpu.memory_space<hbm>> -> memref<32x1024xf32, #tpu.memory_space<hbm>>
      tpu.wait_dma2 semaphore(%run_scoped3A : memref<!tpu.dma_semaphore, #tpu.memory_space<semaphore_mem>>) src(%arg14 : memref<32x1024xf32, #tpu.memory_space<vmem>>) dst(%dma_wait3A_240 : memref<32x1024xf32, #tpu.memory_space<hbm>>)
      tpu.yield
    }) : () -> ()
    %dma_wait3A_70 = arith.constant 64 : i32
    %dma_wait3A_71 = tpu.memref_slice %arg12[%dma_wait3A_70] : memref<512xi32, #tpu.memory_space<vmem>> -> memref<32xi32, #tpu.memory_space<vmem>>
    %dma_wait3A_72 = arith.constant 0 : i32
    %dma_wait3A_73 = arith.constant 0 : i32
    %dma_wait3A_74 = tpu.memref_slice %arg4[%dma_wait3A_72, %dma_wait3A_73] : memref<32768x1024xf32, #tpu.memory_space<hbm>> -> memref<32768x1024xf32, #tpu.memory_space<hbm>>
    tpu.wait_indirect_dma semaphore(%arg16 : memref<!tpu.dma_semaphore, #tpu.memory_space<semaphore_mem>>) src(%dma_wait3A_74 : memref<32768x1024xf32, #tpu.memory_space<hbm>>) dst(%arg13 : memref<32x1024xf32, #tpu.memory_space<vmem>>)
    %dma_start3A_75 = arith.constant 96 : i32
    %dma_start3A_76 = tpu.memref_slice %arg12[%dma_start3A_75] : memref<512xi32, #tpu.memory_space<vmem>> -> memref<32xi32, #tpu.memory_space<vmem>>
    %dma_start3A_77 = arith.constant 0 : i32
    %dma_start3A_78 = arith.constant 0 : i32
    %dma_start3A_79 = tpu.memref_slice %arg4[%dma_start3A_77, %dma_start3A_78] : memref<32768x1024xf32, #tpu.memory_space<hbm>> -> memref<32768x1024xf32, #tpu.memory_space<hbm>>
    tpu.enqueue_indirect_dma source(%dma_start3A_79 : memref<32768x1024xf32, #tpu.memory_space<hbm>>) target(%arg14 : memref<32x1024xf32, #tpu.memory_space<vmem>>) offsets(%dma_start3A_76 : memref<32xi32, #tpu.memory_space<vmem>>) semaphore(%arg17 : memref<!tpu.dma_semaphore, #tpu.memory_space<semaphore_mem>>)
    %add3A_80 = arith.constant 64 : i32
    %add3A_81 = arith.addi %add3A_38, %add3A_80 : i32
    "tpu.region"() ({
      %run_scoped3A = tpu.sem_alloc : memref<!tpu.dma_semaphore, #tpu.memory_space<semaphore_mem>>
      %dma_start3A_233 = arith.constant 0 : i32
      %dma_start3A_234 = tpu.memref_slice %arg7[%add3A_81, %dma_start3A_233] : memref<16384x1024xf32, #tpu.memory_space<hbm>> -> memref<32x1024xf32, #tpu.memory_space<hbm>>
      %dma_start3A_235 = arith.constant 0 : i32
      %dma_start3A_236 = tpu.memref_slice %arg7[%add3A_81, %dma_start3A_235] : memref<16384x1024xf32, #tpu.memory_space<hbm>> -> memref<32x1024xf32, #tpu.memory_space<hbm>>
      tpu.enqueue_dma source(%arg13 : memref<32x1024xf32, #tpu.memory_space<vmem>>) target(%dma_start3A_236 : memref<32x1024xf32, #tpu.memory_space<hbm>>) target_semaphore(%run_scoped3A : memref<!tpu.dma_semaphore, #tpu.memory_space<semaphore_mem>>)
      %dma_wait3A_237 = arith.constant 0 : i32
      %dma_wait3A_238 = tpu.memref_slice %arg7[%add3A_81, %dma_wait3A_237] : memref<16384x1024xf32, #tpu.memory_space<hbm>> -> memref<32x1024xf32, #tpu.memory_space<hbm>>
      %dma_wait3A_239 = arith.constant 0 : i32
      %dma_wait3A_240 = tpu.memref_slice %arg7[%add3A_81, %dma_wait3A_239] : memref<16384x1024xf32, #tpu.memory_space<hbm>> -> memref<32x1024xf32, #tpu.memory_space<hbm>>
      tpu.wait_dma2 semaphore(%run_scoped3A : memref<!tpu.dma_semaphore, #tpu.memory_space<semaphore_mem>>) src(%arg13 : memref<32x1024xf32, #tpu.memory_space<vmem>>) dst(%dma_wait3A_240 : memref<32x1024xf32, #tpu.memory_space<hbm>>)
      tpu.yield
    }) : () -> ()
    %dma_wait3A_82 = arith.constant 96 : i32
    %dma_wait3A_83 = tpu.memref_slice %arg12[%dma_wait3A_82] : memref<512xi32, #tpu.memory_space<vmem>> -> memref<32xi32, #tpu.memory_space<vmem>>
    %dma_wait3A_84 = arith.constant 0 : i32
    %dma_wait3A_85 = arith.constant 0 : i32
    %dma_wait3A_86 = tpu.memref_slice %arg4[%dma_wait3A_84, %dma_wait3A_85] : memref<32768x1024xf32, #tpu.memory_space<hbm>> -> memref<32768x1024xf32, #tpu.memory_space<hbm>>
    tpu.wait_indirect_dma semaphore(%arg17 : memref<!tpu.dma_semaphore, #tpu.memory_space<semaphore_mem>>) src(%dma_wait3A_86 : memref<32768x1024xf32, #tpu.memory_space<hbm>>) dst(%arg14 : memref<32x1024xf32, #tpu.memory_space<vmem>>)
    %dma_start3A_87 = arith.constant 128 : i32
    %dma_start3A_88 = tpu.memref_slice %arg12[%dma_start3A_87] : memref<512xi32, #tpu.memory_space<vmem>> -> memref<32xi32, #tpu.memory_space<vmem>>
    %dma_start3A_89 = arith.constant 0 : i32
    %dma_start3A_90 = arith.constant 0 : i32
    %dma_start3A_91 = tpu.memref_slice %arg4[%dma_start3A_89, %dma_start3A_90] : memref<32768x1024xf32, #tpu.memory_space<hbm>> -> memref<32768x1024xf32, #tpu.memory_space<hbm>>
    tpu.enqueue_indirect_dma source(%dma_start3A_91 : memref<32768x1024xf32, #tpu.memory_space<hbm>>) target(%arg13 : memref<32x1024xf32, #tpu.memory_space<vmem>>) offsets(%dma_start3A_88 : memref<32xi32, #tpu.memory_space<vmem>>) semaphore(%arg16 : memref<!tpu.dma_semaphore, #tpu.memory_space<semaphore_mem>>)
    %add3A_92 = arith.constant 96 : i32
    %add3A_93 = arith.addi %add3A_38, %add3A_92 : i32
    "tpu.region"() ({
      %run_scoped3A = tpu.sem_alloc : memref<!tpu.dma_semaphore, #tpu.memory_space<semaphore_mem>>
      %dma_start3A_233 = arith.constant 0 : i32
      %dma_start3A_234 = tpu.memref_slice %arg7[%add3A_93, %dma_start3A_233] : memref<16384x1024xf32, #tpu.memory_space<hbm>> -> memref<32x1024xf32, #tpu.memory_space<hbm>>
      %dma_start3A_235 = arith.constant 0 : i32
      %dma_start3A_236 = tpu.memref_slice %arg7[%add3A_93, %dma_start3A_235] : memref<16384x1024xf32, #tpu.memory_space<hbm>> -> memref<32x1024xf32, #tpu.memory_space<hbm>>
      tpu.enqueue_dma source(%arg14 : memref<32x1024xf32, #tpu.memory_space<vmem>>) target(%dma_start3A_236 : memref<32x1024xf32, #tpu.memory_space<hbm>>) target_semaphore(%run_scoped3A : memref<!tpu.dma_semaphore, #tpu.memory_space<semaphore_mem>>)
      %dma_wait3A_237 = arith.constant 0 : i32
      %dma_wait3A_238 = tpu.memref_slice %arg7[%add3A_93, %dma_wait3A_237] : memref<16384x1024xf32, #tpu.memory_space<hbm>> -> memref<32x1024xf32, #tpu.memory_space<hbm>>
      %dma_wait3A_239 = arith.constant 0 : i32
      %dma_wait3A_240 = tpu.memref_slice %arg7[%add3A_93, %dma_wait3A_239] : memref<16384x1024xf32, #tpu.memory_space<hbm>> -> memref<32x1024xf32, #tpu.memory_space<hbm>>
      tpu.wait_dma2 semaphore(%run_scoped3A : memref<!tpu.dma_semaphore, #tpu.memory_space<semaphore_mem>>) src(%arg14 : memref<32x1024xf32, #tpu.memory_space<vmem>>) dst(%dma_wait3A_240 : memref<32x1024xf32, #tpu.memory_space<hbm>>)
      tpu.yield
    }) : () -> ()
    %dma_wait3A_94 = arith.constant 128 : i32
    %dma_wait3A_95 = tpu.memref_slice %arg12[%dma_wait3A_94] : memref<512xi32, #tpu.memory_space<vmem>> -> memref<32xi32, #tpu.memory_space<vmem>>
    %dma_wait3A_96 = arith.constant 0 : i32
    %dma_wait3A_97 = arith.constant 0 : i32
    %dma_wait3A_98 = tpu.memref_slice %arg4[%dma_wait3A_96, %dma_wait3A_97] : memref<32768x1024xf32, #tpu.memory_space<hbm>> -> memref<32768x1024xf32, #tpu.memory_space<hbm>>
    tpu.wait_indirect_dma semaphore(%arg16 : memref<!tpu.dma_semaphore, #tpu.memory_space<semaphore_mem>>) src(%dma_wait3A_98 : memref<32768x1024xf32, #tpu.memory_space<hbm>>) dst(%arg13 : memref<32x1024xf32, #tpu.memory_space<vmem>>)
    %dma_start3A_99 = arith.constant 160 : i32
    %dma_start3A_100 = tpu.memref_slice %arg12[%dma_start3A_99] : memref<512xi32, #tpu.memory_space<vmem>> -> memref<32xi32, #tpu.memory_space<vmem>>
    %dma_start3A_101 = arith.constant 0 : i32
    %dma_start3A_102 = arith.constant 0 : i32
    %dma_start3A_103 = tpu.memref_slice %arg4[%dma_start3A_101, %dma_start3A_102] : memref<32768x1024xf32, #tpu.memory_space<hbm>> -> memref<32768x1024xf32, #tpu.memory_space<hbm>>
    tpu.enqueue_indirect_dma source(%dma_start3A_103 : memref<32768x1024xf32, #tpu.memory_space<hbm>>) target(%arg14 : memref<32x1024xf32, #tpu.memory_space<vmem>>) offsets(%dma_start3A_100 : memref<32xi32, #tpu.memory_space<vmem>>) semaphore(%arg17 : memref<!tpu.dma_semaphore, #tpu.memory_space<semaphore_mem>>)
    %add3A_104 = arith.constant 128 : i32
    %add3A_105 = arith.addi %add3A_38, %add3A_104 : i32
    "tpu.region"() ({
      %run_scoped3A = tpu.sem_alloc : memref<!tpu.dma_semaphore, #tpu.memory_space<semaphore_mem>>
      %dma_start3A_233 = arith.constant 0 : i32
      %dma_start3A_234 = tpu.memref_slice %arg7[%add3A_105, %dma_start3A_233] : memref<16384x1024xf32, #tpu.memory_space<hbm>> -> memref<32x1024xf32, #tpu.memory_space<hbm>>
      %dma_start3A_235 = arith.constant 0 : i32
      %dma_start3A_236 = tpu.memref_slice %arg7[%add3A_105, %dma_start3A_235] : memref<16384x1024xf32, #tpu.memory_space<hbm>> -> memref<32x1024xf32, #tpu.memory_space<hbm>>
      tpu.enqueue_dma source(%arg13 : memref<32x1024xf32, #tpu.memory_space<vmem>>) target(%dma_start3A_236 : memref<32x1024xf32, #tpu.memory_space<hbm>>) target_semaphore(%run_scoped3A : memref<!tpu.dma_semaphore, #tpu.memory_space<semaphore_mem>>)
      %dma_wait3A_237 = arith.constant 0 : i32
      %dma_wait3A_238 = tpu.memref_slice %arg7[%add3A_105, %dma_wait3A_237] : memref<16384x1024xf32, #tpu.memory_space<hbm>> -> memref<32x1024xf32, #tpu.memory_space<hbm>>
      %dma_wait3A_239 = arith.constant 0 : i32
      %dma_wait3A_240 = tpu.memref_slice %arg7[%add3A_105, %dma_wait3A_239] : memref<16384x1024xf32, #tpu.memory_space<hbm>> -> memref<32x1024xf32, #tpu.memory_space<hbm>>
      tpu.wait_dma2 semaphore(%run_scoped3A : memref<!tpu.dma_semaphore, #tpu.memory_space<semaphore_mem>>) src(%arg13 : memref<32x1024xf32, #tpu.memory_space<vmem>>) dst(%dma_wait3A_240 : memref<32x1024xf32, #tpu.memory_space<hbm>>)
      tpu.yield
    }) : () -> ()
    %dma_wait3A_106 = arith.constant 160 : i32
    %dma_wait3A_107 = tpu.memref_slice %arg12[%dma_wait3A_106] : memref<512xi32, #tpu.memory_space<vmem>> -> memref<32xi32, #tpu.memory_space<vmem>>
    %dma_wait3A_108 = arith.constant 0 : i32
    %dma_wait3A_109 = arith.constant 0 : i32
    %dma_wait3A_110 = tpu.memref_slice %arg4[%dma_wait3A_108, %dma_wait3A_109] : memref<32768x1024xf32, #tpu.memory_space<hbm>> -> memref<32768x1024xf32, #tpu.memory_space<hbm>>
    tpu.wait_indirect_dma semaphore(%arg17 : memref<!tpu.dma_semaphore, #tpu.memory_space<semaphore_mem>>) src(%dma_wait3A_110 : memref<32768x1024xf32, #tpu.memory_space<hbm>>) dst(%arg14 : memref<32x1024xf32, #tpu.memory_space<vmem>>)
    %dma_start3A_111 = arith.constant 192 : i32
    %dma_start3A_112 = tpu.memref_slice %arg12[%dma_start3A_111] : memref<512xi32, #tpu.memory_space<vmem>> -> memref<32xi32, #tpu.memory_space<vmem>>
    %dma_start3A_113 = arith.constant 0 : i32
    %dma_start3A_114 = arith.constant 0 : i32
    %dma_start3A_115 = tpu.memref_slice %arg4[%dma_start3A_113, %dma_start3A_114] : memref<32768x1024xf32, #tpu.memory_space<hbm>> -> memref<32768x1024xf32, #tpu.memory_space<hbm>>
    tpu.enqueue_indirect_dma source(%dma_start3A_115 : memref<32768x1024xf32, #tpu.memory_space<hbm>>) target(%arg13 : memref<32x1024xf32, #tpu.memory_space<vmem>>) offsets(%dma_start3A_112 : memref<32xi32, #tpu.memory_space<vmem>>) semaphore(%arg16 : memref<!tpu.dma_semaphore, #tpu.memory_space<semaphore_mem>>)
    %add3A_116 = arith.constant 160 : i32
    %add3A_117 = arith.addi %add3A_38, %add3A_116 : i32
    "tpu.region"() ({
      %run_scoped3A = tpu.sem_alloc : memref<!tpu.dma_semaphore, #tpu.memory_space<semaphore_mem>>
      %dma_start3A_233 = arith.constant 0 : i32
      %dma_start3A_234 = tpu.memref_slice %arg7[%add3A_117, %dma_start3A_233] : memref<16384x1024xf32, #tpu.memory_space<hbm>> -> memref<32x1024xf32, #tpu.memory_space<hbm>>
      %dma_start3A_235 = arith.constant 0 : i32
      %dma_start3A_236 = tpu.memref_slice %arg7[%add3A_117, %dma_start3A_235] : memref<16384x1024xf32, #tpu.memory_space<hbm>> -> memref<32x1024xf32, #tpu.memory_space<hbm>>
      tpu.enqueue_dma source(%arg14 : memref<32x1024xf32, #tpu.memory_space<vmem>>) target(%dma_start3A_236 : memref<32x1024xf32, #tpu.memory_space<hbm>>) target_semaphore(%run_scoped3A : memref<!tpu.dma_semaphore, #tpu.memory_space<semaphore_mem>>)
      %dma_wait3A_237 = arith.constant 0 : i32
      %dma_wait3A_238 = tpu.memref_slice %arg7[%add3A_117, %dma_wait3A_237] : memref<16384x1024xf32, #tpu.memory_space<hbm>> -> memref<32x1024xf32, #tpu.memory_space<hbm>>
      %dma_wait3A_239 = arith.constant 0 : i32
      %dma_wait3A_240 = tpu.memref_slice %arg7[%add3A_117, %dma_wait3A_239] : memref<16384x1024xf32, #tpu.memory_space<hbm>> -> memref<32x1024xf32, #tpu.memory_space<hbm>>
      tpu.wait_dma2 semaphore(%run_scoped3A : memref<!tpu.dma_semaphore, #tpu.memory_space<semaphore_mem>>) src(%arg14 : memref<32x1024xf32, #tpu.memory_space<vmem>>) dst(%dma_wait3A_240 : memref<32x1024xf32, #tpu.memory_space<hbm>>)
      tpu.yield
    }) : () -> ()
    %dma_wait3A_118 = arith.constant 192 : i32
    %dma_wait3A_119 = tpu.memref_slice %arg12[%dma_wait3A_118] : memref<512xi32, #tpu.memory_space<vmem>> -> memref<32xi32, #tpu.memory_space<vmem>>
    %dma_wait3A_120 = arith.constant 0 : i32
    %dma_wait3A_121 = arith.constant 0 : i32
    %dma_wait3A_122 = tpu.memref_slice %arg4[%dma_wait3A_120, %dma_wait3A_121] : memref<32768x1024xf32, #tpu.memory_space<hbm>> -> memref<32768x1024xf32, #tpu.memory_space<hbm>>
    tpu.wait_indirect_dma semaphore(%arg16 : memref<!tpu.dma_semaphore, #tpu.memory_space<semaphore_mem>>) src(%dma_wait3A_122 : memref<32768x1024xf32, #tpu.memory_space<hbm>>) dst(%arg13 : memref<32x1024xf32, #tpu.memory_space<vmem>>)
    %dma_start3A_123 = arith.constant 224 : i32
    %dma_start3A_124 = tpu.memref_slice %arg12[%dma_start3A_123] : memref<512xi32, #tpu.memory_space<vmem>> -> memref<32xi32, #tpu.memory_space<vmem>>
    %dma_start3A_125 = arith.constant 0 : i32
    %dma_start3A_126 = arith.constant 0 : i32
    %dma_start3A_127 = tpu.memref_slice %arg4[%dma_start3A_125, %dma_start3A_126] : memref<32768x1024xf32, #tpu.memory_space<hbm>> -> memref<32768x1024xf32, #tpu.memory_space<hbm>>
    tpu.enqueue_indirect_dma source(%dma_start3A_127 : memref<32768x1024xf32, #tpu.memory_space<hbm>>) target(%arg14 : memref<32x1024xf32, #tpu.memory_space<vmem>>) offsets(%dma_start3A_124 : memref<32xi32, #tpu.memory_space<vmem>>) semaphore(%arg17 : memref<!tpu.dma_semaphore, #tpu.memory_space<semaphore_mem>>)
    %add3A_128 = arith.constant 192 : i32
    %add3A_129 = arith.addi %add3A_38, %add3A_128 : i32
    "tpu.region"() ({
      %run_scoped3A = tpu.sem_alloc : memref<!tpu.dma_semaphore, #tpu.memory_space<semaphore_mem>>
      %dma_start3A_233 = arith.constant 0 : i32
      %dma_start3A_234 = tpu.memref_slice %arg7[%add3A_129, %dma_start3A_233] : memref<16384x1024xf32, #tpu.memory_space<hbm>> -> memref<32x1024xf32, #tpu.memory_space<hbm>>
      %dma_start3A_235 = arith.constant 0 : i32
      %dma_start3A_236 = tpu.memref_slice %arg7[%add3A_129, %dma_start3A_235] : memref<16384x1024xf32, #tpu.memory_space<hbm>> -> memref<32x1024xf32, #tpu.memory_space<hbm>>
      tpu.enqueue_dma source(%arg13 : memref<32x1024xf32, #tpu.memory_space<vmem>>) target(%dma_start3A_236 : memref<32x1024xf32, #tpu.memory_space<hbm>>) target_semaphore(%run_scoped3A : memref<!tpu.dma_semaphore, #tpu.memory_space<semaphore_mem>>)
      %dma_wait3A_237 = arith.constant 0 : i32
      %dma_wait3A_238 = tpu.memref_slice %arg7[%add3A_129, %dma_wait3A_237] : memref<16384x1024xf32, #tpu.memory_space<hbm>> -> memref<32x1024xf32, #tpu.memory_space<hbm>>
      %dma_wait3A_239 = arith.constant 0 : i32
      %dma_wait3A_240 = tpu.memref_slice %arg7[%add3A_129, %dma_wait3A_239] : memref<16384x1024xf32, #tpu.memory_space<hbm>> -> memref<32x1024xf32, #tpu.memory_space<hbm>>
      tpu.wait_dma2 semaphore(%run_scoped3A : memref<!tpu.dma_semaphore, #tpu.memory_space<semaphore_mem>>) src(%arg13 : memref<32x1024xf32, #tpu.memory_space<vmem>>) dst(%dma_wait3A_240 : memref<32x1024xf32, #tpu.memory_space<hbm>>)
      tpu.yield
    }) : () -> ()
    %dma_wait3A_130 = arith.constant 224 : i32
    %dma_wait3A_131 = tpu.memref_slice %arg12[%dma_wait3A_130] : memref<512xi32, #tpu.memory_space<vmem>> -> memref<32xi32, #tpu.memory_space<vmem>>
    %dma_wait3A_132 = arith.constant 0 : i32
    %dma_wait3A_133 = arith.constant 0 : i32
    %dma_wait3A_134 = tpu.memref_slice %arg4[%dma_wait3A_132, %dma_wait3A_133] : memref<32768x1024xf32, #tpu.memory_space<hbm>> -> memref<32768x1024xf32, #tpu.memory_space<hbm>>
    tpu.wait_indirect_dma semaphore(%arg17 : memref<!tpu.dma_semaphore, #tpu.memory_space<semaphore_mem>>) src(%dma_wait3A_134 : memref<32768x1024xf32, #tpu.memory_space<hbm>>) dst(%arg14 : memref<32x1024xf32, #tpu.memory_space<vmem>>)
    %dma_start3A_135 = arith.constant 256 : i32
    %dma_start3A_136 = tpu.memref_slice %arg12[%dma_start3A_135] : memref<512xi32, #tpu.memory_space<vmem>> -> memref<32xi32, #tpu.memory_space<vmem>>
    %dma_start3A_137 = arith.constant 0 : i32
    %dma_start3A_138 = arith.constant 0 : i32
    %dma_start3A_139 = tpu.memref_slice %arg4[%dma_start3A_137, %dma_start3A_138] : memref<32768x1024xf32, #tpu.memory_space<hbm>> -> memref<32768x1024xf32, #tpu.memory_space<hbm>>
    tpu.enqueue_indirect_dma source(%dma_start3A_139 : memref<32768x1024xf32, #tpu.memory_space<hbm>>) target(%arg13 : memref<32x1024xf32, #tpu.memory_space<vmem>>) offsets(%dma_start3A_136 : memref<32xi32, #tpu.memory_space<vmem>>) semaphore(%arg16 : memref<!tpu.dma_semaphore, #tpu.memory_space<semaphore_mem>>)
    %add3A_140 = arith.constant 224 : i32
    %add3A_141 = arith.addi %add3A_38, %add3A_140 : i32
    "tpu.region"() ({
      %run_scoped3A = tpu.sem_alloc : memref<!tpu.dma_semaphore, #tpu.memory_space<semaphore_mem>>
      %dma_start3A_233 = arith.constant 0 : i32
      %dma_start3A_234 = tpu.memref_slice %arg7[%add3A_141, %dma_start3A_233] : memref<16384x1024xf32, #tpu.memory_space<hbm>> -> memref<32x1024xf32, #tpu.memory_space<hbm>>
      %dma_start3A_235 = arith.constant 0 : i32
      %dma_start3A_236 = tpu.memref_slice %arg7[%add3A_141, %dma_start3A_235] : memref<16384x1024xf32, #tpu.memory_space<hbm>> -> memref<32x1024xf32, #tpu.memory_space<hbm>>
      tpu.enqueue_dma source(%arg14 : memref<32x1024xf32, #tpu.memory_space<vmem>>) target(%dma_start3A_236 : memref<32x1024xf32, #tpu.memory_space<hbm>>) target_semaphore(%run_scoped3A : memref<!tpu.dma_semaphore, #tpu.memory_space<semaphore_mem>>)
      %dma_wait3A_237 = arith.constant 0 : i32
      %dma_wait3A_238 = tpu.memref_slice %arg7[%add3A_141, %dma_wait3A_237] : memref<16384x1024xf32, #tpu.memory_space<hbm>> -> memref<32x1024xf32, #tpu.memory_space<hbm>>
      %dma_wait3A_239 = arith.constant 0 : i32
      %dma_wait3A_240 = tpu.memref_slice %arg7[%add3A_141, %dma_wait3A_239] : memref<16384x1024xf32, #tpu.memory_space<hbm>> -> memref<32x1024xf32, #tpu.memory_space<hbm>>
      tpu.wait_dma2 semaphore(%run_scoped3A : memref<!tpu.dma_semaphore, #tpu.memory_space<semaphore_mem>>) src(%arg14 : memref<32x1024xf32, #tpu.memory_space<vmem>>) dst(%dma_wait3A_240 : memref<32x1024xf32, #tpu.memory_space<hbm>>)
      tpu.yield
    }) : () -> ()
    %dma_wait3A_142 = arith.constant 256 : i32
    %dma_wait3A_143 = tpu.memref_slice %arg12[%dma_wait3A_142] : memref<512xi32, #tpu.memory_space<vmem>> -> memref<32xi32, #tpu.memory_space<vmem>>
    %dma_wait3A_144 = arith.constant 0 : i32
    %dma_wait3A_145 = arith.constant 0 : i32
    %dma_wait3A_146 = tpu.memref_slice %arg4[%dma_wait3A_144, %dma_wait3A_145] : memref<32768x1024xf32, #tpu.memory_space<hbm>> -> memref<32768x1024xf32, #tpu.memory_space<hbm>>
    tpu.wait_indirect_dma semaphore(%arg16 : memref<!tpu.dma_semaphore, #tpu.memory_space<semaphore_mem>>) src(%dma_wait3A_146 : memref<32768x1024xf32, #tpu.memory_space<hbm>>) dst(%arg13 : memref<32x1024xf32, #tpu.memory_space<vmem>>)
    %dma_start3A_147 = arith.constant 288 : i32
    %dma_start3A_148 = tpu.memref_slice %arg12[%dma_start3A_147] : memref<512xi32, #tpu.memory_space<vmem>> -> memref<32xi32, #tpu.memory_space<vmem>>
    %dma_start3A_149 = arith.constant 0 : i32
    %dma_start3A_150 = arith.constant 0 : i32
    %dma_start3A_151 = tpu.memref_slice %arg4[%dma_start3A_149, %dma_start3A_150] : memref<32768x1024xf32, #tpu.memory_space<hbm>> -> memref<32768x1024xf32, #tpu.memory_space<hbm>>
    tpu.enqueue_indirect_dma source(%dma_start3A_151 : memref<32768x1024xf32, #tpu.memory_space<hbm>>) target(%arg14 : memref<32x1024xf32, #tpu.memory_space<vmem>>) offsets(%dma_start3A_148 : memref<32xi32, #tpu.memory_space<vmem>>) semaphore(%arg17 : memref<!tpu.dma_semaphore, #tpu.memory_space<semaphore_mem>>)
    %add3A_152 = arith.constant 256 : i32
    %add3A_153 = arith.addi %add3A_38, %add3A_152 : i32
    "tpu.region"() ({
      %run_scoped3A = tpu.sem_alloc : memref<!tpu.dma_semaphore, #tpu.memory_space<semaphore_mem>>
      %dma_start3A_233 = arith.constant 0 : i32
      %dma_start3A_234 = tpu.memref_slice %arg7[%add3A_153, %dma_start3A_233] : memref<16384x1024xf32, #tpu.memory_space<hbm>> -> memref<32x1024xf32, #tpu.memory_space<hbm>>
      %dma_start3A_235 = arith.constant 0 : i32
      %dma_start3A_236 = tpu.memref_slice %arg7[%add3A_153, %dma_start3A_235] : memref<16384x1024xf32, #tpu.memory_space<hbm>> -> memref<32x1024xf32, #tpu.memory_space<hbm>>
      tpu.enqueue_dma source(%arg13 : memref<32x1024xf32, #tpu.memory_space<vmem>>) target(%dma_start3A_236 : memref<32x1024xf32, #tpu.memory_space<hbm>>) target_semaphore(%run_scoped3A : memref<!tpu.dma_semaphore, #tpu.memory_space<semaphore_mem>>)
      %dma_wait3A_237 = arith.constant 0 : i32
      %dma_wait3A_238 = tpu.memref_slice %arg7[%add3A_153, %dma_wait3A_237] : memref<16384x1024xf32, #tpu.memory_space<hbm>> -> memref<32x1024xf32, #tpu.memory_space<hbm>>
      %dma_wait3A_239 = arith.constant 0 : i32
      %dma_wait3A_240 = tpu.memref_slice %arg7[%add3A_153, %dma_wait3A_239] : memref<16384x1024xf32, #tpu.memory_space<hbm>> -> memref<32x1024xf32, #tpu.memory_space<hbm>>
      tpu.wait_dma2 semaphore(%run_scoped3A : memref<!tpu.dma_semaphore, #tpu.memory_space<semaphore_mem>>) src(%arg13 : memref<32x1024xf32, #tpu.memory_space<vmem>>) dst(%dma_wait3A_240 : memref<32x1024xf32, #tpu.memory_space<hbm>>)
      tpu.yield
    }) : () -> ()
    %dma_wait3A_154 = arith.constant 288 : i32
    %dma_wait3A_155 = tpu.memref_slice %arg12[%dma_wait3A_154] : memref<512xi32, #tpu.memory_space<vmem>> -> memref<32xi32, #tpu.memory_space<vmem>>
    %dma_wait3A_156 = arith.constant 0 : i32
    %dma_wait3A_157 = arith.constant 0 : i32
    %dma_wait3A_158 = tpu.memref_slice %arg4[%dma_wait3A_156, %dma_wait3A_157] : memref<32768x1024xf32, #tpu.memory_space<hbm>> -> memref<32768x1024xf32, #tpu.memory_space<hbm>>
    tpu.wait_indirect_dma semaphore(%arg17 : memref<!tpu.dma_semaphore, #tpu.memory_space<semaphore_mem>>) src(%dma_wait3A_158 : memref<32768x1024xf32, #tpu.memory_space<hbm>>) dst(%arg14 : memref<32x1024xf32, #tpu.memory_space<vmem>>)
    %dma_start3A_159 = arith.constant 320 : i32
    %dma_start3A_160 = tpu.memref_slice %arg12[%dma_start3A_159] : memref<512xi32, #tpu.memory_space<vmem>> -> memref<32xi32, #tpu.memory_space<vmem>>
    %dma_start3A_161 = arith.constant 0 : i32
    %dma_start3A_162 = arith.constant 0 : i32
    %dma_start3A_163 = tpu.memref_slice %arg4[%dma_start3A_161, %dma_start3A_162] : memref<32768x1024xf32, #tpu.memory_space<hbm>> -> memref<32768x1024xf32, #tpu.memory_space<hbm>>
    tpu.enqueue_indirect_dma source(%dma_start3A_163 : memref<32768x1024xf32, #tpu.memory_space<hbm>>) target(%arg13 : memref<32x1024xf32, #tpu.memory_space<vmem>>) offsets(%dma_start3A_160 : memref<32xi32, #tpu.memory_space<vmem>>) semaphore(%arg16 : memref<!tpu.dma_semaphore, #tpu.memory_space<semaphore_mem>>)
    %add3A_164 = arith.constant 288 : i32
    %add3A_165 = arith.addi %add3A_38, %add3A_164 : i32
    "tpu.region"() ({
      %run_scoped3A = tpu.sem_alloc : memref<!tpu.dma_semaphore, #tpu.memory_space<semaphore_mem>>
      %dma_start3A_233 = arith.constant 0 : i32
      %dma_start3A_234 = tpu.memref_slice %arg7[%add3A_165, %dma_start3A_233] : memref<16384x1024xf32, #tpu.memory_space<hbm>> -> memref<32x1024xf32, #tpu.memory_space<hbm>>
      %dma_start3A_235 = arith.constant 0 : i32
      %dma_start3A_236 = tpu.memref_slice %arg7[%add3A_165, %dma_start3A_235] : memref<16384x1024xf32, #tpu.memory_space<hbm>> -> memref<32x1024xf32, #tpu.memory_space<hbm>>
      tpu.enqueue_dma source(%arg14 : memref<32x1024xf32, #tpu.memory_space<vmem>>) target(%dma_start3A_236 : memref<32x1024xf32, #tpu.memory_space<hbm>>) target_semaphore(%run_scoped3A : memref<!tpu.dma_semaphore, #tpu.memory_space<semaphore_mem>>)
      %dma_wait3A_237 = arith.constant 0 : i32
      %dma_wait3A_238 = tpu.memref_slice %arg7[%add3A_165, %dma_wait3A_237] : memref<16384x1024xf32, #tpu.memory_space<hbm>> -> memref<32x1024xf32, #tpu.memory_space<hbm>>
      %dma_wait3A_239 = arith.constant 0 : i32
      %dma_wait3A_240 = tpu.memref_slice %arg7[%add3A_165, %dma_wait3A_239] : memref<16384x1024xf32, #tpu.memory_space<hbm>> -> memref<32x1024xf32, #tpu.memory_space<hbm>>
      tpu.wait_dma2 semaphore(%run_scoped3A : memref<!tpu.dma_semaphore, #tpu.memory_space<semaphore_mem>>) src(%arg14 : memref<32x1024xf32, #tpu.memory_space<vmem>>) dst(%dma_wait3A_240 : memref<32x1024xf32, #tpu.memory_space<hbm>>)
      tpu.yield
    }) : () -> ()
    %dma_wait3A_166 = arith.constant 320 : i32
    %dma_wait3A_167 = tpu.memref_slice %arg12[%dma_wait3A_166] : memref<512xi32, #tpu.memory_space<vmem>> -> memref<32xi32, #tpu.memory_space<vmem>>
    %dma_wait3A_168 = arith.constant 0 : i32
    %dma_wait3A_169 = arith.constant 0 : i32
    %dma_wait3A_170 = tpu.memref_slice %arg4[%dma_wait3A_168, %dma_wait3A_169] : memref<32768x1024xf32, #tpu.memory_space<hbm>> -> memref<32768x1024xf32, #tpu.memory_space<hbm>>
    tpu.wait_indirect_dma semaphore(%arg16 : memref<!tpu.dma_semaphore, #tpu.memory_space<semaphore_mem>>) src(%dma_wait3A_170 : memref<32768x1024xf32, #tpu.memory_space<hbm>>) dst(%arg13 : memref<32x1024xf32, #tpu.memory_space<vmem>>)
    %dma_start3A_171 = arith.constant 352 : i32
    %dma_start3A_172 = tpu.memref_slice %arg12[%dma_start3A_171] : memref<512xi32, #tpu.memory_space<vmem>> -> memref<32xi32, #tpu.memory_space<vmem>>
    %dma_start3A_173 = arith.constant 0 : i32
    %dma_start3A_174 = arith.constant 0 : i32
    %dma_start3A_175 = tpu.memref_slice %arg4[%dma_start3A_173, %dma_start3A_174] : memref<32768x1024xf32, #tpu.memory_space<hbm>> -> memref<32768x1024xf32, #tpu.memory_space<hbm>>
    tpu.enqueue_indirect_dma source(%dma_start3A_175 : memref<32768x1024xf32, #tpu.memory_space<hbm>>) target(%arg14 : memref<32x1024xf32, #tpu.memory_space<vmem>>) offsets(%dma_start3A_172 : memref<32xi32, #tpu.memory_space<vmem>>) semaphore(%arg17 : memref<!tpu.dma_semaphore, #tpu.memory_space<semaphore_mem>>)
    %add3A_176 = arith.constant 320 : i32
    %add3A_177 = arith.addi %add3A_38, %add3A_176 : i32
    "tpu.region"() ({
      %run_scoped3A = tpu.sem_alloc : memref<!tpu.dma_semaphore, #tpu.memory_space<semaphore_mem>>
      %dma_start3A_233 = arith.constant 0 : i32
      %dma_start3A_234 = tpu.memref_slice %arg7[%add3A_177, %dma_start3A_233] : memref<16384x1024xf32, #tpu.memory_space<hbm>> -> memref<32x1024xf32, #tpu.memory_space<hbm>>
      %dma_start3A_235 = arith.constant 0 : i32
      %dma_start3A_236 = tpu.memref_slice %arg7[%add3A_177, %dma_start3A_235] : memref<16384x1024xf32, #tpu.memory_space<hbm>> -> memref<32x1024xf32, #tpu.memory_space<hbm>>
      tpu.enqueue_dma source(%arg13 : memref<32x1024xf32, #tpu.memory_space<vmem>>) target(%dma_start3A_236 : memref<32x1024xf32, #tpu.memory_space<hbm>>) target_semaphore(%run_scoped3A : memref<!tpu.dma_semaphore, #tpu.memory_space<semaphore_mem>>)
      %dma_wait3A_237 = arith.constant 0 : i32
      %dma_wait3A_238 = tpu.memref_slice %arg7[%add3A_177, %dma_wait3A_237] : memref<16384x1024xf32, #tpu.memory_space<hbm>> -> memref<32x1024xf32, #tpu.memory_space<hbm>>
      %dma_wait3A_239 = arith.constant 0 : i32
      %dma_wait3A_240 = tpu.memref_slice %arg7[%add3A_177, %dma_wait3A_239] : memref<16384x1024xf32, #tpu.memory_space<hbm>> -> memref<32x1024xf32, #tpu.memory_space<hbm>>
      tpu.wait_dma2 semaphore(%run_scoped3A : memref<!tpu.dma_semaphore, #tpu.memory_space<semaphore_mem>>) src(%arg13 : memref<32x1024xf32, #tpu.memory_space<vmem>>) dst(%dma_wait3A_240 : memref<32x1024xf32, #tpu.memory_space<hbm>>)
      tpu.yield
    }) : () -> ()
    %dma_wait3A_178 = arith.constant 352 : i32
    %dma_wait3A_179 = tpu.memref_slice %arg12[%dma_wait3A_178] : memref<512xi32, #tpu.memory_space<vmem>> -> memref<32xi32, #tpu.memory_space<vmem>>
    %dma_wait3A_180 = arith.constant 0 : i32
    %dma_wait3A_181 = arith.constant 0 : i32
    %dma_wait3A_182 = tpu.memref_slice %arg4[%dma_wait3A_180, %dma_wait3A_181] : memref<32768x1024xf32, #tpu.memory_space<hbm>> -> memref<32768x1024xf32, #tpu.memory_space<hbm>>
    tpu.wait_indirect_dma semaphore(%arg17 : memref<!tpu.dma_semaphore, #tpu.memory_space<semaphore_mem>>) src(%dma_wait3A_182 : memref<32768x1024xf32, #tpu.memory_space<hbm>>) dst(%arg14 : memref<32x1024xf32, #tpu.memory_space<vmem>>)
    %dma_start3A_183 = arith.constant 384 : i32
    %dma_start3A_184 = tpu.memref_slice %arg12[%dma_start3A_183] : memref<512xi32, #tpu.memory_space<vmem>> -> memref<32xi32, #tpu.memory_space<vmem>>
    %dma_start3A_185 = arith.constant 0 : i32
    %dma_start3A_186 = arith.constant 0 : i32
    %dma_start3A_187 = tpu.memref_slice %arg4[%dma_start3A_185, %dma_start3A_186] : memref<32768x1024xf32, #tpu.memory_space<hbm>> -> memref<32768x1024xf32, #tpu.memory_space<hbm>>
    tpu.enqueue_indirect_dma source(%dma_start3A_187 : memref<32768x1024xf32, #tpu.memory_space<hbm>>) target(%arg13 : memref<32x1024xf32, #tpu.memory_space<vmem>>) offsets(%dma_start3A_184 : memref<32xi32, #tpu.memory_space<vmem>>) semaphore(%arg16 : memref<!tpu.dma_semaphore, #tpu.memory_space<semaphore_mem>>)
    %add3A_188 = arith.constant 352 : i32
    %add3A_189 = arith.addi %add3A_38, %add3A_188 : i32
    "tpu.region"() ({
      %run_scoped3A = tpu.sem_alloc : memref<!tpu.dma_semaphore, #tpu.memory_space<semaphore_mem>>
      %dma_start3A_233 = arith.constant 0 : i32
      %dma_start3A_234 = tpu.memref_slice %arg7[%add3A_189, %dma_start3A_233] : memref<16384x1024xf32, #tpu.memory_space<hbm>> -> memref<32x1024xf32, #tpu.memory_space<hbm>>
      %dma_start3A_235 = arith.constant 0 : i32
      %dma_start3A_236 = tpu.memref_slice %arg7[%add3A_189, %dma_start3A_235] : memref<16384x1024xf32, #tpu.memory_space<hbm>> -> memref<32x1024xf32, #tpu.memory_space<hbm>>
      tpu.enqueue_dma source(%arg14 : memref<32x1024xf32, #tpu.memory_space<vmem>>) target(%dma_start3A_236 : memref<32x1024xf32, #tpu.memory_space<hbm>>) target_semaphore(%run_scoped3A : memref<!tpu.dma_semaphore, #tpu.memory_space<semaphore_mem>>)
      %dma_wait3A_237 = arith.constant 0 : i32
      %dma_wait3A_238 = tpu.memref_slice %arg7[%add3A_189, %dma_wait3A_237] : memref<16384x1024xf32, #tpu.memory_space<hbm>> -> memref<32x1024xf32, #tpu.memory_space<hbm>>
      %dma_wait3A_239 = arith.constant 0 : i32
      %dma_wait3A_240 = tpu.memref_slice %arg7[%add3A_189, %dma_wait3A_239] : memref<16384x1024xf32, #tpu.memory_space<hbm>> -> memref<32x1024xf32, #tpu.memory_space<hbm>>
      tpu.wait_dma2 semaphore(%run_scoped3A : memref<!tpu.dma_semaphore, #tpu.memory_space<semaphore_mem>>) src(%arg14 : memref<32x1024xf32, #tpu.memory_space<vmem>>) dst(%dma_wait3A_240 : memref<32x1024xf32, #tpu.memory_space<hbm>>)
      tpu.yield
    }) : () -> ()
    %dma_wait3A_190 = arith.constant 384 : i32
    %dma_wait3A_191 = tpu.memref_slice %arg12[%dma_wait3A_190] : memref<512xi32, #tpu.memory_space<vmem>> -> memref<32xi32, #tpu.memory_space<vmem>>
    %dma_wait3A_192 = arith.constant 0 : i32
    %dma_wait3A_193 = arith.constant 0 : i32
    %dma_wait3A_194 = tpu.memref_slice %arg4[%dma_wait3A_192, %dma_wait3A_193] : memref<32768x1024xf32, #tpu.memory_space<hbm>> -> memref<32768x1024xf32, #tpu.memory_space<hbm>>
    tpu.wait_indirect_dma semaphore(%arg16 : memref<!tpu.dma_semaphore, #tpu.memory_space<semaphore_mem>>) src(%dma_wait3A_194 : memref<32768x1024xf32, #tpu.memory_space<hbm>>) dst(%arg13 : memref<32x1024xf32, #tpu.memory_space<vmem>>)
    %dma_start3A_195 = arith.constant 416 : i32
    %dma_start3A_196 = tpu.memref_slice %arg12[%dma_start3A_195] : memref<512xi32, #tpu.memory_space<vmem>> -> memref<32xi32, #tpu.memory_space<vmem>>
    %dma_start3A_197 = arith.constant 0 : i32
    %dma_start3A_198 = arith.constant 0 : i32
    %dma_start3A_199 = tpu.memref_slice %arg4[%dma_start3A_197, %dma_start3A_198] : memref<32768x1024xf32, #tpu.memory_space<hbm>> -> memref<32768x1024xf32, #tpu.memory_space<hbm>>
    tpu.enqueue_indirect_dma source(%dma_start3A_199 : memref<32768x1024xf32, #tpu.memory_space<hbm>>) target(%arg14 : memref<32x1024xf32, #tpu.memory_space<vmem>>) offsets(%dma_start3A_196 : memref<32xi32, #tpu.memory_space<vmem>>) semaphore(%arg17 : memref<!tpu.dma_semaphore, #tpu.memory_space<semaphore_mem>>)
    %add3A_200 = arith.constant 384 : i32
    %add3A_201 = arith.addi %add3A_38, %add3A_200 : i32
    "tpu.region"() ({
      %run_scoped3A = tpu.sem_alloc : memref<!tpu.dma_semaphore, #tpu.memory_space<semaphore_mem>>
      %dma_start3A_233 = arith.constant 0 : i32
      %dma_start3A_234 = tpu.memref_slice %arg7[%add3A_201, %dma_start3A_233] : memref<16384x1024xf32, #tpu.memory_space<hbm>> -> memref<32x1024xf32, #tpu.memory_space<hbm>>
      %dma_start3A_235 = arith.constant 0 : i32
      %dma_start3A_236 = tpu.memref_slice %arg7[%add3A_201, %dma_start3A_235] : memref<16384x1024xf32, #tpu.memory_space<hbm>> -> memref<32x1024xf32, #tpu.memory_space<hbm>>
      tpu.enqueue_dma source(%arg13 : memref<32x1024xf32, #tpu.memory_space<vmem>>) target(%dma_start3A_236 : memref<32x1024xf32, #tpu.memory_space<hbm>>) target_semaphore(%run_scoped3A : memref<!tpu.dma_semaphore, #tpu.memory_space<semaphore_mem>>)
      %dma_wait3A_237 = arith.constant 0 : i32
      %dma_wait3A_238 = tpu.memref_slice %arg7[%add3A_201, %dma_wait3A_237] : memref<16384x1024xf32, #tpu.memory_space<hbm>> -> memref<32x1024xf32, #tpu.memory_space<hbm>>
      %dma_wait3A_239 = arith.constant 0 : i32
      %dma_wait3A_240 = tpu.memref_slice %arg7[%add3A_201, %dma_wait3A_239] : memref<16384x1024xf32, #tpu.memory_space<hbm>> -> memref<32x1024xf32, #tpu.memory_space<hbm>>
      tpu.wait_dma2 semaphore(%run_scoped3A : memref<!tpu.dma_semaphore, #tpu.memory_space<semaphore_mem>>) src(%arg13 : memref<32x1024xf32, #tpu.memory_space<vmem>>) dst(%dma_wait3A_240 : memref<32x1024xf32, #tpu.memory_space<hbm>>)
      tpu.yield
    }) : () -> ()
    %dma_wait3A_202 = arith.constant 416 : i32
    %dma_wait3A_203 = tpu.memref_slice %arg12[%dma_wait3A_202] : memref<512xi32, #tpu.memory_space<vmem>> -> memref<32xi32, #tpu.memory_space<vmem>>
    %dma_wait3A_204 = arith.constant 0 : i32
    %dma_wait3A_205 = arith.constant 0 : i32
    %dma_wait3A_206 = tpu.memref_slice %arg4[%dma_wait3A_204, %dma_wait3A_205] : memref<32768x1024xf32, #tpu.memory_space<hbm>> -> memref<32768x1024xf32, #tpu.memory_space<hbm>>
    tpu.wait_indirect_dma semaphore(%arg17 : memref<!tpu.dma_semaphore, #tpu.memory_space<semaphore_mem>>) src(%dma_wait3A_206 : memref<32768x1024xf32, #tpu.memory_space<hbm>>) dst(%arg14 : memref<32x1024xf32, #tpu.memory_space<vmem>>)
    %dma_start3A_207 = arith.constant 448 : i32
    %dma_start3A_208 = tpu.memref_slice %arg12[%dma_start3A_207] : memref<512xi32, #tpu.memory_space<vmem>> -> memref<32xi32, #tpu.memory_space<vmem>>
    %dma_start3A_209 = arith.constant 0 : i32
    %dma_start3A_210 = arith.constant 0 : i32
    %dma_start3A_211 = tpu.memref_slice %arg4[%dma_start3A_209, %dma_start3A_210] : memref<32768x1024xf32, #tpu.memory_space<hbm>> -> memref<32768x1024xf32, #tpu.memory_space<hbm>>
    tpu.enqueue_indirect_dma source(%dma_start3A_211 : memref<32768x1024xf32, #tpu.memory_space<hbm>>) target(%arg13 : memref<32x1024xf32, #tpu.memory_space<vmem>>) offsets(%dma_start3A_208 : memref<32xi32, #tpu.memory_space<vmem>>) semaphore(%arg16 : memref<!tpu.dma_semaphore, #tpu.memory_space<semaphore_mem>>)
    %add3A_212 = arith.constant 416 : i32
    %add3A_213 = arith.addi %add3A_38, %add3A_212 : i32
    "tpu.region"() ({
      %run_scoped3A = tpu.sem_alloc : memref<!tpu.dma_semaphore, #tpu.memory_space<semaphore_mem>>
      %dma_start3A_233 = arith.constant 0 : i32
      %dma_start3A_234 = tpu.memref_slice %arg7[%add3A_213, %dma_start3A_233] : memref<16384x1024xf32, #tpu.memory_space<hbm>> -> memref<32x1024xf32, #tpu.memory_space<hbm>>
      %dma_start3A_235 = arith.constant 0 : i32
      %dma_start3A_236 = tpu.memref_slice %arg7[%add3A_213, %dma_start3A_235] : memref<16384x1024xf32, #tpu.memory_space<hbm>> -> memref<32x1024xf32, #tpu.memory_space<hbm>>
      tpu.enqueue_dma source(%arg14 : memref<32x1024xf32, #tpu.memory_space<vmem>>) target(%dma_start3A_236 : memref<32x1024xf32, #tpu.memory_space<hbm>>) target_semaphore(%run_scoped3A : memref<!tpu.dma_semaphore, #tpu.memory_space<semaphore_mem>>)
      %dma_wait3A_237 = arith.constant 0 : i32
      %dma_wait3A_238 = tpu.memref_slice %arg7[%add3A_213, %dma_wait3A_237] : memref<16384x1024xf32, #tpu.memory_space<hbm>> -> memref<32x1024xf32, #tpu.memory_space<hbm>>
      %dma_wait3A_239 = arith.constant 0 : i32
      %dma_wait3A_240 = tpu.memref_slice %arg7[%add3A_213, %dma_wait3A_239] : memref<16384x1024xf32, #tpu.memory_space<hbm>> -> memref<32x1024xf32, #tpu.memory_space<hbm>>
      tpu.wait_dma2 semaphore(%run_scoped3A : memref<!tpu.dma_semaphore, #tpu.memory_space<semaphore_mem>>) src(%arg14 : memref<32x1024xf32, #tpu.memory_space<vmem>>) dst(%dma_wait3A_240 : memref<32x1024xf32, #tpu.memory_space<hbm>>)
      tpu.yield
    }) : () -> ()
    %dma_wait3A_214 = arith.constant 448 : i32
    %dma_wait3A_215 = tpu.memref_slice %arg12[%dma_wait3A_214] : memref<512xi32, #tpu.memory_space<vmem>> -> memref<32xi32, #tpu.memory_space<vmem>>
    %dma_wait3A_216 = arith.constant 0 : i32
    %dma_wait3A_217 = arith.constant 0 : i32
    %dma_wait3A_218 = tpu.memref_slice %arg4[%dma_wait3A_216, %dma_wait3A_217] : memref<32768x1024xf32, #tpu.memory_space<hbm>> -> memref<32768x1024xf32, #tpu.memory_space<hbm>>
    tpu.wait_indirect_dma semaphore(%arg16 : memref<!tpu.dma_semaphore, #tpu.memory_space<semaphore_mem>>) src(%dma_wait3A_218 : memref<32768x1024xf32, #tpu.memory_space<hbm>>) dst(%arg13 : memref<32x1024xf32, #tpu.memory_space<vmem>>)
    %dma_start3A_219 = arith.constant 480 : i32
    %dma_start3A_220 = tpu.memref_slice %arg12[%dma_start3A_219] : memref<512xi32, #tpu.memory_space<vmem>> -> memref<32xi32, #tpu.memory_space<vmem>>
    %dma_start3A_221 = arith.constant 0 : i32
    %dma_start3A_222 = arith.constant 0 : i32
    %dma_start3A_223 = tpu.memref_slice %arg4[%dma_start3A_221, %dma_start3A_222] : memref<32768x1024xf32, #tpu.memory_space<hbm>> -> memref<32768x1024xf32, #tpu.memory_space<hbm>>
    tpu.enqueue_indirect_dma source(%dma_start3A_223 : memref<32768x1024xf32, #tpu.memory_space<hbm>>) target(%arg14 : memref<32x1024xf32, #tpu.memory_space<vmem>>) offsets(%dma_start3A_220 : memref<32xi32, #tpu.memory_space<vmem>>) semaphore(%arg17 : memref<!tpu.dma_semaphore, #tpu.memory_space<semaphore_mem>>)
    %add3A_224 = arith.constant 448 : i32
    %add3A_225 = arith.addi %add3A_38, %add3A_224 : i32
    "tpu.region"() ({
      %run_scoped3A = tpu.sem_alloc : memref<!tpu.dma_semaphore, #tpu.memory_space<semaphore_mem>>
      %dma_start3A_233 = arith.constant 0 : i32
      %dma_start3A_234 = tpu.memref_slice %arg7[%add3A_225, %dma_start3A_233] : memref<16384x1024xf32, #tpu.memory_space<hbm>> -> memref<32x1024xf32, #tpu.memory_space<hbm>>
      %dma_start3A_235 = arith.constant 0 : i32
      %dma_start3A_236 = tpu.memref_slice %arg7[%add3A_225, %dma_start3A_235] : memref<16384x1024xf32, #tpu.memory_space<hbm>> -> memref<32x1024xf32, #tpu.memory_space<hbm>>
      tpu.enqueue_dma source(%arg13 : memref<32x1024xf32, #tpu.memory_space<vmem>>) target(%dma_start3A_236 : memref<32x1024xf32, #tpu.memory_space<hbm>>) target_semaphore(%run_scoped3A : memref<!tpu.dma_semaphore, #tpu.memory_space<semaphore_mem>>)
      %dma_wait3A_237 = arith.constant 0 : i32
      %dma_wait3A_238 = tpu.memref_slice %arg7[%add3A_225, %dma_wait3A_237] : memref<16384x1024xf32, #tpu.memory_space<hbm>> -> memref<32x1024xf32, #tpu.memory_space<hbm>>
      %dma_wait3A_239 = arith.constant 0 : i32
      %dma_wait3A_240 = tpu.memref_slice %arg7[%add3A_225, %dma_wait3A_239] : memref<16384x1024xf32, #tpu.memory_space<hbm>> -> memref<32x1024xf32, #tpu.memory_space<hbm>>
      tpu.wait_dma2 semaphore(%run_scoped3A : memref<!tpu.dma_semaphore, #tpu.memory_space<semaphore_mem>>) src(%arg13 : memref<32x1024xf32, #tpu.memory_space<vmem>>) dst(%dma_wait3A_240 : memref<32x1024xf32, #tpu.memory_space<hbm>>)
      tpu.yield
    }) : () -> ()
    %dma_wait3A_226 = arith.constant 480 : i32
    %dma_wait3A_227 = tpu.memref_slice %arg12[%dma_wait3A_226] : memref<512xi32, #tpu.memory_space<vmem>> -> memref<32xi32, #tpu.memory_space<vmem>>
    %dma_wait3A_228 = arith.constant 0 : i32
    %dma_wait3A_229 = arith.constant 0 : i32
    %dma_wait3A_230 = tpu.memref_slice %arg4[%dma_wait3A_228, %dma_wait3A_229] : memref<32768x1024xf32, #tpu.memory_space<hbm>> -> memref<32768x1024xf32, #tpu.memory_space<hbm>>
    tpu.wait_indirect_dma semaphore(%arg17 : memref<!tpu.dma_semaphore, #tpu.memory_space<semaphore_mem>>) src(%dma_wait3A_230 : memref<32768x1024xf32, #tpu.memory_space<hbm>>) dst(%arg14 : memref<32x1024xf32, #tpu.memory_space<vmem>>)
    %add3A_231 = arith.constant 480 : i32
    %add3A_232 = arith.addi %add3A_38, %add3A_231 : i32
    "tpu.region"() ({
      %run_scoped3A = tpu.sem_alloc : memref<!tpu.dma_semaphore, #tpu.memory_space<semaphore_mem>>
      %dma_start3A_233 = arith.constant 0 : i32
      %dma_start3A_234 = tpu.memref_slice %arg7[%add3A_232, %dma_start3A_233] : memref<16384x1024xf32, #tpu.memory_space<hbm>> -> memref<32x1024xf32, #tpu.memory_space<hbm>>
      %dma_start3A_235 = arith.constant 0 : i32
      %dma_start3A_236 = tpu.memref_slice %arg7[%add3A_232, %dma_start3A_235] : memref<16384x1024xf32, #tpu.memory_space<hbm>> -> memref<32x1024xf32, #tpu.memory_space<hbm>>
      tpu.enqueue_dma source(%arg14 : memref<32x1024xf32, #tpu.memory_space<vmem>>) target(%dma_start3A_236 : memref<32x1024xf32, #tpu.memory_space<hbm>>) target_semaphore(%run_scoped3A : memref<!tpu.dma_semaphore, #tpu.memory_space<semaphore_mem>>)
      %dma_wait3A_237 = arith.constant 0 : i32
      %dma_wait3A_238 = tpu.memref_slice %arg7[%add3A_232, %dma_wait3A_237] : memref<16384x1024xf32, #tpu.memory_space<hbm>> -> memref<32x1024xf32, #tpu.memory_space<hbm>>
      %dma_wait3A_239 = arith.constant 0 : i32
      %dma_wait3A_240 = tpu.memref_slice %arg7[%add3A_232, %dma_wait3A_239] : memref<16384x1024xf32, #tpu.memory_space<hbm>> -> memref<32x1024xf32, #tpu.memory_space<hbm>>
      tpu.wait_dma2 semaphore(%run_scoped3A : memref<!tpu.dma_semaphore, #tpu.memory_space<semaphore_mem>>) src(%arg14 : memref<32x1024xf32, #tpu.memory_space<vmem>>) dst(%dma_wait3A_240 : memref<32x1024xf32, #tpu.memory_space<hbm>>)
      tpu.yield
    }) : () -> ()
    return
  }
}

module attributes {stable_mosaic.version = 14 : i64} {
  func.func @_rel_body(%arg0: i32, %arg1: i32, %arg2: memref<1x2048x128xf32, #tpu.memory_space<vmem>>, %arg3: memref<1x16x128xf32, #tpu.memory_space<vmem>>) attributes {dimension_semantics = [#tpu.dimension_semantics<arbitrary>, #tpu.dimension_semantics<arbitrary>], iteration_bounds = array<i64: 4, 4>, scalar_prefetch = 0 : i64, scratch_operands = 0 : i64, tpu.core_type = #tpu.core_type<tc>, window_params = [{transform_indices = @transform_0, window_bounds = array<i64: 1, 2048, 128>}, {transform_indices = @transform_1, window_bounds = array<i64: 1, 16, 128>}]} {
    %get3A = arith.constant 0 : index
    %get3A_0 = arith.constant 0 : index
    %get3A_1 = arith.constant 0 : index
    %get3A_2 = vector.load %arg2[%get3A, %get3A_0, %get3A_1] : memref<1x2048x128xf32, #tpu.memory_space<vmem>>, vector<1x2048x128xf32>
    %add3A = arith.constant 9.99999993E-9 : f32
    %add3A_3 = vector.broadcast %add3A : f32 to vector<1x2048x128xf32>
    %add3A_4 = arith.addf %get3A_2, %add3A_3 : vector<1x2048x128xf32>
    %log3A = math.log %add3A_4 : vector<1x2048x128xf32>
    %mul3A = arith.mulf %get3A_2, %log3A : vector<1x2048x128xf32>
    %reduce_sum3A = arith.constant dense<0.000000e+00> : vector<1x2048xf32>
    %reduce_sum3A_5 = vector.multi_reduction <add>, %mul3A, %reduce_sum3A [2] : vector<1x2048x128xf32> to vector<1x2048xf32>
    %neg3A = arith.constant 0.000000e+00 : f32
    %neg3A_6 = vector.broadcast %neg3A : f32 to vector<1x2048xf32>
    %neg3A_7 = arith.subf %neg3A_6, %reduce_sum3A_5 : vector<1x2048xf32>
    %log3A_8 = arith.constant 1.280000e+02 : f32
    %log3A_9 = math.log %log3A_8 : f32
    %div3A = vector.broadcast %log3A_9 : f32 to vector<1x2048xf32>
    %div3A_10 = arith.divf %neg3A_7, %div3A : vector<1x2048xf32>
    %sub3A = arith.constant 1.000000e+00 : f32
    %sub3A_11 = vector.broadcast %sub3A : f32 to vector<1x2048xf32>
    %sub3A_12 = arith.subf %sub3A_11, %div3A_10 : vector<1x2048xf32>
    %reshape3A = vector.shape_cast %sub3A_12 : vector<1x2048xf32> to vector<1x16x128xf32>
    %swap3A = arith.constant 0 : index
    %swap3A_13 = arith.constant 0 : index
    %swap3A_14 = arith.constant 0 : index
    %swap3A_15 = vector.load %arg3[%swap3A, %swap3A_13, %swap3A_14] : memref<1x16x128xf32, #tpu.memory_space<vmem>>, vector<1x16x128xf32>
    tpu.vector_store %arg3[%swap3A, %swap3A_13, %swap3A_14], %reshape3A {strides = array<i32>} : memref<1x16x128xf32, #tpu.memory_space<vmem>>, vector<1x16x128xf32>,
    return
  }
  func.func @transform_0(%arg0: i32, %arg1: i32) -> (i32, i32, i32) {
    %c0_i32 = arith.constant 0 : i32
    %c0_i32_0 = arith.constant 0 : i32
    return %arg0, %arg1, %c0_i32 : i32, i32, i32
  }
  func.func @transform_1(%arg0: i32, %arg1: i32) -> (i32, i32, i32) {
    %c0_i32 = arith.constant 0 : i32
    %c0_i32_0 = arith.constant 0 : i32
    return %arg0, %arg1, %c0_i32 : i32, i32, i32
  }
}

module attributes {stable_mosaic.version = 14 : i64} {
  func.func @_select_body(%arg0: memref<4x64x128xf32, #tpu.memory_space<vmem>>, %arg1: memref<4x64x128xi32, #tpu.memory_space<vmem>>, %arg2: memref<4x64x128xi32, #tpu.memory_space<vmem>>) attributes {dimension_semantics = [], scalar_prefetch = 0 : i64, scratch_operands = 0 : i64, tpu.core_type = #tpu.core_type<tc>} {
    %get3A = arith.constant 0 : index
    %get3A_0 = arith.constant 0 : index
    %get3A_1 = arith.constant 0 : index
    %get3A_2 = vector.load %arg0[%get3A, %get3A_0, %get3A_1] : memref<4x64x128xf32, #tpu.memory_space<vmem>>, vector<4x64x128xf32>
    %bitcast_convert_type3A = tpu.bitcast %get3A_2 : vector<4x64x128xf32> -> vector<4x64x128xi32>
    %lt3A = arith.constant -2147483648 : i32
    %lt3A_3 = vector.broadcast %lt3A : i32 to vector<4x64x128xi32>
    %lt3A_4 = arith.cmpi ult, %bitcast_convert_type3A, %lt3A_3 : vector<4x64x128xi32>
    %add3A = arith.constant -2147483648 : i32
    %add3A_5 = vector.broadcast %add3A : i32 to vector<4x64x128xi32>
    %add3A_6 = arith.addi %bitcast_convert_type3A, %add3A_5 : vector<4x64x128xi32>
    %not3A = arith.constant dense<-1> : vector<4x64x128xi32>
    %not3A_7 = arith.xori %bitcast_convert_type3A, %not3A : vector<4x64x128xi32>
    %select_n3A = arith.select %lt3A_4, %add3A_6, %not3A_7 : vector<4x64x128xi1>, vector<4x64x128xi32>
    %broadcast_in_dim3A = arith.constant 0 : i32
    %broadcast_in_dim3A_8 = vector.broadcast %broadcast_in_dim3A : i32 to vector<4x1x1xi32>
    %or3A = arith.constant -2147483648 : i32
    %or3A_9 = vector.broadcast %or3A : i32 to vector<4x1x1xi32>
    %or3A_10 = arith.ori %broadcast_in_dim3A_8, %or3A_9 : vector<4x1x1xi32>
    %ge3A = vector.broadcast %or3A_10 : vector<4x1x1xi32> to vector<4x64x128xi32>
    %ge3A_11 = arith.cmpi uge, %select_n3A, %ge3A : vector<4x64x128xi32>
    %convert_element_type3A = arith.extui %ge3A_11 : vector<4x64x128xi1> to vector<4x64x128xi32>
    %reduce_sum3A = arith.constant dense<0> : vector<4x64xi32>
    %reduce_sum3A_12 = vector.multi_reduction <add>, %convert_element_type3A, %reduce_sum3A [2] : vector<4x64x128xi32> to vector<4x64xi32>
    %broadcast_in_dim3A_13 = vector.shape_cast %reduce_sum3A_12 : vector<4x64xi32> to vector<4x64x1xi32>
    %reduce_sum3A_14 = arith.constant dense<0> : vector<4x1xi32>
    %reduce_sum3A_15 = vector.multi_reduction <add>, %broadcast_in_dim3A_13, %reduce_sum3A_14 [1] : vector<4x64x1xi32> to vector<4x1xi32>
    %broadcast_in_dim3A_16 = vector.shape_cast %reduce_sum3A_15 : vector<4x1xi32> to vector<4x1x1xi32>
    %ge3A_17 = arith.constant 4096 : i32
    %ge3A_18 = vector.broadcast %ge3A_17 : i32 to vector<4x1x1xi32>
    %ge3A_19 = arith.cmpi sge, %broadcast_in_dim3A_16, %ge3A_18 : vector<4x1x1xi32>
    %select_n3A_20 = arith.select %ge3A_19, %or3A_10, %broadcast_in_dim3A_8 : vector<4x1x1xi1>, vector<4x1x1xi32>
    %or3A_21 = arith.constant 1073741824 : i32
    %or3A_22 = vector.broadcast %or3A_21 : i32 to vector<4x1x1xi32>
    %or3A_23 = arith.ori %select_n3A_20, %or3A_22 : vector<4x1x1xi32>
    %ge3A_24 = vector.broadcast %or3A_23 : vector<4x1x1xi32> to vector<4x64x128xi32>
    %ge3A_25 = arith.cmpi uge, %select_n3A, %ge3A_24 : vector<4x64x128xi32>
    %convert_element_type3A_26 = arith.extui %ge3A_25 : vector<4x64x128xi1> to vector<4x64x128xi32>
    %reduce_sum3A_27 = arith.constant dense<0> : vector<4x64xi32>
    %reduce_sum3A_28 = vector.multi_reduction <add>, %convert_element_type3A_26, %reduce_sum3A_27 [2] : vector<4x64x128xi32> to vector<4x64xi32>
    %broadcast_in_dim3A_29 = vector.shape_cast %reduce_sum3A_28 : vector<4x64xi32> to vector<4x64x1xi32>
    %reduce_sum3A_30 = arith.constant dense<0> : vector<4x1xi32>
    %reduce_sum3A_31 = vector.multi_reduction <add>, %broadcast_in_dim3A_29, %reduce_sum3A_30 [1] : vector<4x64x1xi32> to vector<4x1xi32>
    %broadcast_in_dim3A_32 = vector.shape_cast %reduce_sum3A_31 : vector<4x1xi32> to vector<4x1x1xi32>
    %ge3A_33 = arith.constant 4096 : i32
    %ge3A_34 = vector.broadcast %ge3A_33 : i32 to vector<4x1x1xi32>
    %ge3A_35 = arith.cmpi sge, %broadcast_in_dim3A_32, %ge3A_34 : vector<4x1x1xi32>
    %select_n3A_36 = arith.select %ge3A_35, %or3A_23, %select_n3A_20 : vector<4x1x1xi1>, vector<4x1x1xi32>
    %or3A_37 = arith.constant 536870912 : i32
    %or3A_38 = vector.broadcast %or3A_37 : i32 to vector<4x1x1xi32>
    %or3A_39 = arith.ori %select_n3A_36, %or3A_38 : vector<4x1x1xi32>
    %ge3A_40 = vector.broadcast %or3A_39 : vector<4x1x1xi32> to vector<4x64x128xi32>
    %ge3A_41 = arith.cmpi uge, %select_n3A, %ge3A_40 : vector<4x64x128xi32>
    %convert_element_type3A_42 = arith.extui %ge3A_41 : vector<4x64x128xi1> to vector<4x64x128xi32>
    %reduce_sum3A_43 = arith.constant dense<0> : vector<4x64xi32>
    %reduce_sum3A_44 = vector.multi_reduction <add>, %convert_element_type3A_42, %reduce_sum3A_43 [2] : vector<4x64x128xi32> to vector<4x64xi32>
    %broadcast_in_dim3A_45 = vector.shape_cast %reduce_sum3A_44 : vector<4x64xi32> to vector<4x64x1xi32>
    %reduce_sum3A_46 = arith.constant dense<0> : vector<4x1xi32>
    %reduce_sum3A_47 = vector.multi_reduction <add>, %broadcast_in_dim3A_45, %reduce_sum3A_46 [1] : vector<4x64x1xi32> to vector<4x1xi32>
    %broadcast_in_dim3A_48 = vector.shape_cast %reduce_sum3A_47 : vector<4x1xi32> to vector<4x1x1xi32>
    %ge3A_49 = arith.constant 4096 : i32
    %ge3A_50 = vector.broadcast %ge3A_49 : i32 to vector<4x1x1xi32>
    %ge3A_51 = arith.cmpi sge, %broadcast_in_dim3A_48, %ge3A_50 : vector<4x1x1xi32>
    %select_n3A_52 = arith.select %ge3A_51, %or3A_39, %select_n3A_36 : vector<4x1x1xi1>, vector<4x1x1xi32>
    %or3A_53 = arith.constant 268435456 : i32
    %or3A_54 = vector.broadcast %or3A_53 : i32 to vector<4x1x1xi32>
    %or3A_55 = arith.ori %select_n3A_52, %or3A_54 : vector<4x1x1xi32>
    %ge3A_56 = vector.broadcast %or3A_55 : vector<4x1x1xi32> to vector<4x64x128xi32>
    %ge3A_57 = arith.cmpi uge, %select_n3A, %ge3A_56 : vector<4x64x128xi32>
    %convert_element_type3A_58 = arith.extui %ge3A_57 : vector<4x64x128xi1> to vector<4x64x128xi32>
    %reduce_sum3A_59 = arith.constant dense<0> : vector<4x64xi32>
    %reduce_sum3A_60 = vector.multi_reduction <add>, %convert_element_type3A_58, %reduce_sum3A_59 [2] : vector<4x64x128xi32> to vector<4x64xi32>
    %broadcast_in_dim3A_61 = vector.shape_cast %reduce_sum3A_60 : vector<4x64xi32> to vector<4x64x1xi32>
    %reduce_sum3A_62 = arith.constant dense<0> : vector<4x1xi32>
    %reduce_sum3A_63 = vector.multi_reduction <add>, %broadcast_in_dim3A_61, %reduce_sum3A_62 [1] : vector<4x64x1xi32> to vector<4x1xi32>
    %broadcast_in_dim3A_64 = vector.shape_cast %reduce_sum3A_63 : vector<4x1xi32> to vector<4x1x1xi32>
    %ge3A_65 = arith.constant 4096 : i32
    %ge3A_66 = vector.broadcast %ge3A_65 : i32 to vector<4x1x1xi32>
    %ge3A_67 = arith.cmpi sge, %broadcast_in_dim3A_64, %ge3A_66 : vector<4x1x1xi32>
    %select_n3A_68 = arith.select %ge3A_67, %or3A_55, %select_n3A_52 : vector<4x1x1xi1>, vector<4x1x1xi32>
    %or3A_69 = arith.constant 134217728 : i32
    %or3A_70 = vector.broadcast %or3A_69 : i32 to vector<4x1x1xi32>
    %or3A_71 = arith.ori %select_n3A_68, %or3A_70 : vector<4x1x1xi32>
    %ge3A_72 = vector.broadcast %or3A_71 : vector<4x1x1xi32> to vector<4x64x128xi32>
    %ge3A_73 = arith.cmpi uge, %select_n3A, %ge3A_72 : vector<4x64x128xi32>
    %convert_element_type3A_74 = arith.extui %ge3A_73 : vector<4x64x128xi1> to vector<4x64x128xi32>
    %reduce_sum3A_75 = arith.constant dense<0> : vector<4x64xi32>
    %reduce_sum3A_76 = vector.multi_reduction <add>, %convert_element_type3A_74, %reduce_sum3A_75 [2] : vector<4x64x128xi32> to vector<4x64xi32>
    %broadcast_in_dim3A_77 = vector.shape_cast %reduce_sum3A_76 : vector<4x64xi32> to vector<4x64x1xi32>
    %reduce_sum3A_78 = arith.constant dense<0> : vector<4x1xi32>
    %reduce_sum3A_79 = vector.multi_reduction <add>, %broadcast_in_dim3A_77, %reduce_sum3A_78 [1] : vector<4x64x1xi32> to vector<4x1xi32>
    %broadcast_in_dim3A_80 = vector.shape_cast %reduce_sum3A_79 : vector<4x1xi32> to vector<4x1x1xi32>
    %ge3A_81 = arith.constant 4096 : i32
    %ge3A_82 = vector.broadcast %ge3A_81 : i32 to vector<4x1x1xi32>
    %ge3A_83 = arith.cmpi sge, %broadcast_in_dim3A_80, %ge3A_82 : vector<4x1x1xi32>
    %select_n3A_84 = arith.select %ge3A_83, %or3A_71, %select_n3A_68 : vector<4x1x1xi1>, vector<4x1x1xi32>
    %or3A_85 = arith.constant 67108864 : i32
    %or3A_86 = vector.broadcast %or3A_85 : i32 to vector<4x1x1xi32>
    %or3A_87 = arith.ori %select_n3A_84, %or3A_86 : vector<4x1x1xi32>
    %ge3A_88 = vector.broadcast %or3A_87 : vector<4x1x1xi32> to vector<4x64x128xi32>
    %ge3A_89 = arith.cmpi uge, %select_n3A, %ge3A_88 : vector<4x64x128xi32>
    %convert_element_type3A_90 = arith.extui %ge3A_89 : vector<4x64x128xi1> to vector<4x64x128xi32>
    %reduce_sum3A_91 = arith.constant dense<0> : vector<4x64xi32>
    %reduce_sum3A_92 = vector.multi_reduction <add>, %convert_element_type3A_90, %reduce_sum3A_91 [2] : vector<4x64x128xi32> to vector<4x64xi32>
    %broadcast_in_dim3A_93 = vector.shape_cast %reduce_sum3A_92 : vector<4x64xi32> to vector<4x64x1xi32>
    %reduce_sum3A_94 = arith.constant dense<0> : vector<4x1xi32>
    %reduce_sum3A_95 = vector.multi_reduction <add>, %broadcast_in_dim3A_93, %reduce_sum3A_94 [1] : vector<4x64x1xi32> to vector<4x1xi32>
    %broadcast_in_dim3A_96 = vector.shape_cast %reduce_sum3A_95 : vector<4x1xi32> to vector<4x1x1xi32>
    %ge3A_97 = arith.constant 4096 : i32
    %ge3A_98 = vector.broadcast %ge3A_97 : i32 to vector<4x1x1xi32>
    %ge3A_99 = arith.cmpi sge, %broadcast_in_dim3A_96, %ge3A_98 : vector<4x1x1xi32>
    %select_n3A_100 = arith.select %ge3A_99, %or3A_87, %select_n3A_84 : vector<4x1x1xi1>, vector<4x1x1xi32>
    %or3A_101 = arith.constant 33554432 : i32
    %or3A_102 = vector.broadcast %or3A_101 : i32 to vector<4x1x1xi32>
    %or3A_103 = arith.ori %select_n3A_100, %or3A_102 : vector<4x1x1xi32>
    %ge3A_104 = vector.broadcast %or3A_103 : vector<4x1x1xi32> to vector<4x64x128xi32>
    %ge3A_105 = arith.cmpi uge, %select_n3A, %ge3A_104 : vector<4x64x128xi32>
    %convert_element_type3A_106 = arith.extui %ge3A_105 : vector<4x64x128xi1> to vector<4x64x128xi32>
    %reduce_sum3A_107 = arith.constant dense<0> : vector<4x64xi32>
    %reduce_sum3A_108 = vector.multi_reduction <add>, %convert_element_type3A_106, %reduce_sum3A_107 [2] : vector<4x64x128xi32> to vector<4x64xi32>
    %broadcast_in_dim3A_109 = vector.shape_cast %reduce_sum3A_108 : vector<4x64xi32> to vector<4x64x1xi32>
    %reduce_sum3A_110 = arith.constant dense<0> : vector<4x1xi32>
    %reduce_sum3A_111 = vector.multi_reduction <add>, %broadcast_in_dim3A_109, %reduce_sum3A_110 [1] : vector<4x64x1xi32> to vector<4x1xi32>
    %broadcast_in_dim3A_112 = vector.shape_cast %reduce_sum3A_111 : vector<4x1xi32> to vector<4x1x1xi32>
    %ge3A_113 = arith.constant 4096 : i32
    %ge3A_114 = vector.broadcast %ge3A_113 : i32 to vector<4x1x1xi32>
    %ge3A_115 = arith.cmpi sge, %broadcast_in_dim3A_112, %ge3A_114 : vector<4x1x1xi32>
    %select_n3A_116 = arith.select %ge3A_115, %or3A_103, %select_n3A_100 : vector<4x1x1xi1>, vector<4x1x1xi32>
    %or3A_117 = arith.constant 16777216 : i32
    %or3A_118 = vector.broadcast %or3A_117 : i32 to vector<4x1x1xi32>
    %or3A_119 = arith.ori %select_n3A_116, %or3A_118 : vector<4x1x1xi32>
    %ge3A_120 = vector.broadcast %or3A_119 : vector<4x1x1xi32> to vector<4x64x128xi32>
    %ge3A_121 = arith.cmpi uge, %select_n3A, %ge3A_120 : vector<4x64x128xi32>
    %convert_element_type3A_122 = arith.extui %ge3A_121 : vector<4x64x128xi1> to vector<4x64x128xi32>
    %reduce_sum3A_123 = arith.constant dense<0> : vector<4x64xi32>
    %reduce_sum3A_124 = vector.multi_reduction <add>, %convert_element_type3A_122, %reduce_sum3A_123 [2] : vector<4x64x128xi32> to vector<4x64xi32>
    %broadcast_in_dim3A_125 = vector.shape_cast %reduce_sum3A_124 : vector<4x64xi32> to vector<4x64x1xi32>
    %reduce_sum3A_126 = arith.constant dense<0> : vector<4x1xi32>
    %reduce_sum3A_127 = vector.multi_reduction <add>, %broadcast_in_dim3A_125, %reduce_sum3A_126 [1] : vector<4x64x1xi32> to vector<4x1xi32>
    %broadcast_in_dim3A_128 = vector.shape_cast %reduce_sum3A_127 : vector<4x1xi32> to vector<4x1x1xi32>
    %ge3A_129 = arith.constant 4096 : i32
    %ge3A_130 = vector.broadcast %ge3A_129 : i32 to vector<4x1x1xi32>
    %ge3A_131 = arith.cmpi sge, %broadcast_in_dim3A_128, %ge3A_130 : vector<4x1x1xi32>
    %select_n3A_132 = arith.select %ge3A_131, %or3A_119, %select_n3A_116 : vector<4x1x1xi1>, vector<4x1x1xi32>
    %or3A_133 = arith.constant 8388608 : i32
    %or3A_134 = vector.broadcast %or3A_133 : i32 to vector<4x1x1xi32>
    %or3A_135 = arith.ori %select_n3A_132, %or3A_134 : vector<4x1x1xi32>
    %ge3A_136 = vector.broadcast %or3A_135 : vector<4x1x1xi32> to vector<4x64x128xi32>
    %ge3A_137 = arith.cmpi uge, %select_n3A, %ge3A_136 : vector<4x64x128xi32>
    %convert_element_type3A_138 = arith.extui %ge3A_137 : vector<4x64x128xi1> to vector<4x64x128xi32>
    %reduce_sum3A_139 = arith.constant dense<0> : vector<4x64xi32>
    %reduce_sum3A_140 = vector.multi_reduction <add>, %convert_element_type3A_138, %reduce_sum3A_139 [2] : vector<4x64x128xi32> to vector<4x64xi32>
    %broadcast_in_dim3A_141 = vector.shape_cast %reduce_sum3A_140 : vector<4x64xi32> to vector<4x64x1xi32>
    %reduce_sum3A_142 = arith.constant dense<0> : vector<4x1xi32>
    %reduce_sum3A_143 = vector.multi_reduction <add>, %broadcast_in_dim3A_141, %reduce_sum3A_142 [1] : vector<4x64x1xi32> to vector<4x1xi32>
    %broadcast_in_dim3A_144 = vector.shape_cast %reduce_sum3A_143 : vector<4x1xi32> to vector<4x1x1xi32>
    %ge3A_145 = arith.constant 4096 : i32
    %ge3A_146 = vector.broadcast %ge3A_145 : i32 to vector<4x1x1xi32>
    %ge3A_147 = arith.cmpi sge, %broadcast_in_dim3A_144, %ge3A_146 : vector<4x1x1xi32>
    %select_n3A_148 = arith.select %ge3A_147, %or3A_135, %select_n3A_132 : vector<4x1x1xi1>, vector<4x1x1xi32>
    %or3A_149 = arith.constant 4194304 : i32
    %or3A_150 = vector.broadcast %or3A_149 : i32 to vector<4x1x1xi32>
    %or3A_151 = arith.ori %select_n3A_148, %or3A_150 : vector<4x1x1xi32>
    %ge3A_152 = vector.broadcast %or3A_151 : vector<4x1x1xi32> to vector<4x64x128xi32>
    %ge3A_153 = arith.cmpi uge, %select_n3A, %ge3A_152 : vector<4x64x128xi32>
    %convert_element_type3A_154 = arith.extui %ge3A_153 : vector<4x64x128xi1> to vector<4x64x128xi32>
    %reduce_sum3A_155 = arith.constant dense<0> : vector<4x64xi32>
    %reduce_sum3A_156 = vector.multi_reduction <add>, %convert_element_type3A_154, %reduce_sum3A_155 [2] : vector<4x64x128xi32> to vector<4x64xi32>
    %broadcast_in_dim3A_157 = vector.shape_cast %reduce_sum3A_156 : vector<4x64xi32> to vector<4x64x1xi32>
    %reduce_sum3A_158 = arith.constant dense<0> : vector<4x1xi32>
    %reduce_sum3A_159 = vector.multi_reduction <add>, %broadcast_in_dim3A_157, %reduce_sum3A_158 [1] : vector<4x64x1xi32> to vector<4x1xi32>
    %broadcast_in_dim3A_160 = vector.shape_cast %reduce_sum3A_159 : vector<4x1xi32> to vector<4x1x1xi32>
    %ge3A_161 = arith.constant 4096 : i32
    %ge3A_162 = vector.broadcast %ge3A_161 : i32 to vector<4x1x1xi32>
    %ge3A_163 = arith.cmpi sge, %broadcast_in_dim3A_160, %ge3A_162 : vector<4x1x1xi32>
    %select_n3A_164 = arith.select %ge3A_163, %or3A_151, %select_n3A_148 : vector<4x1x1xi1>, vector<4x1x1xi32>
    %or3A_165 = arith.constant 2097152 : i32
    %or3A_166 = vector.broadcast %or3A_165 : i32 to vector<4x1x1xi32>
    %or3A_167 = arith.ori %select_n3A_164, %or3A_166 : vector<4x1x1xi32>
    %ge3A_168 = vector.broadcast %or3A_167 : vector<4x1x1xi32> to vector<4x64x128xi32>
    %ge3A_169 = arith.cmpi uge, %select_n3A, %ge3A_168 : vector<4x64x128xi32>
    %convert_element_type3A_170 = arith.extui %ge3A_169 : vector<4x64x128xi1> to vector<4x64x128xi32>
    %reduce_sum3A_171 = arith.constant dense<0> : vector<4x64xi32>
    %reduce_sum3A_172 = vector.multi_reduction <add>, %convert_element_type3A_170, %reduce_sum3A_171 [2] : vector<4x64x128xi32> to vector<4x64xi32>
    %broadcast_in_dim3A_173 = vector.shape_cast %reduce_sum3A_172 : vector<4x64xi32> to vector<4x64x1xi32>
    %reduce_sum3A_174 = arith.constant dense<0> : vector<4x1xi32>
    %reduce_sum3A_175 = vector.multi_reduction <add>, %broadcast_in_dim3A_173, %reduce_sum3A_174 [1] : vector<4x64x1xi32> to vector<4x1xi32>
    %broadcast_in_dim3A_176 = vector.shape_cast %reduce_sum3A_175 : vector<4x1xi32> to vector<4x1x1xi32>
    %ge3A_177 = arith.constant 4096 : i32
    %ge3A_178 = vector.broadcast %ge3A_177 : i32 to vector<4x1x1xi32>
    %ge3A_179 = arith.cmpi sge, %broadcast_in_dim3A_176, %ge3A_178 : vector<4x1x1xi32>
    %select_n3A_180 = arith.select %ge3A_179, %or3A_167, %select_n3A_164 : vector<4x1x1xi1>, vector<4x1x1xi32>
    %or3A_181 = arith.constant 1048576 : i32
    %or3A_182 = vector.broadcast %or3A_181 : i32 to vector<4x1x1xi32>
    %or3A_183 = arith.ori %select_n3A_180, %or3A_182 : vector<4x1x1xi32>
    %ge3A_184 = vector.broadcast %or3A_183 : vector<4x1x1xi32> to vector<4x64x128xi32>
    %ge3A_185 = arith.cmpi uge, %select_n3A, %ge3A_184 : vector<4x64x128xi32>
    %convert_element_type3A_186 = arith.extui %ge3A_185 : vector<4x64x128xi1> to vector<4x64x128xi32>
    %reduce_sum3A_187 = arith.constant dense<0> : vector<4x64xi32>
    %reduce_sum3A_188 = vector.multi_reduction <add>, %convert_element_type3A_186, %reduce_sum3A_187 [2] : vector<4x64x128xi32> to vector<4x64xi32>
    %broadcast_in_dim3A_189 = vector.shape_cast %reduce_sum3A_188 : vector<4x64xi32> to vector<4x64x1xi32>
    %reduce_sum3A_190 = arith.constant dense<0> : vector<4x1xi32>
    %reduce_sum3A_191 = vector.multi_reduction <add>, %broadcast_in_dim3A_189, %reduce_sum3A_190 [1] : vector<4x64x1xi32> to vector<4x1xi32>
    %broadcast_in_dim3A_192 = vector.shape_cast %reduce_sum3A_191 : vector<4x1xi32> to vector<4x1x1xi32>
    %ge3A_193 = arith.constant 4096 : i32
    %ge3A_194 = vector.broadcast %ge3A_193 : i32 to vector<4x1x1xi32>
    %ge3A_195 = arith.cmpi sge, %broadcast_in_dim3A_192, %ge3A_194 : vector<4x1x1xi32>
    %select_n3A_196 = arith.select %ge3A_195, %or3A_183, %select_n3A_180 : vector<4x1x1xi1>, vector<4x1x1xi32>
    %or3A_197 = arith.constant 524288 : i32
    %or3A_198 = vector.broadcast %or3A_197 : i32 to vector<4x1x1xi32>
    %or3A_199 = arith.ori %select_n3A_196, %or3A_198 : vector<4x1x1xi32>
    %ge3A_200 = vector.broadcast %or3A_199 : vector<4x1x1xi32> to vector<4x64x128xi32>
    %ge3A_201 = arith.cmpi uge, %select_n3A, %ge3A_200 : vector<4x64x128xi32>
    %convert_element_type3A_202 = arith.extui %ge3A_201 : vector<4x64x128xi1> to vector<4x64x128xi32>
    %reduce_sum3A_203 = arith.constant dense<0> : vector<4x64xi32>
    %reduce_sum3A_204 = vector.multi_reduction <add>, %convert_element_type3A_202, %reduce_sum3A_203 [2] : vector<4x64x128xi32> to vector<4x64xi32>
    %broadcast_in_dim3A_205 = vector.shape_cast %reduce_sum3A_204 : vector<4x64xi32> to vector<4x64x1xi32>
    %reduce_sum3A_206 = arith.constant dense<0> : vector<4x1xi32>
    %reduce_sum3A_207 = vector.multi_reduction <add>, %broadcast_in_dim3A_205, %reduce_sum3A_206 [1] : vector<4x64x1xi32> to vector<4x1xi32>
    %broadcast_in_dim3A_208 = vector.shape_cast %reduce_sum3A_207 : vector<4x1xi32> to vector<4x1x1xi32>
    %ge3A_209 = arith.constant 4096 : i32
    %ge3A_210 = vector.broadcast %ge3A_209 : i32 to vector<4x1x1xi32>
    %ge3A_211 = arith.cmpi sge, %broadcast_in_dim3A_208, %ge3A_210 : vector<4x1x1xi32>
    %select_n3A_212 = arith.select %ge3A_211, %or3A_199, %select_n3A_196 : vector<4x1x1xi1>, vector<4x1x1xi32>
    %or3A_213 = arith.constant 262144 : i32
    %or3A_214 = vector.broadcast %or3A_213 : i32 to vector<4x1x1xi32>
    %or3A_215 = arith.ori %select_n3A_212, %or3A_214 : vector<4x1x1xi32>
    %ge3A_216 = vector.broadcast %or3A_215 : vector<4x1x1xi32> to vector<4x64x128xi32>
    %ge3A_217 = arith.cmpi uge, %select_n3A, %ge3A_216 : vector<4x64x128xi32>
    %convert_element_type3A_218 = arith.extui %ge3A_217 : vector<4x64x128xi1> to vector<4x64x128xi32>
    %reduce_sum3A_219 = arith.constant dense<0> : vector<4x64xi32>
    %reduce_sum3A_220 = vector.multi_reduction <add>, %convert_element_type3A_218, %reduce_sum3A_219 [2] : vector<4x64x128xi32> to vector<4x64xi32>
    %broadcast_in_dim3A_221 = vector.shape_cast %reduce_sum3A_220 : vector<4x64xi32> to vector<4x64x1xi32>
    %reduce_sum3A_222 = arith.constant dense<0> : vector<4x1xi32>
    %reduce_sum3A_223 = vector.multi_reduction <add>, %broadcast_in_dim3A_221, %reduce_sum3A_222 [1] : vector<4x64x1xi32> to vector<4x1xi32>
    %broadcast_in_dim3A_224 = vector.shape_cast %reduce_sum3A_223 : vector<4x1xi32> to vector<4x1x1xi32>
    %ge3A_225 = arith.constant 4096 : i32
    %ge3A_226 = vector.broadcast %ge3A_225 : i32 to vector<4x1x1xi32>
    %ge3A_227 = arith.cmpi sge, %broadcast_in_dim3A_224, %ge3A_226 : vector<4x1x1xi32>
    %select_n3A_228 = arith.select %ge3A_227, %or3A_215, %select_n3A_212 : vector<4x1x1xi1>, vector<4x1x1xi32>
    %or3A_229 = arith.constant 131072 : i32
    %or3A_230 = vector.broadcast %or3A_229 : i32 to vector<4x1x1xi32>
    %or3A_231 = arith.ori %select_n3A_228, %or3A_230 : vector<4x1x1xi32>
    %ge3A_232 = vector.broadcast %or3A_231 : vector<4x1x1xi32> to vector<4x64x128xi32>
    %ge3A_233 = arith.cmpi uge, %select_n3A, %ge3A_232 : vector<4x64x128xi32>
    %convert_element_type3A_234 = arith.extui %ge3A_233 : vector<4x64x128xi1> to vector<4x64x128xi32>
    %reduce_sum3A_235 = arith.constant dense<0> : vector<4x64xi32>
    %reduce_sum3A_236 = vector.multi_reduction <add>, %convert_element_type3A_234, %reduce_sum3A_235 [2] : vector<4x64x128xi32> to vector<4x64xi32>
    %broadcast_in_dim3A_237 = vector.shape_cast %reduce_sum3A_236 : vector<4x64xi32> to vector<4x64x1xi32>
    %reduce_sum3A_238 = arith.constant dense<0> : vector<4x1xi32>
    %reduce_sum3A_239 = vector.multi_reduction <add>, %broadcast_in_dim3A_237, %reduce_sum3A_238 [1] : vector<4x64x1xi32> to vector<4x1xi32>
    %broadcast_in_dim3A_240 = vector.shape_cast %reduce_sum3A_239 : vector<4x1xi32> to vector<4x1x1xi32>
    %ge3A_241 = arith.constant 4096 : i32
    %ge3A_242 = vector.broadcast %ge3A_241 : i32 to vector<4x1x1xi32>
    %ge3A_243 = arith.cmpi sge, %broadcast_in_dim3A_240, %ge3A_242 : vector<4x1x1xi32>
    %select_n3A_244 = arith.select %ge3A_243, %or3A_231, %select_n3A_228 : vector<4x1x1xi1>, vector<4x1x1xi32>
    %or3A_245 = arith.constant 65536 : i32
    %or3A_246 = vector.broadcast %or3A_245 : i32 to vector<4x1x1xi32>
    %or3A_247 = arith.ori %select_n3A_244, %or3A_246 : vector<4x1x1xi32>
    %ge3A_248 = vector.broadcast %or3A_247 : vector<4x1x1xi32> to vector<4x64x128xi32>
    %ge3A_249 = arith.cmpi uge, %select_n3A, %ge3A_248 : vector<4x64x128xi32>
    %convert_element_type3A_250 = arith.extui %ge3A_249 : vector<4x64x128xi1> to vector<4x64x128xi32>
    %reduce_sum3A_251 = arith.constant dense<0> : vector<4x64xi32>
    %reduce_sum3A_252 = vector.multi_reduction <add>, %convert_element_type3A_250, %reduce_sum3A_251 [2] : vector<4x64x128xi32> to vector<4x64xi32>
    %broadcast_in_dim3A_253 = vector.shape_cast %reduce_sum3A_252 : vector<4x64xi32> to vector<4x64x1xi32>
    %reduce_sum3A_254 = arith.constant dense<0> : vector<4x1xi32>
    %reduce_sum3A_255 = vector.multi_reduction <add>, %broadcast_in_dim3A_253, %reduce_sum3A_254 [1] : vector<4x64x1xi32> to vector<4x1xi32>
    %broadcast_in_dim3A_256 = vector.shape_cast %reduce_sum3A_255 : vector<4x1xi32> to vector<4x1x1xi32>
    %ge3A_257 = arith.constant 4096 : i32
    %ge3A_258 = vector.broadcast %ge3A_257 : i32 to vector<4x1x1xi32>
    %ge3A_259 = arith.cmpi sge, %broadcast_in_dim3A_256, %ge3A_258 : vector<4x1x1xi32>
    %select_n3A_260 = arith.select %ge3A_259, %or3A_247, %select_n3A_244 : vector<4x1x1xi1>, vector<4x1x1xi32>
    %or3A_261 = arith.constant 32768 : i32
    %or3A_262 = vector.broadcast %or3A_261 : i32 to vector<4x1x1xi32>
    %or3A_263 = arith.ori %select_n3A_260, %or3A_262 : vector<4x1x1xi32>
    %ge3A_264 = vector.broadcast %or3A_263 : vector<4x1x1xi32> to vector<4x64x128xi32>
    %ge3A_265 = arith.cmpi uge, %select_n3A, %ge3A_264 : vector<4x64x128xi32>
    %convert_element_type3A_266 = arith.extui %ge3A_265 : vector<4x64x128xi1> to vector<4x64x128xi32>
    %reduce_sum3A_267 = arith.constant dense<0> : vector<4x64xi32>
    %reduce_sum3A_268 = vector.multi_reduction <add>, %convert_element_type3A_266, %reduce_sum3A_267 [2] : vector<4x64x128xi32> to vector<4x64xi32>
    %broadcast_in_dim3A_269 = vector.shape_cast %reduce_sum3A_268 : vector<4x64xi32> to vector<4x64x1xi32>
    %reduce_sum3A_270 = arith.constant dense<0> : vector<4x1xi32>
    %reduce_sum3A_271 = vector.multi_reduction <add>, %broadcast_in_dim3A_269, %reduce_sum3A_270 [1] : vector<4x64x1xi32> to vector<4x1xi32>
    %broadcast_in_dim3A_272 = vector.shape_cast %reduce_sum3A_271 : vector<4x1xi32> to vector<4x1x1xi32>
    %ge3A_273 = arith.constant 4096 : i32
    %ge3A_274 = vector.broadcast %ge3A_273 : i32 to vector<4x1x1xi32>
    %ge3A_275 = arith.cmpi sge, %broadcast_in_dim3A_272, %ge3A_274 : vector<4x1x1xi32>
    %select_n3A_276 = arith.select %ge3A_275, %or3A_263, %select_n3A_260 : vector<4x1x1xi1>, vector<4x1x1xi32>
    %or3A_277 = arith.constant 16384 : i32
    %or3A_278 = vector.broadcast %or3A_277 : i32 to vector<4x1x1xi32>
    %or3A_279 = arith.ori %select_n3A_276, %or3A_278 : vector<4x1x1xi32>
    %ge3A_280 = vector.broadcast %or3A_279 : vector<4x1x1xi32> to vector<4x64x128xi32>
    %ge3A_281 = arith.cmpi uge, %select_n3A, %ge3A_280 : vector<4x64x128xi32>
    %convert_element_type3A_282 = arith.extui %ge3A_281 : vector<4x64x128xi1> to vector<4x64x128xi32>
    %reduce_sum3A_283 = arith.constant dense<0> : vector<4x64xi32>
    %reduce_sum3A_284 = vector.multi_reduction <add>, %convert_element_type3A_282, %reduce_sum3A_283 [2] : vector<4x64x128xi32> to vector<4x64xi32>
    %broadcast_in_dim3A_285 = vector.shape_cast %reduce_sum3A_284 : vector<4x64xi32> to vector<4x64x1xi32>
    %reduce_sum3A_286 = arith.constant dense<0> : vector<4x1xi32>
    %reduce_sum3A_287 = vector.multi_reduction <add>, %broadcast_in_dim3A_285, %reduce_sum3A_286 [1] : vector<4x64x1xi32> to vector<4x1xi32>
    %broadcast_in_dim3A_288 = vector.shape_cast %reduce_sum3A_287 : vector<4x1xi32> to vector<4x1x1xi32>
    %ge3A_289 = arith.constant 4096 : i32
    %ge3A_290 = vector.broadcast %ge3A_289 : i32 to vector<4x1x1xi32>
    %ge3A_291 = arith.cmpi sge, %broadcast_in_dim3A_288, %ge3A_290 : vector<4x1x1xi32>
    %select_n3A_292 = arith.select %ge3A_291, %or3A_279, %select_n3A_276 : vector<4x1x1xi1>, vector<4x1x1xi32>
    %or3A_293 = arith.constant 8192 : i32
    %or3A_294 = vector.broadcast %or3A_293 : i32 to vector<4x1x1xi32>
    %or3A_295 = arith.ori %select_n3A_292, %or3A_294 : vector<4x1x1xi32>
    %ge3A_296 = vector.broadcast %or3A_295 : vector<4x1x1xi32> to vector<4x64x128xi32>
    %ge3A_297 = arith.cmpi uge, %select_n3A, %ge3A_296 : vector<4x64x128xi32>
    %convert_element_type3A_298 = arith.extui %ge3A_297 : vector<4x64x128xi1> to vector<4x64x128xi32>
    %reduce_sum3A_299 = arith.constant dense<0> : vector<4x64xi32>
    %reduce_sum3A_300 = vector.multi_reduction <add>, %convert_element_type3A_298, %reduce_sum3A_299 [2] : vector<4x64x128xi32> to vector<4x64xi32>
    %broadcast_in_dim3A_301 = vector.shape_cast %reduce_sum3A_300 : vector<4x64xi32> to vector<4x64x1xi32>
    %reduce_sum3A_302 = arith.constant dense<0> : vector<4x1xi32>
    %reduce_sum3A_303 = vector.multi_reduction <add>, %broadcast_in_dim3A_301, %reduce_sum3A_302 [1] : vector<4x64x1xi32> to vector<4x1xi32>
    %broadcast_in_dim3A_304 = vector.shape_cast %reduce_sum3A_303 : vector<4x1xi32> to vector<4x1x1xi32>
    %ge3A_305 = arith.constant 4096 : i32
    %ge3A_306 = vector.broadcast %ge3A_305 : i32 to vector<4x1x1xi32>
    %ge3A_307 = arith.cmpi sge, %broadcast_in_dim3A_304, %ge3A_306 : vector<4x1x1xi32>
    %select_n3A_308 = arith.select %ge3A_307, %or3A_295, %select_n3A_292 : vector<4x1x1xi1>, vector<4x1x1xi32>
    %or3A_309 = arith.constant 4096 : i32
    %or3A_310 = vector.broadcast %or3A_309 : i32 to vector<4x1x1xi32>
    %or3A_311 = arith.ori %select_n3A_308, %or3A_310 : vector<4x1x1xi32>
    %ge3A_312 = vector.broadcast %or3A_311 : vector<4x1x1xi32> to vector<4x64x128xi32>
    %ge3A_313 = arith.cmpi uge, %select_n3A, %ge3A_312 : vector<4x64x128xi32>
    %convert_element_type3A_314 = arith.extui %ge3A_313 : vector<4x64x128xi1> to vector<4x64x128xi32>
    %reduce_sum3A_315 = arith.constant dense<0> : vector<4x64xi32>
    %reduce_sum3A_316 = vector.multi_reduction <add>, %convert_element_type3A_314, %reduce_sum3A_315 [2] : vector<4x64x128xi32> to vector<4x64xi32>
    %broadcast_in_dim3A_317 = vector.shape_cast %reduce_sum3A_316 : vector<4x64xi32> to vector<4x64x1xi32>
    %reduce_sum3A_318 = arith.constant dense<0> : vector<4x1xi32>
    %reduce_sum3A_319 = vector.multi_reduction <add>, %broadcast_in_dim3A_317, %reduce_sum3A_318 [1] : vector<4x64x1xi32> to vector<4x1xi32>
    %broadcast_in_dim3A_320 = vector.shape_cast %reduce_sum3A_319 : vector<4x1xi32> to vector<4x1x1xi32>
    %ge3A_321 = arith.constant 4096 : i32
    %ge3A_322 = vector.broadcast %ge3A_321 : i32 to vector<4x1x1xi32>
    %ge3A_323 = arith.cmpi sge, %broadcast_in_dim3A_320, %ge3A_322 : vector<4x1x1xi32>
    %select_n3A_324 = arith.select %ge3A_323, %or3A_311, %select_n3A_308 : vector<4x1x1xi1>, vector<4x1x1xi32>
    %or3A_325 = arith.constant 2048 : i32
    %or3A_326 = vector.broadcast %or3A_325 : i32 to vector<4x1x1xi32>
    %or3A_327 = arith.ori %select_n3A_324, %or3A_326 : vector<4x1x1xi32>
    %ge3A_328 = vector.broadcast %or3A_327 : vector<4x1x1xi32> to vector<4x64x128xi32>
    %ge3A_329 = arith.cmpi uge, %select_n3A, %ge3A_328 : vector<4x64x128xi32>
    %convert_element_type3A_330 = arith.extui %ge3A_329 : vector<4x64x128xi1> to vector<4x64x128xi32>
    %reduce_sum3A_331 = arith.constant dense<0> : vector<4x64xi32>
    %reduce_sum3A_332 = vector.multi_reduction <add>, %convert_element_type3A_330, %reduce_sum3A_331 [2] : vector<4x64x128xi32> to vector<4x64xi32>
    %broadcast_in_dim3A_333 = vector.shape_cast %reduce_sum3A_332 : vector<4x64xi32> to vector<4x64x1xi32>
    %reduce_sum3A_334 = arith.constant dense<0> : vector<4x1xi32>
    %reduce_sum3A_335 = vector.multi_reduction <add>, %broadcast_in_dim3A_333, %reduce_sum3A_334 [1] : vector<4x64x1xi32> to vector<4x1xi32>
    %broadcast_in_dim3A_336 = vector.shape_cast %reduce_sum3A_335 : vector<4x1xi32> to vector<4x1x1xi32>
    %ge3A_337 = arith.constant 4096 : i32
    %ge3A_338 = vector.broadcast %ge3A_337 : i32 to vector<4x1x1xi32>
    %ge3A_339 = arith.cmpi sge, %broadcast_in_dim3A_336, %ge3A_338 : vector<4x1x1xi32>
    %select_n3A_340 = arith.select %ge3A_339, %or3A_327, %select_n3A_324 : vector<4x1x1xi1>, vector<4x1x1xi32>
    %or3A_341 = arith.constant 1024 : i32
    %or3A_342 = vector.broadcast %or3A_341 : i32 to vector<4x1x1xi32>
    %or3A_343 = arith.ori %select_n3A_340, %or3A_342 : vector<4x1x1xi32>
    %ge3A_344 = vector.broadcast %or3A_343 : vector<4x1x1xi32> to vector<4x64x128xi32>
    %ge3A_345 = arith.cmpi uge, %select_n3A, %ge3A_344 : vector<4x64x128xi32>
    %convert_element_type3A_346 = arith.extui %ge3A_345 : vector<4x64x128xi1> to vector<4x64x128xi32>
    %reduce_sum3A_347 = arith.constant dense<0> : vector<4x64xi32>
    %reduce_sum3A_348 = vector.multi_reduction <add>, %convert_element_type3A_346, %reduce_sum3A_347 [2] : vector<4x64x128xi32> to vector<4x64xi32>
    %broadcast_in_dim3A_349 = vector.shape_cast %reduce_sum3A_348 : vector<4x64xi32> to vector<4x64x1xi32>
    %reduce_sum3A_350 = arith.constant dense<0> : vector<4x1xi32>
    %reduce_sum3A_351 = vector.multi_reduction <add>, %broadcast_in_dim3A_349, %reduce_sum3A_350 [1] : vector<4x64x1xi32> to vector<4x1xi32>
    %broadcast_in_dim3A_352 = vector.shape_cast %reduce_sum3A_351 : vector<4x1xi32> to vector<4x1x1xi32>
    %ge3A_353 = arith.constant 4096 : i32
    %ge3A_354 = vector.broadcast %ge3A_353 : i32 to vector<4x1x1xi32>
    %ge3A_355 = arith.cmpi sge, %broadcast_in_dim3A_352, %ge3A_354 : vector<4x1x1xi32>
    %select_n3A_356 = arith.select %ge3A_355, %or3A_343, %select_n3A_340 : vector<4x1x1xi1>, vector<4x1x1xi32>
    %or3A_357 = arith.constant 512 : i32
    %or3A_358 = vector.broadcast %or3A_357 : i32 to vector<4x1x1xi32>
    %or3A_359 = arith.ori %select_n3A_356, %or3A_358 : vector<4x1x1xi32>
    %ge3A_360 = vector.broadcast %or3A_359 : vector<4x1x1xi32> to vector<4x64x128xi32>
    %ge3A_361 = arith.cmpi uge, %select_n3A, %ge3A_360 : vector<4x64x128xi32>
    %convert_element_type3A_362 = arith.extui %ge3A_361 : vector<4x64x128xi1> to vector<4x64x128xi32>
    %reduce_sum3A_363 = arith.constant dense<0> : vector<4x64xi32>
    %reduce_sum3A_364 = vector.multi_reduction <add>, %convert_element_type3A_362, %reduce_sum3A_363 [2] : vector<4x64x128xi32> to vector<4x64xi32>
    %broadcast_in_dim3A_365 = vector.shape_cast %reduce_sum3A_364 : vector<4x64xi32> to vector<4x64x1xi32>
    %reduce_sum3A_366 = arith.constant dense<0> : vector<4x1xi32>
    %reduce_sum3A_367 = vector.multi_reduction <add>, %broadcast_in_dim3A_365, %reduce_sum3A_366 [1] : vector<4x64x1xi32> to vector<4x1xi32>
    %broadcast_in_dim3A_368 = vector.shape_cast %reduce_sum3A_367 : vector<4x1xi32> to vector<4x1x1xi32>
    %ge3A_369 = arith.constant 4096 : i32
    %ge3A_370 = vector.broadcast %ge3A_369 : i32 to vector<4x1x1xi32>
    %ge3A_371 = arith.cmpi sge, %broadcast_in_dim3A_368, %ge3A_370 : vector<4x1x1xi32>
    %select_n3A_372 = arith.select %ge3A_371, %or3A_359, %select_n3A_356 : vector<4x1x1xi1>, vector<4x1x1xi32>
    %or3A_373 = arith.constant 256 : i32
    %or3A_374 = vector.broadcast %or3A_373 : i32 to vector<4x1x1xi32>
    %or3A_375 = arith.ori %select_n3A_372, %or3A_374 : vector<4x1x1xi32>
    %ge3A_376 = vector.broadcast %or3A_375 : vector<4x1x1xi32> to vector<4x64x128xi32>
    %ge3A_377 = arith.cmpi uge, %select_n3A, %ge3A_376 : vector<4x64x128xi32>
    %convert_element_type3A_378 = arith.extui %ge3A_377 : vector<4x64x128xi1> to vector<4x64x128xi32>
    %reduce_sum3A_379 = arith.constant dense<0> : vector<4x64xi32>
    %reduce_sum3A_380 = vector.multi_reduction <add>, %convert_element_type3A_378, %reduce_sum3A_379 [2] : vector<4x64x128xi32> to vector<4x64xi32>
    %broadcast_in_dim3A_381 = vector.shape_cast %reduce_sum3A_380 : vector<4x64xi32> to vector<4x64x1xi32>
    %reduce_sum3A_382 = arith.constant dense<0> : vector<4x1xi32>
    %reduce_sum3A_383 = vector.multi_reduction <add>, %broadcast_in_dim3A_381, %reduce_sum3A_382 [1] : vector<4x64x1xi32> to vector<4x1xi32>
    %broadcast_in_dim3A_384 = vector.shape_cast %reduce_sum3A_383 : vector<4x1xi32> to vector<4x1x1xi32>
    %ge3A_385 = arith.constant 4096 : i32
    %ge3A_386 = vector.broadcast %ge3A_385 : i32 to vector<4x1x1xi32>
    %ge3A_387 = arith.cmpi sge, %broadcast_in_dim3A_384, %ge3A_386 : vector<4x1x1xi32>
    %select_n3A_388 = arith.select %ge3A_387, %or3A_375, %select_n3A_372 : vector<4x1x1xi1>, vector<4x1x1xi32>
    %or3A_389 = arith.constant 128 : i32
    %or3A_390 = vector.broadcast %or3A_389 : i32 to vector<4x1x1xi32>
    %or3A_391 = arith.ori %select_n3A_388, %or3A_390 : vector<4x1x1xi32>
    %ge3A_392 = vector.broadcast %or3A_391 : vector<4x1x1xi32> to vector<4x64x128xi32>
    %ge3A_393 = arith.cmpi uge, %select_n3A, %ge3A_392 : vector<4x64x128xi32>
    %convert_element_type3A_394 = arith.extui %ge3A_393 : vector<4x64x128xi1> to vector<4x64x128xi32>
    %reduce_sum3A_395 = arith.constant dense<0> : vector<4x64xi32>
    %reduce_sum3A_396 = vector.multi_reduction <add>, %convert_element_type3A_394, %reduce_sum3A_395 [2] : vector<4x64x128xi32> to vector<4x64xi32>
    %broadcast_in_dim3A_397 = vector.shape_cast %reduce_sum3A_396 : vector<4x64xi32> to vector<4x64x1xi32>
    %reduce_sum3A_398 = arith.constant dense<0> : vector<4x1xi32>
    %reduce_sum3A_399 = vector.multi_reduction <add>, %broadcast_in_dim3A_397, %reduce_sum3A_398 [1] : vector<4x64x1xi32> to vector<4x1xi32>
    %broadcast_in_dim3A_400 = vector.shape_cast %reduce_sum3A_399 : vector<4x1xi32> to vector<4x1x1xi32>
    %ge3A_401 = arith.constant 4096 : i32
    %ge3A_402 = vector.broadcast %ge3A_401 : i32 to vector<4x1x1xi32>
    %ge3A_403 = arith.cmpi sge, %broadcast_in_dim3A_400, %ge3A_402 : vector<4x1x1xi32>
    %select_n3A_404 = arith.select %ge3A_403, %or3A_391, %select_n3A_388 : vector<4x1x1xi1>, vector<4x1x1xi32>
    %or3A_405 = arith.constant 64 : i32
    %or3A_406 = vector.broadcast %or3A_405 : i32 to vector<4x1x1xi32>
    %or3A_407 = arith.ori %select_n3A_404, %or3A_406 : vector<4x1x1xi32>
    %ge3A_408 = vector.broadcast %or3A_407 : vector<4x1x1xi32> to vector<4x64x128xi32>
    %ge3A_409 = arith.cmpi uge, %select_n3A, %ge3A_408 : vector<4x64x128xi32>
    %convert_element_type3A_410 = arith.extui %ge3A_409 : vector<4x64x128xi1> to vector<4x64x128xi32>
    %reduce_sum3A_411 = arith.constant dense<0> : vector<4x64xi32>
    %reduce_sum3A_412 = vector.multi_reduction <add>, %convert_element_type3A_410, %reduce_sum3A_411 [2] : vector<4x64x128xi32> to vector<4x64xi32>
    %broadcast_in_dim3A_413 = vector.shape_cast %reduce_sum3A_412 : vector<4x64xi32> to vector<4x64x1xi32>
    %reduce_sum3A_414 = arith.constant dense<0> : vector<4x1xi32>
    %reduce_sum3A_415 = vector.multi_reduction <add>, %broadcast_in_dim3A_413, %reduce_sum3A_414 [1] : vector<4x64x1xi32> to vector<4x1xi32>
    %broadcast_in_dim3A_416 = vector.shape_cast %reduce_sum3A_415 : vector<4x1xi32> to vector<4x1x1xi32>
    %ge3A_417 = arith.constant 4096 : i32
    %ge3A_418 = vector.broadcast %ge3A_417 : i32 to vector<4x1x1xi32>
    %ge3A_419 = arith.cmpi sge, %broadcast_in_dim3A_416, %ge3A_418 : vector<4x1x1xi32>
    %select_n3A_420 = arith.select %ge3A_419, %or3A_407, %select_n3A_404 : vector<4x1x1xi1>, vector<4x1x1xi32>
    %or3A_421 = arith.constant 32 : i32
    %or3A_422 = vector.broadcast %or3A_421 : i32 to vector<4x1x1xi32>
    %or3A_423 = arith.ori %select_n3A_420, %or3A_422 : vector<4x1x1xi32>
    %ge3A_424 = vector.broadcast %or3A_423 : vector<4x1x1xi32> to vector<4x64x128xi32>
    %ge3A_425 = arith.cmpi uge, %select_n3A, %ge3A_424 : vector<4x64x128xi32>
    %convert_element_type3A_426 = arith.extui %ge3A_425 : vector<4x64x128xi1> to vector<4x64x128xi32>
    %reduce_sum3A_427 = arith.constant dense<0> : vector<4x64xi32>
    %reduce_sum3A_428 = vector.multi_reduction <add>, %convert_element_type3A_426, %reduce_sum3A_427 [2] : vector<4x64x128xi32> to vector<4x64xi32>
    %broadcast_in_dim3A_429 = vector.shape_cast %reduce_sum3A_428 : vector<4x64xi32> to vector<4x64x1xi32>
    %reduce_sum3A_430 = arith.constant dense<0> : vector<4x1xi32>
    %reduce_sum3A_431 = vector.multi_reduction <add>, %broadcast_in_dim3A_429, %reduce_sum3A_430 [1] : vector<4x64x1xi32> to vector<4x1xi32>
    %broadcast_in_dim3A_432 = vector.shape_cast %reduce_sum3A_431 : vector<4x1xi32> to vector<4x1x1xi32>
    %ge3A_433 = arith.constant 4096 : i32
    %ge3A_434 = vector.broadcast %ge3A_433 : i32 to vector<4x1x1xi32>
    %ge3A_435 = arith.cmpi sge, %broadcast_in_dim3A_432, %ge3A_434 : vector<4x1x1xi32>
    %select_n3A_436 = arith.select %ge3A_435, %or3A_423, %select_n3A_420 : vector<4x1x1xi1>, vector<4x1x1xi32>
    %or3A_437 = arith.constant 16 : i32
    %or3A_438 = vector.broadcast %or3A_437 : i32 to vector<4x1x1xi32>
    %or3A_439 = arith.ori %select_n3A_436, %or3A_438 : vector<4x1x1xi32>
    %ge3A_440 = vector.broadcast %or3A_439 : vector<4x1x1xi32> to vector<4x64x128xi32>
    %ge3A_441 = arith.cmpi uge, %select_n3A, %ge3A_440 : vector<4x64x128xi32>
    %convert_element_type3A_442 = arith.extui %ge3A_441 : vector<4x64x128xi1> to vector<4x64x128xi32>
    %reduce_sum3A_443 = arith.constant dense<0> : vector<4x64xi32>
    %reduce_sum3A_444 = vector.multi_reduction <add>, %convert_element_type3A_442, %reduce_sum3A_443 [2] : vector<4x64x128xi32> to vector<4x64xi32>
    %broadcast_in_dim3A_445 = vector.shape_cast %reduce_sum3A_444 : vector<4x64xi32> to vector<4x64x1xi32>
    %reduce_sum3A_446 = arith.constant dense<0> : vector<4x1xi32>
    %reduce_sum3A_447 = vector.multi_reduction <add>, %broadcast_in_dim3A_445, %reduce_sum3A_446 [1] : vector<4x64x1xi32> to vector<4x1xi32>
    %broadcast_in_dim3A_448 = vector.shape_cast %reduce_sum3A_447 : vector<4x1xi32> to vector<4x1x1xi32>
    %ge3A_449 = arith.constant 4096 : i32
    %ge3A_450 = vector.broadcast %ge3A_449 : i32 to vector<4x1x1xi32>
    %ge3A_451 = arith.cmpi sge, %broadcast_in_dim3A_448, %ge3A_450 : vector<4x1x1xi32>
    %select_n3A_452 = arith.select %ge3A_451, %or3A_439, %select_n3A_436 : vector<4x1x1xi1>, vector<4x1x1xi32>
    %or3A_453 = arith.constant 8 : i32
    %or3A_454 = vector.broadcast %or3A_453 : i32 to vector<4x1x1xi32>
    %or3A_455 = arith.ori %select_n3A_452, %or3A_454 : vector<4x1x1xi32>
    %ge3A_456 = vector.broadcast %or3A_455 : vector<4x1x1xi32> to vector<4x64x128xi32>
    %ge3A_457 = arith.cmpi uge, %select_n3A, %ge3A_456 : vector<4x64x128xi32>
    %convert_element_type3A_458 = arith.extui %ge3A_457 : vector<4x64x128xi1> to vector<4x64x128xi32>
    %reduce_sum3A_459 = arith.constant dense<0> : vector<4x64xi32>
    %reduce_sum3A_460 = vector.multi_reduction <add>, %convert_element_type3A_458, %reduce_sum3A_459 [2] : vector<4x64x128xi32> to vector<4x64xi32>
    %broadcast_in_dim3A_461 = vector.shape_cast %reduce_sum3A_460 : vector<4x64xi32> to vector<4x64x1xi32>
    %reduce_sum3A_462 = arith.constant dense<0> : vector<4x1xi32>
    %reduce_sum3A_463 = vector.multi_reduction <add>, %broadcast_in_dim3A_461, %reduce_sum3A_462 [1] : vector<4x64x1xi32> to vector<4x1xi32>
    %broadcast_in_dim3A_464 = vector.shape_cast %reduce_sum3A_463 : vector<4x1xi32> to vector<4x1x1xi32>
    %ge3A_465 = arith.constant 4096 : i32
    %ge3A_466 = vector.broadcast %ge3A_465 : i32 to vector<4x1x1xi32>
    %ge3A_467 = arith.cmpi sge, %broadcast_in_dim3A_464, %ge3A_466 : vector<4x1x1xi32>
    %select_n3A_468 = arith.select %ge3A_467, %or3A_455, %select_n3A_452 : vector<4x1x1xi1>, vector<4x1x1xi32>
    %or3A_469 = arith.constant 4 : i32
    %or3A_470 = vector.broadcast %or3A_469 : i32 to vector<4x1x1xi32>
    %or3A_471 = arith.ori %select_n3A_468, %or3A_470 : vector<4x1x1xi32>
    %ge3A_472 = vector.broadcast %or3A_471 : vector<4x1x1xi32> to vector<4x64x128xi32>
    %ge3A_473 = arith.cmpi uge, %select_n3A, %ge3A_472 : vector<4x64x128xi32>
    %convert_element_type3A_474 = arith.extui %ge3A_473 : vector<4x64x128xi1> to vector<4x64x128xi32>
    %reduce_sum3A_475 = arith.constant dense<0> : vector<4x64xi32>
    %reduce_sum3A_476 = vector.multi_reduction <add>, %convert_element_type3A_474, %reduce_sum3A_475 [2] : vector<4x64x128xi32> to vector<4x64xi32>
    %broadcast_in_dim3A_477 = vector.shape_cast %reduce_sum3A_476 : vector<4x64xi32> to vector<4x64x1xi32>
    %reduce_sum3A_478 = arith.constant dense<0> : vector<4x1xi32>
    %reduce_sum3A_479 = vector.multi_reduction <add>, %broadcast_in_dim3A_477, %reduce_sum3A_478 [1] : vector<4x64x1xi32> to vector<4x1xi32>
    %broadcast_in_dim3A_480 = vector.shape_cast %reduce_sum3A_479 : vector<4x1xi32> to vector<4x1x1xi32>
    %ge3A_481 = arith.constant 4096 : i32
    %ge3A_482 = vector.broadcast %ge3A_481 : i32 to vector<4x1x1xi32>
    %ge3A_483 = arith.cmpi sge, %broadcast_in_dim3A_480, %ge3A_482 : vector<4x1x1xi32>
    %select_n3A_484 = arith.select %ge3A_483, %or3A_471, %select_n3A_468 : vector<4x1x1xi1>, vector<4x1x1xi32>
    %or3A_485 = arith.constant 2 : i32
    %or3A_486 = vector.broadcast %or3A_485 : i32 to vector<4x1x1xi32>
    %or3A_487 = arith.ori %select_n3A_484, %or3A_486 : vector<4x1x1xi32>
    %ge3A_488 = vector.broadcast %or3A_487 : vector<4x1x1xi32> to vector<4x64x128xi32>
    %ge3A_489 = arith.cmpi uge, %select_n3A, %ge3A_488 : vector<4x64x128xi32>
    %convert_element_type3A_490 = arith.extui %ge3A_489 : vector<4x64x128xi1> to vector<4x64x128xi32>
    %reduce_sum3A_491 = arith.constant dense<0> : vector<4x64xi32>
    %reduce_sum3A_492 = vector.multi_reduction <add>, %convert_element_type3A_490, %reduce_sum3A_491 [2] : vector<4x64x128xi32> to vector<4x64xi32>
    %broadcast_in_dim3A_493 = vector.shape_cast %reduce_sum3A_492 : vector<4x64xi32> to vector<4x64x1xi32>
    %reduce_sum3A_494 = arith.constant dense<0> : vector<4x1xi32>
    %reduce_sum3A_495 = vector.multi_reduction <add>, %broadcast_in_dim3A_493, %reduce_sum3A_494 [1] : vector<4x64x1xi32> to vector<4x1xi32>
    %broadcast_in_dim3A_496 = vector.shape_cast %reduce_sum3A_495 : vector<4x1xi32> to vector<4x1x1xi32>
    %ge3A_497 = arith.constant 4096 : i32
    %ge3A_498 = vector.broadcast %ge3A_497 : i32 to vector<4x1x1xi32>
    %ge3A_499 = arith.cmpi sge, %broadcast_in_dim3A_496, %ge3A_498 : vector<4x1x1xi32>
    %select_n3A_500 = arith.select %ge3A_499, %or3A_487, %select_n3A_484 : vector<4x1x1xi1>, vector<4x1x1xi32>
    %or3A_501 = arith.constant 1 : i32
    %or3A_502 = vector.broadcast %or3A_501 : i32 to vector<4x1x1xi32>
    %or3A_503 = arith.ori %select_n3A_500, %or3A_502 : vector<4x1x1xi32>
    %ge3A_504 = vector.broadcast %or3A_503 : vector<4x1x1xi32> to vector<4x64x128xi32>
    %ge3A_505 = arith.cmpi uge, %select_n3A, %ge3A_504 : vector<4x64x128xi32>
    %convert_element_type3A_506 = arith.extui %ge3A_505 : vector<4x64x128xi1> to vector<4x64x128xi32>
    %reduce_sum3A_507 = arith.constant dense<0> : vector<4x64xi32>
    %reduce_sum3A_508 = vector.multi_reduction <add>, %convert_element_type3A_506, %reduce_sum3A_507 [2] : vector<4x64x128xi32> to vector<4x64xi32>
    %broadcast_in_dim3A_509 = vector.shape_cast %reduce_sum3A_508 : vector<4x64xi32> to vector<4x64x1xi32>
    %reduce_sum3A_510 = arith.constant dense<0> : vector<4x1xi32>
    %reduce_sum3A_511 = vector.multi_reduction <add>, %broadcast_in_dim3A_509, %reduce_sum3A_510 [1] : vector<4x64x1xi32> to vector<4x1xi32>
    %broadcast_in_dim3A_512 = vector.shape_cast %reduce_sum3A_511 : vector<4x1xi32> to vector<4x1x1xi32>
    %ge3A_513 = arith.constant 4096 : i32
    %ge3A_514 = vector.broadcast %ge3A_513 : i32 to vector<4x1x1xi32>
    %ge3A_515 = arith.cmpi sge, %broadcast_in_dim3A_512, %ge3A_514 : vector<4x1x1xi32>
    %select_n3A_516 = arith.select %ge3A_515, %or3A_503, %select_n3A_500 : vector<4x1x1xi1>, vector<4x1x1xi32>
    %gt3A = vector.broadcast %select_n3A_516 : vector<4x1x1xi32> to vector<4x64x128xi32>
    %gt3A_517 = arith.cmpi ugt, %select_n3A, %gt3A : vector<4x64x128xi32>
    %eq3A = vector.broadcast %select_n3A_516 : vector<4x1x1xi32> to vector<4x64x128xi32>
    %eq3A_518 = arith.cmpi eq, %select_n3A, %eq3A : vector<4x64x128xi32>
    %convert_element_type3A_519 = arith.extui %gt3A_517 : vector<4x64x128xi1> to vector<4x64x128xi32>
    %reduce_sum3A_520 = arith.constant dense<0> : vector<4x64xi32>
    %reduce_sum3A_521 = vector.multi_reduction <add>, %convert_element_type3A_519, %reduce_sum3A_520 [2] : vector<4x64x128xi32> to vector<4x64xi32>
    %broadcast_in_dim3A_522 = vector.shape_cast %reduce_sum3A_521 : vector<4x64xi32> to vector<4x64x1xi32>
    %reduce_sum3A_523 = arith.constant dense<0> : vector<4x1xi32>
    %reduce_sum3A_524 = vector.multi_reduction <add>, %broadcast_in_dim3A_522, %reduce_sum3A_523 [1] : vector<4x64x1xi32> to vector<4x1xi32>
    %broadcast_in_dim3A_525 = vector.shape_cast %reduce_sum3A_524 : vector<4x1xi32> to vector<4x1x1xi32>
    %sub3A = arith.constant 4096 : i32
    %sub3A_526 = vector.broadcast %sub3A : i32 to vector<4x1x1xi32>
    %sub3A_527 = arith.subi %sub3A_526, %broadcast_in_dim3A_525 : vector<4x1x1xi32>
    %convert_element_type3A_528 = arith.sitofp %sub3A_527 : vector<4x1x1xi32> to vector<4x1x1xf32>
    %reshape3A = vector.shape_cast %gt3A_517 : vector<4x64x128xi1> to vector<256x128xi1>
    %reshape3A_529 = vector.shape_cast %eq3A_518 : vector<4x64x128xi1> to vector<256x128xi1>
    %concatenate3A = tpu.concatenate %reshape3A, %reshape3A_529 in 0 : vector<256x128xi1>, vector<256x128xi1> -> vector<512x128xi1>
    %convert_element_type3A_530 = arith.extui %concatenate3A : vector<512x128xi1> to vector<512x128xi32>
    %convert_element_type3A_531 = arith.sitofp %convert_element_type3A_530 : vector<512x128xi32> to vector<512x128xf32>
    %iota3A = tpu.iota {dimensions = array<i32: 0>} : vector<128x128xi32>
    %iota3A_532 = tpu.iota {dimensions = array<i32: 1>} : vector<128x128xi32>
    %le3A = arith.cmpi sle, %iota3A, %iota3A_532 : vector<128x128xi32>
    %convert_element_type3A_533 = arith.extui %le3A : vector<128x128xi1> to vector<128x128xi32>
    %convert_element_type3A_534 = arith.sitofp %convert_element_type3A_533 : vector<128x128xi32> to vector<128x128xf32>
    %broadcast_in_dim3A_535 = arith.constant 1.000000e+00 : f32
    %broadcast_in_dim3A_536 = vector.broadcast %broadcast_in_dim3A_535 : f32 to vector<128x128xf32>
    %iota3A_537 = tpu.iota {dimensions = array<i32: 0>} : vector<512x512xi32>
    %iota3A_538 = tpu.iota {dimensions = array<i32: 1>} : vector<512x512xi32>
    %shift_right_arithmetic3A = arith.constant 6 : i32
    %shift_right_arithmetic3A_539 = vector.broadcast %shift_right_arithmetic3A : i32 to vector<512x512xi32>
    %shift_right_arithmetic3A_540 = arith.shrsi %iota3A_537, %shift_right_arithmetic3A_539 : vector<512x512xi32>
    %shift_right_arithmetic3A_541 = arith.constant 6 : i32
    %shift_right_arithmetic3A_542 = vector.broadcast %shift_right_arithmetic3A_541 : i32 to vector<512x512xi32>
    %shift_right_arithmetic3A_543 = arith.shrsi %iota3A_538, %shift_right_arithmetic3A_542 : vector<512x512xi32>
    %eq3A_544 = arith.cmpi eq, %shift_right_arithmetic3A_540, %shift_right_arithmetic3A_543 : vector<512x512xi32>
    %lt3A_545 = arith.cmpi slt, %iota3A_538, %iota3A_537 : vector<512x512xi32>
    %and3A = arith.andi %eq3A_544, %lt3A_545 : vector<512x512xi1>
    %convert_element_type3A_546 = arith.extui %and3A : vector<512x512xi1> to vector<512x512xi32>
    %convert_element_type3A_547 = arith.sitofp %convert_element_type3A_546 : vector<512x512xi32> to vector<512x512xf32>
    %dot_general3A = arith.constant dense<0.000000e+00> : vector<512x128xf32>
    %dot_general3A_548 = tpu.matmul %convert_element_type3A_531, %convert_element_type3A_534, %dot_general3A {dimension_numbers = #tpu.dot_dimension_numbers<[1], [0], [0], [1], [0, 0, 1, 1], [], []>, transpose_lhs_hint = false} : vector<512x128xf32>, vector<128x128xf32>, vector<512x128xf32> -> vector<512x128xf32>
    %dot_general3A_549 = arith.constant dense<0.000000e+00> : vector<512x128xf32>
    %dot_general3A_550 = tpu.matmul %convert_element_type3A_531, %broadcast_in_dim3A_536, %dot_general3A_549 {dimension_numbers = #tpu.dot_dimension_numbers<[1], [0], [0], [1], [0, 0, 1, 1], [], []>, transpose_lhs_hint = false} : vector<512x128xf32>, vector<128x128xf32>, vector<512x128xf32> -> vector<512x128xf32>
    %dot_general3A_551 = arith.constant dense<0.000000e+00> : vector<512x128xf32>
    %dot_general3A_552 = tpu.matmul %convert_element_type3A_547, %dot_general3A_550, %dot_general3A_551 {dimension_numbers = #tpu.dot_dimension_numbers<[1], [0], [0], [1], [0, 0, 1, 1], [], []>, transpose_lhs_hint = false} : vector<512x512xf32>, vector<512x128xf32>, vector<512x128xf32> -> vector<512x128xf32>
    %add3A_553 = arith.addf %dot_general3A_548, %dot_general3A_552 : vector<512x128xf32>
    %sub3A_554 = arith.subf %add3A_553, %convert_element_type3A_531 : vector<512x128xf32>
    %slice3A = vector.extract_strided_slice %sub3A_554 {offsets = [0, 0], sizes = [256, 128], strides = [1, 1]} : vector<512x128xf32> to vector<256x128xf32>
    %reshape3A_555 = vector.shape_cast %slice3A : vector<256x128xf32> to vector<4x64x128xf32>
    %slice3A_556 = vector.extract_strided_slice %sub3A_554 {offsets = [256, 0], sizes = [256, 128], strides = [1, 1]} : vector<512x128xf32> to vector<256x128xf32>
    %reshape3A_557 = vector.shape_cast %slice3A_556 : vector<256x128xf32> to vector<4x64x128xf32>
    %lt3A_558 = vector.broadcast %convert_element_type3A_528 : vector<4x1x1xf32> to vector<4x64x128xf32>
    %lt3A_559 = arith.cmpf olt, %reshape3A_557, %lt3A_558 : vector<4x64x128xf32>
    %and3A_560 = arith.andi %eq3A_518, %lt3A_559 : vector<4x64x128xi1>
    %or3A_561 = arith.ori %gt3A_517, %and3A_560 : vector<4x64x128xi1>
    %min3A = vector.broadcast %convert_element_type3A_528 : vector<4x1x1xf32> to vector<4x64x128xf32>
    %min3A_562 = arith.minimumf %reshape3A_557, %min3A : vector<4x64x128xf32>
    %add3A_563 = arith.addf %reshape3A_555, %min3A_562 : vector<4x64x128xf32>
    %convert_element_type3A_564 = arith.extui %or3A_561 : vector<4x64x128xi1> to vector<4x64x128xi32>
    %swap3A = arith.constant 0 : index
    %swap3A_565 = arith.constant 0 : index
    %swap3A_566 = arith.constant 0 : index
    %swap3A_567 = vector.load %arg1[%swap3A, %swap3A_565, %swap3A_566] : memref<4x64x128xi32, #tpu.memory_space<vmem>>, vector<4x64x128xi32>
    tpu.vector_store %arg1[%swap3A, %swap3A_565, %swap3A_566], %convert_element_type3A_564 {strides = array<i32>} : memref<4x64x128xi32, #tpu.memory_space<vmem>>, vector<4x64x128xi32>,
    %convert_element_type3A_568 = arith.fptosi %add3A_563 : vector<4x64x128xf32> to vector<4x64x128xi32>
    %swap3A_569 = arith.constant 0 : index
    %swap3A_570 = arith.constant 0 : index
    %swap3A_571 = arith.constant 0 : index
    %swap3A_572 = vector.load %arg2[%swap3A_569, %swap3A_570, %swap3A_571] : memref<4x64x128xi32, #tpu.memory_space<vmem>>, vector<4x64x128xi32>
    tpu.vector_store %arg2[%swap3A_569, %swap3A_570, %swap3A_571], %convert_element_type3A_568 {strides = array<i32>} : memref<4x64x128xi32, #tpu.memory_space<vmem>>, vector<4x64x128xi32>,
    return
  }
}

</mosaic_0001>

<sc_bundles>
// kernel: kernel.5.cloned.1.call-start
scs
__scs_entry_jumppad:
0x0: {  	(pc) =	sbr.rel $0x88, $3  }
0x1: {  	(tag) =	ssettag $0x0;
	lr =	simm.s32 $0x1  }
0x2: {  	[smem:$0x3F9F] =	sst lr;
	_ =	strace $0xD0000000  }
0x3: {  	_ = 	snop  }
0x4: {  	_ = 	snop  }
0x5: {  	_ = 	snop  }
0x6: {  	_ = 	snop  }
0x7: {  	_ = 	snop  }
__scs_overlays_trampoline_lowered:
0x8: {  	[smem:$0x3FAE] =	sst s0  }
0x9: {  	[smem:$0x3FAF] =	sst s1  }
0xa: {  	[smem:$0x3FB0] =	sst s2  }
0xb: {  	[smem:$0x3FB1] =	sst s3  }
0xc: {  	[smem:$0x3FB2] =	sst s4  }
0xd: {  	[smem:$0x3FB3] =	sst s5  }
0xe: {  	[smem:$0x3FB4] =	sst s6  }
0xf: {  	[smem:$0x3FB5] =	sst s7  }
0x10: {  	[smem:$0x3FB6] =	sst s8  }
0x11: {  	[smem:$0x3FB7] =	sst s9;
	s0 =	simm.s32 @!p0 $0x0  }
0x12: {  	s1 =	sld [smem:$0x3F9D];
	s0 =	simm.s32 @p0 $0x1  }
0x13: {  	[smem:$0x3FB8] =	sst s0;
	s0 =	simm.s32 @!p1 $0x0  }
0x14: {  	s2 =	sld [smem:$0x3F9C];
	s0 =	simm.s32 @p1 $0x1  }
0x15: {  	[smem:$0x3FB9] =	sst s0;
	s0 =	simm.s32 @!p2 $0x0  }
0x16: {  	s3 =	sld [smem:$0x3FDB];
	s0 =	simm.s32 @p2 $0x1  }
0x17: {  	s4 =	simm.s32 $0x1BF5;
	[smem:$0x3FBB] =	sst s0  }
0x18: {  	s0 =	sld [smem:$0x3F9E];
	_ =	swait.ge [sflag:s4], $0x0  }
0x19: {  	s7 =	sld [smem:$0x3F9F]  }
0x1a: {  	s8 =	sadd.s32 $0xFFFFE003, lr  }
0x1b: {  	s9 =	sadd.s32 $0xFFFFFEF7, lr;
	s5 =	simm.s32 $0xFFFFFFFF;
	p2 =	slt.u32 s8, $0xFFFFF086  }
0x1c: {  	p1 =	slt.u32 s9, $0xF7A;
	s5 =	simm.s32 @!p2 $0x0  }
0x1d: {  	s5 =	simm.s32 @p1 $0x1;
	p0 =	seq.s32 s7, s2  }
0x1e: {  	s7 =	smul.u32 @!p0 $0xF7A, s2;
	p2 =	seq.s32 @!p0 s5, $0x0  }
0x1f: {  	s9 =	smul.u32 $0xF7A, s1;
	s8 =	simm.s32 @!p0 $0x1BF5;
	p2 =	por !p2, p0  }
0x20: {  	[sflag:s8] =	ssyncset.s32 @!p0 $0xFFFFF086;
	s6 =	sadd.s32 @!p0 s3, s7;
	s7 =	simm.s32 @!p0 $0x108  }
0x21: {  	s3 =	sadd.s32 s3, s9;
	s6 =	sadd.s32 @!p0 $0x88, s6;
	s7 =	simm.s32 @p2 $0x1082  }
0x22: {  	[simem:s7], [sflag:s8] =	dma.local @!p0 [hbm:s6], $0xF7A  }
0x23: {  	s9 =	sor.u32 $0xD0000000, s2;
	s6 =	simm.s32 $0x108;
	_ =	swait.ge @!p0 [sflag:s8], $0x0  }
0x24: {  	s3 =	sadd.s32 $0x88, s3;
	s6 =	simm.s32 @!p1 $0x1082;
	[sflag:s4] =	ssyncset.s32 $0xFFFFF086  }
0x25: {  	[simem:s6], [sflag:s4] =	dma.local [hbm:s3], $0xF7A  }
0x26: {  	[smem:$0x3F9F] =	sst s1;
	(tag) =	ssettag s2;
	_ =	strace s9  }
0x27: {  	s1 =	sld [smem:$0x3FAF]  }
0x28: {  	s2 =	sld [smem:$0x3FB0]  }
0x29: {  	s4 =	sld [smem:$0x3FB2]  }
0x2a: {  	p0 =	seq.s32 s5, $0x0;
	s5 =	sld [smem:$0x3FB3]  }
0x2b: {  	s6 =	sld [smem:$0x3FB4]  }
0x2c: {  	s7 =	sld [smem:$0x3FB5]  }
0x2d: {  	s3 =	simm.s32 $0x108;
	s8 =	sld [smem:$0x3FB6]  }
0x2e: {  	s3 =	simm.s32 @!p0 $0x1082;
	s9 =	sld [smem:$0x3FB7]  }
0x2f: {  	lr =	sadd.s32 s0, s3;
	s0 =	sld [smem:$0x3FAE]  }
0x30: {  	s3 =	sld [smem:$0x3FB1]  }
0x31: {  	[smem:$0x3FBA] =	sst s10  }
0x32: {  	s10 =	sld [smem:$0x3FB8];
	_ =	sdelay $0x3  }
0x33: {  	p0 =	seq.s32 s10, $0x1;
	s10 =	sld [smem:$0x3FBA];
	_ =	sdelay $0x3  }
0x34: {  	[smem:$0x3FBA] =	sst s10  }
0x35: {  	s10 =	sld [smem:$0x3FB9];
	_ =	sdelay $0x3  }
0x36: {  	p1 =	seq.s32 s10, $0x1;
	s10 =	sld [smem:$0x3FBA];
	_ =	sdelay $0x3  }
0x37: {  	[smem:$0x3FBA] =	sst s10  }
0x38: {  	s10 =	sld [smem:$0x3FBB]  }
0x39: {  	_ = 	snop;
	(pc) =	sbr.ind lr, $3  }
0x3a: {  	_ = 	snop  }
0x3b: {  	_ = 	snop  }
0x3c: {  	p2 =	seq.s32 s10, $0x1;
	s10 =	sld [smem:$0x3FBA]  }
0x3d: {  	_ =	shalt  }
0x3e: {  	_ =	shalt  }
0x3f: {  	_ =	shalt  }
0x40: {  	_ =	shalt  }
0x41: {  	_ =	shalt  }
0x42: {  	_ =	shalt  }
0x43: {  	_ =	shalt  }
0x44: {  	_ =	shalt  }
0x45: {  	_ =	shalt  }
0x46: {  	_ =	shalt  }
0x47: {  	_ =	shalt  }
0x48: {  	_ =	shalt  }
0x49: {  	_ =	shalt  }
0x4a: {  	_ =	shalt  }
0x4b: {  	_ =	shalt  }
0x4c: {  	_ =	shalt  }
0x4d: {  	_ =	shalt  }
0x4e: {  	_ =	shalt  }
0x4f: {  	_ =	shalt  }
0x50: {  	_ =	shalt  }
0x51: {  	_ =	shalt  }
0x52: {  	_ =	shalt  }
0x53: {  	_ =	shalt  }
0x54: {  	_ =	shalt  }
0x55: {  	_ =	shalt  }
0x56: {  	_ =	shalt  }
0x57: {  	_ =	shalt  }
0x58: {  	_ =	shalt  }
0x59: {  	_ =	shalt  }
0x5a: {  	_ =	shalt  }
0x5b: {  	_ =	shalt  }
0x5c: {  	_ =	shalt  }
0x5d: {  	_ =	shalt  }
0x5e: {  	_ =	shalt  }
0x5f: {  	_ =	shalt  }
0x60: {  	_ =	shalt  }
0x61: {  	_ =	shalt  }
0x62: {  	_ =	shalt  }
0x63: {  	_ =	shalt  }
0x64: {  	_ =	shalt  }
0x65: {  	_ =	shalt  }
0x66: {  	_ =	shalt  }
0x67: {  	_ =	shalt  }
0x68: {  	_ =	shalt  }
0x69: {  	_ =	shalt  }
0x6a: {  	_ =	shalt  }
0x6b: {  	_ =	shalt  }
0x6c: {  	_ =	shalt  }
0x6d: {  	_ =	shalt  }
0x6e: {  	_ =	shalt  }
0x6f: {  	_ =	shalt  }
0x70: {  	_ =	shalt  }
0x71: {  	_ =	shalt  }
0x72: {  	_ =	shalt  }
0x73: {  	_ =	shalt  }
0x74: {  	_ =	shalt  }
0x75: {  	_ =	shalt  }
0x76: {  	_ =	shalt  }
0x77: {  	_ =	shalt  }
0x78: {  	_ =	shalt  }
0x79: {  	_ =	shalt  }
0x7a: {  	_ =	shalt  }
0x7b: {  	_ =	shalt  }
0x7c: {  	_ =	shalt  }
0x7d: {  	_ =	shalt  }
0x7e: {  	_ =	shalt  }
0x7f: {  	_ =	shalt  }
0x80: {  	_ =	shalt  }
0x81: {  	_ =	shalt  }
0x82: {  	_ =	shalt  }
0x83: {  	_ =	shalt  }
0x84: {  	_ =	shalt  }
0x85: {  	_ =	shalt  }
0x86: {  	_ =	shalt  }
0x87: {  	_ =	shalt  }
.Lfunc_end0:
.L_simem_size_0:
called_computation_lowered:
.L_overlay_start_0:
0x88: {  	s2 =	sld [smem:$0x3FD9]  }
0x89: {  	s3 =	sld [smem:$0x3FFE];
	_ =	sdelay $0x1  }
0x8a: {  	s1 =	srdreg.scid  }
0x8b: {  	s0 =	sand.u32 $0x1, s1  }
0x8c: {  	s14 =	sshll.u32 s0, $0xA;
	s2 =	sadd.s32 s3, s2  }
0x8d: {  	s2 =	sadd.s32 s2, s14  }
0x8e: {  	[smem:$0x3FC6] =	sst s2  }
0x8f: {  	_ = 	snop  }
0x90: {  	s2 =	sld [smem:$0x3FD0];
	_ =	sdelay $0x2  }
0x91: {  	s4 =	simm.s32 $0xA;
	s5 =	simm.s32 $0x10;
	s15 =	sld [smem:$0x3FC9]  }
0x92: {  	[smem:s5], [sflag:s4] =	dma.local [hbm:s2], $0x1  }
0x93: {  	_ =	swait.eq [sflag:s4], $0x1  }
0x94: {  	[sflag:s4] =	ssyncset.done $0x0  }
0x95: {  	s16 =	sld [smem:$0x10];
	[sflag:s4] =	ssyncadd.s32 $0xFFFFFFFF  }
0x96: {  	s17 =	sld [smem:$0x11];
	(tm) =	ssettm $0x1  }
0x97: {  	s18 =	sld [smem:$0x3FFB];
	_ =	sdelay $0x3  }
0x98: {  	_ =	strace s18  }
0x99: {  	s5 =	sld [smem:$0x3FFC];
	_ =	sdelay $0x3  }
0x9a: {  	_ =	strace s5  }
0x9b: {  	s5 =	sld [smem:$0x3FFD];
	_ =	sdelay $0x3  }
0x9c: {  	_ =	strace s5  }
0x9d: {  	_ =	strace $0x8FFFFFFF  }
0x9e: {  	s19 =	sld [smem:$0x3FDB];
	_ =	sdelay $0x1  }
0x9f: {  	s6 =	simm.s32 $_scs_section_size  }
0xa0: {  	s7 =	simm.s32 $_size__tile_overlayer_lowered;
	s8 =	simm.s32 $_tile_overlayer_lowered  }
0xa1: {  	s22 =	simm.s32 $0x1BFF;
	s21 =	sshll.u32 s8, $0x1;
	s5 =	sadd.s32 s6, s19  }
0xa2: {  	s9 =	simm.s32 $0x0;
	s20 =	sshll.u32 s7, $0x1;
	s7 =	sadd.s32 s21, s5  }
0xa3: {  	[timem:s9], [sflag:s22] =	dma.local [hbm:s7], s20  }
0xa4: {  	_ =	swait.ge [sflag:s22], s20  }
0xa5: {  	s6 =	ssub.s32 $0x0, s20;
	[sflag:s22] =	ssyncset.done $0x0  }
0xa6: {  	[sflag:s22] =	ssyncadd.s32 s6;
	_ =	sdelay $0x1  }
0xa7: {  	s23 =	simm.s32 $0x1B8B  }
0xa8: {  	_ =	swait.ge [sflag:s23], $0x1  }
0xa9: {  	[sflag:s23] =	ssyncset.done $0x0  }
0xaa: {  	s25 =	simm.s32 $0x1B8E;
	s24 =	sld [smem:$0x3FFE];
	[sflag:s23] =	ssyncadd.s32 $0xFFFFFFFF  }
0xab: {  	s26 =	simm.s32 $execute0_lowered;
	[smem:$0x3FD2] =	sst s25  }
0xac: {  	s7 =	sshll.u32 s26, $0x1;
	_ =	strace $0x80000046;
	[dreg:$0x1] =	wrdreg $0xFFFFFFFF  }
0xad: {  	s28 =	simm.s32 $_size_execute0_lowered;
	s5 =	sadd.s32 s5, s7;
	[dreg:$0x0] =	wrdreg $0x0  }
0xae: {  	s7 =	sshll.u32 s28, $0x1;
	[dreg:$0x2] =	wrdreg s5  }
0xaf: {  	[dreg:$0x3] =	wrdreg s7  }
0xb0: {  	[dreg:$0x4] =	wrdreg $0xC0  }
0xb1: {  	_ =	task [dreg:s9], $0x5FFFF  }
0xb2: {  	[dreg:$0x1] =	wrdreg $0xFFFFFFFF  }
0xb3: {  	[dreg:$0x0] =	wrdreg $0x60  }
0xb4: {  	[dreg:$0x2] =	wrdreg s24  }
0xb5: {  	[dreg:$0x3] =	wrdreg s15  }
0xb6: {  	[dreg:$0x4] =	wrdreg s17  }
0xb7: {  	[dreg:$0x5] =	wrdreg s16  }
0xb8: {  	[dreg:$0x6] =	wrdreg $0x9  }
0xb9: {  	_ =	task.clear_ibuf [dreg:s9], $0x7FFFF;
	_ =	strace $0x90000046  }
0xba: {  	s29 =	simm.s32 $0x9;
	_ =	strace $0x80000048  }
0xbb: {  	_ =	swait.ge [sflag:s29], $0x1  }
0xbc: {  	[sflag:s29] =	ssyncadd.s32 $0xFFFFFFFF  }
0xbd: {  	_ =	strace $0x90000048  }
0xbe: {  	_ =	sfence  }
0xbf: {  	s30 =	sld [smem:$0x0];
	_ =	sdelay $0x2  }
0xc0: {  	s31 =	sshll.u32 s1, $0xD;
	s1 =	sshrl.u32 s1, $0x2  }
0xc1: {  	s3 =	sand.u32 $0x4000, s31;
	s1 =	sadd.s32 s1, s30  }
0xc2: {  	s0 =	sor.u32 s3, s0;
	s1 =	sshll.u32 s1, $0x11  }
0xc3: {  	s0 =	sor.u32 s1, s0  }
0xc4: {  	s0 =	sadd.s32 $0x8F2B, s0  }
0xc5: {  	[sflag:s0] =	ssyncadd.remote.s32 $0x1  }
0xc6: {  	_ =	sfence.sel $0xFFFF  }
0xc7: {  	[dreg:$0x0] =	wrdreg $0xFFFFFFFF;
	(pc) =	sbr.abs _section_cstart, $3  }
0xc8: {  	[dreg:$0x1] =	wrdreg $0xFFFFFFFF  }
0xc9: {  	_ =	task.clear_ibuf [dreg:s9], $0x2FFFF;
	_ =	strace $0x9FFFFFFF  }
0xca: {  	(tm) =	ssettm $0x7FFFFFFF  }
0xcb: {  	_ =	shalt  }
tec
execute0_lowered:
.L_overlay_start_1:
0x0: {  	(tag) =	ssettag $0x1  }
0x1: {  	s0 =	rddreg [dreg:$0x0]  }
0x2: {  	s1 =	rddreg [dreg:$0x1]  }
0x3: {  	s2 =	rddreg [dreg:$0x2]  }
0x4: {  	s4 =	rddreg [dreg:$0x3];
	s3 =	srdreg.scid  }
0x5: {  	s10 =	stileid.u32;
	s5 =	sand.u32 $0x1, s3;
	s3 =	simm.s32 $0x0  }
0x6: {  	s6 =	sshrl.u32 s10, $0x3;
	s12 =	sand.u32 $0x7, s10;
	s7 =	sshll.u32 s5, $0x1  }
0x7: {  	[smem:$0x7FF] =	sst s3;
	s5 =	ssub.s32 $0x2, s5;
	s26 =	sshll.u32 s12, $0x9  }
0x8: {  	s6 =	sor.u32 s6, s7;
	_ =	strace $0x80000047;
	s9 =	sshrl.u32 s5, $0x1  }
0x9: {  	s7 =	sshll.u32 s6, $0xA;
	s8 =	sshll.u32 s6, $0x9;
	s5 =	ssub.s32 s5, s9  }
0xa: {  	s15 =	sshll.u32 s6, $0xD;
	s6 =	sshll.u32 s6, $0xC;
	s29 =	sadd.s32 s2, s8  }
0xb: {  	s7 =	sadd.s32 s7, s0;
	s25 =	smax.u32 s5, $0x1;
	[dreg:$0x8] =	wrdreg s29  }
0xc: {  	s0 =	sadd.s32 s8, s0;
	s28 =	sadd.s32 $0x1000, s7;
	[dreg:$0x1a] =	wrdreg s25  }
0xd: {  	s6 =	sor.u32 s26, s6;
	s7 =	sadd.s32 $0x2000, s7;
	[dreg:$0x5] =	wrdreg s28  }
0xe: {  	s0 =	sadd.s32 $0x3000, s0;
	[dreg:$0x6] =	wrdreg s7;
	s7 =	sshrl.u32 s6, $0x3  }
0xf: {  	s8 =	sshll.u32 s6, $0x7;
	[dreg:$0x7] =	wrdreg s0;
	s0 =	sadd.s32 s2, s7  }
0x10: {  	[dreg:$0xd] =	wrdreg s0;
	s0 =	sadd.s32 s4, s8  }
0x11: {  	s13 =	sadd.s32 $0x1000, s0;
	[dreg:$0xe] =	wrdreg s0  }
0x12: {  	s14 =	sadd.s32 $0x2000, s0;
	[dreg:$0xf] =	wrdreg s13  }
0x13: {  	s16 =	sadd.s32 $0x3000, s0;
	[dreg:$0x10] =	wrdreg s14  }
0x14: {  	s17 =	sadd.s32 $0x4000, s0;
	[dreg:$0x11] =	wrdreg s16  }
0x15: {  	s18 =	sadd.s32 $0x5000, s0;
	[dreg:$0x12] =	wrdreg s17  }
0x16: {  	s19 =	sadd.s32 $0x6000, s0;
	[dreg:$0x13] =	wrdreg s18  }
0x17: {  	s20 =	sadd.s32 $0x7000, s0;
	[dreg:$0x14] =	wrdreg s19  }
0x18: {  	s30 =	simm.s32 $0x4;
	s21 =	sadd.s32 $0x8000, s0;
	[dreg:$0x15] =	wrdreg s20  }
0x19: {  	s31 =	simm.s32 $0x4000;
	s22 =	sadd.s32 $0x9000, s0;
	[dreg:$0x16] =	wrdreg s21  }
0x1a: {  	s10 =	sadd.s32 $0x200, s1;
	s23 =	sadd.s32 $0xA000, s0;
	[dreg:$0x17] =	wrdreg s22  }
0x1b: {  	s11 =	sadd.s32 $0x300, s1;
	s24 =	sadd.s32 $0xB000, s0;
	[dreg:$0x18] =	wrdreg s23  }
0x1c: {  	p0 =	sne.s32 s12, $0x0;
	s26 =	sadd.s32 $0xC000, s0;
	[dreg:$0x19] =	wrdreg s24  }
.Ltmp0:
0x1d: {  	s28 =	sadd.s32 $0xD000, s0;
	[dreg:$0x9] =	wrdreg s26;
	(pc) =	sbr.rel .LBB2_1-.Ltmp0, $4  }
0x1e: {  	s9 =	sadd.s32 $0x100, s1;
	s29 =	sadd.s32 $0xE000, s0;
	[dreg:$0xa] =	wrdreg s28  }
0x1f: {  	v0 =	vlaneseq.u32;
	s25 =	simm.s32 $0xE200;
	s0 =	sadd.s32 $0xF000, s0;
	[dreg:$0xb] =	wrdreg s29  }
0x20: {  	vm0 =	vmmov $0xffff;
	v2 =	vand.u32 $0x7, v0;
	v3 =	vshrl.u32 v0, $0x3;
	[dreg:$0xc] =	wrdreg s0;
	s0 =	simm.s32 $0x5000;
	s14 =	simm.s32 $0x6200  }
0x21: {  	v4 =	vor.u32 $0x8, v0;
	v3 =	vmul.u32 $0x8, v3;
	v1 =	vor.u32 s15, v0;
	s24 =	simm.s32 $0x2;
	s19 =	simm.s32 $0x3;
	s22 =	simm.s32 $0x0  }
.LBB2_5:
0x22: {  	[dreg:$0x1b] =	wrdreg s22  }
0x23: {  	[bflag:$0x0] =	sbarrier.arrive $0xFFFF  }
0x24: {  	s21 =	simm.s32 $0x6000;
	s18 =	simm.s32 $0x1;
	s2 =	rddreg [dreg:$0xd]  }
0x25: {  	[tilespmem:s21], [sflag:$0x1] =	stream.linear.gather [hbm4b:s2+s3], $0x200, $0x38;
	[tilespmem:$0x16200] =	vst v63  }
0x26: {  	_ =	swait.ge [sflag:s18], $0x200  }
0x27: {  	[sflag:s18] =	ssyncset.done $0x0  }
0x28: {  	[sflag:s18] =	ssyncadd.s32 $0xFFFFFE00  }
0x29: {  	v5 =	vld [tilespmem:$0x6000];
	_ =	sdelay $0x4  }
0x2a: {  	v6 =	vshll.u32 v5, $0x3  }
0x2b: {  	v5 =	vand.u32 $0x7, v5;
	v6 =	vand.u32 $0xFFFFFFC0, v6  }
0x2c: {  	v5 =	vor.u32 v5, v6  }
0x2d: {  	v6 =	vperm.xlane v5, v2;
	_ =	sdelay $0x1  }
0x2e: {  	v6 =	vadd.s32 v3, v6;
	_ =	sdelay $0x4  }
0x2f: {  	[tilespmem:s14], [sflag:$0x2] =	stream.indirect_vreg.gather [hbm4b:s1+s3], $0x80, v6, vm0, $0xb8;
	[tilespmem:$0x16200] =	vst v63  }
0x30: {  	s20 =	simm.s32 $0x6A00;
	v5 =	vperm.xlane v5, v4  }
0x31: {  	[tilespmem:s20], [sflag:$0x2] =	stream.indirect_vreg.gather [hbm4b:s9+s3], $0x80, v6, vm0, $0xb8;
	[tilespmem:$0x16200] =	vst v63  }
0x32: {  	s21 =	simm.s32 $0x7200;
	v5 =	vadd.s32 v3, v5  }
0x33: {  	[tilespmem:s21], [sflag:$0x2] =	stream.indirect_vreg.gather [hbm4b:s10+s3], $0x80, v6, vm0, $0xb8;
	[tilespmem:$0x16200] =	vst v63  }
0x34: {  	s22 =	simm.s32 $0x7A00  }
0x35: {  	[tilespmem:s22], [sflag:$0x2] =	stream.indirect_vreg.gather [hbm4b:s11+s3], $0x80, v6, vm0, $0xb8;
	[tilespmem:$0x16200] =	vst v63  }
0x36: {  	s23 =	simm.s32 $0x8200  }
0x37: {  	[tilespmem:s23], [sflag:$0x2] =	stream.indirect_vreg.gather [hbm4b:s1+s3], $0x80, v5, vm0, $0xb8;
	[tilespmem:$0x16200] =	vst v63  }
0x38: {  	s26 =	simm.s32 $0x8A00  }
0x39: {  	[tilespmem:s26], [sflag:$0x2] =	stream.indirect_vreg.gather [hbm4b:s9+s3], $0x80, v5, vm0, $0xb8;
	[tilespmem:$0x16200] =	vst v63  }
0x3a: {  	s28 =	simm.s32 $0x9200  }
0x3b: {  	[tilespmem:s28], [sflag:$0x2] =	stream.indirect_vreg.gather [hbm4b:s10+s3], $0x80, v5, vm0, $0xb8;
	[tilespmem:$0x16200] =	vst v63  }
0x3c: {  	s29 =	simm.s32 $0x9A00  }
0x3d: {  	[tilespmem:s29], [sflag:$0x2] =	stream.indirect_vreg.gather [hbm4b:s11+s3], $0x80, v5, vm0, $0xb8;
	[tilespmem:$0x16200] =	vst v63  }
0x3e: {  	v5 =	vld [tilespmem:$0x6010];
	_ =	sdelay $0x4  }
0x3f: {  	v6 =	vshll.u32 v5, $0x3  }
0x40: {  	v5 =	vand.u32 $0x7, v5;
	v6 =	vand.u32 $0xFFFFFFC0, v6  }
0x41: {  	v5 =	vor.u32 v5, v6  }
0x42: {  	v6 =	vperm.xlane v5, v2;
	_ =	sdelay $0x1  }
0x43: {  	v6 =	vadd.s32 v3, v6;
	_ =	sdelay $0x3  }
0x44: {  	s4 =	simm.s32 $0xA200  }
0x45: {  	[tilespmem:s4], [sflag:$0x2] =	stream.indirect_vreg.gather [hbm4b:s1+s3], $0x80, v6, vm0, $0xb8;
	[tilespmem:$0x16200] =	vst v63  }
0x46: {  	s5 =	simm.s32 $0xAA00;
	v5 =	vperm.xlane v5, v4  }
0x47: {  	[tilespmem:s5], [sflag:$0x2] =	stream.indirect_vreg.gather [hbm4b:s9+s3], $0x80, v6, vm0, $0xb8;
	[tilespmem:$0x16200] =	vst v63  }
0x48: {  	s8 =	simm.s32 $0xB200;
	v5 =	vadd.s32 v3, v5  }
0x49: {  	[tilespmem:s8], [sflag:$0x2] =	stream.indirect_vreg.gather [hbm4b:s10+s3], $0x80, v6, vm0, $0xb8;
	[tilespmem:$0x16200] =	vst v63  }
0x4a: {  	s12 =	simm.s32 $0xBA00  }
0x4b: {  	[tilespmem:s12], [sflag:$0x2] =	stream.indirect_vreg.gather [hbm4b:s11+s3], $0x80, v6, vm0, $0xb8;
	[tilespmem:$0x16200] =	vst v63  }
0x4c: {  	s13 =	simm.s32 $0xC200  }
0x4d: {  	[tilespmem:s13], [sflag:$0x2] =	stream.indirect_vreg.gather [hbm4b:s1+s3], $0x80, v5, vm0, $0xb8;
	[tilespmem:$0x16200] =	vst v63  }
0x4e: {  	s15 =	simm.s32 $0xCA00  }
0x4f: {  	[tilespmem:s15], [sflag:$0x2] =	stream.indirect_vreg.gather [hbm4b:s9+s3], $0x80, v5, vm0, $0xb8;
	[tilespmem:$0x16200] =	vst v63  }
0x50: {  	s16 =	simm.s32 $0xD200  }
0x51: {  	[tilespmem:s16], [sflag:$0x2] =	stream.indirect_vreg.gather [hbm4b:s10+s3], $0x80, v5, vm0, $0xb8;
	[tilespmem:$0x16200] =	vst v63  }
0x52: {  	s17 =	simm.s32 $0xDA00  }
0x53: {  	[tilespmem:s17], [sflag:$0x2] =	stream.indirect_vreg.gather [hbm4b:s11+s3], $0x80, v5, vm0, $0xb8;
	[tilespmem:$0x16200] =	vst v63  }
0x54: {  	_ =	swait.ge [sflag:s24], $0x8000  }
0x55: {  	[sflag:s24] =	ssyncset.done $0x0  }
0x56: {  	[sflag:s24] =	ssyncadd.s32 $0xFFFF8000  }
0x57: {  	v5 =	vld [tilespmem:$0x6020];
	_ =	sdelay $0x4  }
0x58: {  	v6 =	vshll.u32 v5, $0x3  }
0x59: {  	v5 =	vand.u32 $0x7, v5;
	v6 =	vand.u32 $0xFFFFFFC0, v6  }
0x5a: {  	v5 =	vor.u32 v5, v6  }
0x5b: {  	v6 =	vperm.xlane v5, v2;
	_ =	sdelay $0x1  }
0x5c: {  	v6 =	vadd.s32 v3, v6;
	_ =	sdelay $0x4  }
0x5d: {  	[tilespmem:s25], [sflag:$0x3] =	stream.indirect_vreg.gather [hbm4b:s1+s3], $0x80, v6, vm0, $0xb8;
	[tilespmem:$0x16200] =	vst v63  }
0x5e: {  	s18 =	simm.s32 $0xEA00;
	v5 =	vperm.xlane v5, v4  }
0x5f: {  	[tilespmem:s18], [sflag:$0x3] =	stream.indirect_vreg.gather [hbm4b:s9+s3], $0x80, v6, vm0, $0xb8;
	[tilespmem:$0x16200] =	vst v63  }
0x60: {  	s15 =	simm.s32 $0xF200;
	v5 =	vadd.s32 v3, v5  }
0x61: {  	[tilespmem:s15], [sflag:$0x3] =	stream.indirect_vreg.gather [hbm4b:s10+s3], $0x80, v6, vm0, $0xb8;
	[tilespmem:$0x16200] =	vst v63  }
0x62: {  	s20 =	simm.s32 $0xFA00  }
0x63: {  	[tilespmem:s20], [sflag:$0x3] =	stream.indirect_vreg.gather [hbm4b:s11+s3], $0x80, v6, vm0, $0xb8;
	[tilespmem:$0x16200] =	vst v63  }
0x64: {  	s22 =	simm.s32 $0x10200  }
0x65: {  	[tilespmem:s22], [sflag:$0x3] =	stream.indirect_vreg.gather [hbm4b:s1+s3], $0x80, v5, vm0, $0xb8;
	[tilespmem:$0x16200] =	vst v63  }
0x66: {  	s28 =	simm.s32 $0x10A00  }
0x67: {  	[tilespmem:s28], [sflag:$0x3] =	stream.indirect_vreg.gather [hbm4b:s9+s3], $0x80, v5, vm0, $0xb8;
	[tilespmem:$0x16200] =	vst v63  }
0x68: {  	s29 =	simm.s32 $0x11200  }
0x69: {  	[tilespmem:s29], [sflag:$0x3] =	stream.indirect_vreg.gather [hbm4b:s10+s3], $0x80, v5, vm0, $0xb8;
	[tilespmem:$0x16200] =	vst v63  }
0x6a: {  	s2 =	simm.s32 $0x11A00  }
0x6b: {  	[tilespmem:s2], [sflag:$0x3] =	stream.indirect_vreg.gather [hbm4b:s11+s3], $0x80, v5, vm0, $0xb8;
	[tilespmem:$0x16200] =	vst v63  }
0x6c: {  	v5 =	vld [tilespmem:$0x6030];
	_ =	sdelay $0x4  }
0x6d: {  	v6 =	vshll.u32 v5, $0x3  }
0x6e: {  	v5 =	vand.u32 $0x7, v5;
	v6 =	vand.u32 $0xFFFFFFC0, v6  }
0x6f: {  	v5 =	vor.u32 v5, v6  }
0x70: {  	v6 =	vperm.xlane v5, v2;
	_ =	sdelay $0x1  }
0x71: {  	v6 =	vadd.s32 v3, v6;
	_ =	sdelay $0x3  }
0x72: {  	s8 =	simm.s32 $0x12200  }
0x73: {  	[tilespmem:s8], [sflag:$0x3] =	stream.indirect_vreg.gather [hbm4b:s1+s3], $0x80, v6, vm0, $0xb8;
	[tilespmem:$0x16200] =	vst v63  }
0x74: {  	s12 =	simm.s32 $0x12A00;
	v5 =	vperm.xlane v5, v4  }
0x75: {  	[tilespmem:s12], [sflag:$0x3] =	stream.indirect_vreg.gather [hbm4b:s9+s3], $0x80, v6, vm0, $0xb8;
	[tilespmem:$0x16200] =	vst v63  }
0x76: {  	s17 =	simm.s32 $0x13200;
	v5 =	vadd.s32 v3, v5  }
0x77: {  	[tilespmem:s17], [sflag:$0x3] =	stream.indirect_vreg.gather [hbm4b:s10+s3], $0x80, v6, vm0, $0xb8;
	[tilespmem:$0x16200] =	vst v63  }
0x78: {  	s2 =	simm.s32 $0x13A00  }
0x79: {  	[tilespmem:s2], [sflag:$0x3] =	stream.indirect_vreg.gather [hbm4b:s11+s3], $0x80, v6, vm0, $0xb8;
	[tilespmem:$0x16200] =	vst v63  }
0x7a: {  	s8 =	simm.s32 $0x14200  }
0x7b: {  	[tilespmem:s8], [sflag:$0x3] =	stream.indirect_vreg.gather [hbm4b:s1+s3], $0x80, v5, vm0, $0xb8;
	[tilespmem:$0x16200] =	vst v63  }
0x7c: {  	s12 =	simm.s32 $0x14A00  }
0x7d: {  	[tilespmem:s12], [sflag:$0x3] =	stream.indirect_vreg.gather [hbm4b:s9+s3], $0x80, v5, vm0, $0xb8;
	[tilespmem:$0x16200] =	vst v63  }
0x7e: {  	s2 =	simm.s32 $0x15200  }
0x7f: {  	[tilespmem:s2], [sflag:$0x3] =	stream.indirect_vreg.gather [hbm4b:s10+s3], $0x80, v5, vm0, $0xb8;
	[tilespmem:$0x16200] =	vst v63  }
0x80: {  	s8 =	simm.s32 $0x15A00  }
0x81: {  	[tilespmem:s8], [sflag:$0x3] =	stream.indirect_vreg.gather [hbm4b:s11+s3], $0x80, v5, vm0, $0xb8;
	[tilespmem:$0x16200] =	vst v63  }
0x82: {  	s12 =	rddreg [dreg:$0xe]  }
0x83: {  	[hbm4b:s12+s3] =	stream.linear.scatter [tilespmem:s14], [sflag:$0x4], $0x8000, $0x38;
	[tilespmem:$0x16200] =	vst v63  }
0x84: {  	_ =	swait.ge [sflag:s30], $0x8000  }
0x85: {  	[sflag:s30] =	ssyncset.done $0x0  }
0x86: {  	[sflag:s30] =	ssyncadd.s32 $0xFFFF8000  }
0x87: {  	_ =	swait.ge [sflag:s19], $0x8000  }
0x88: {  	[sflag:s19] =	ssyncset.done $0x0  }
0x89: {  	[sflag:s19] =	ssyncadd.s32 $0xFFFF8000  }
0x8a: {  	v5 =	vld [tilespmem:$0x6040];
	_ =	sdelay $0x4  }
0x8b: {  	v6 =	vshll.u32 v5, $0x3  }
0x8c: {  	v5 =	vand.u32 $0x7, v5;
	v6 =	vand.u32 $0xFFFFFFC0, v6  }
0x8d: {  	v5 =	vor.u32 v5, v6  }
0x8e: {  	v6 =	vperm.xlane v5, v2;
	_ =	sdelay $0x1  }
0x8f: {  	v6 =	vadd.s32 v3, v6;
	_ =	sdelay $0x4  }
0x90: {  	[tilespmem:s14], [sflag:$0x2] =	stream.indirect_vreg.gather [hbm4b:s1+s3], $0x80, v6, vm0, $0xb8;
	[tilespmem:$0x16200] =	vst v63  }
0x91: {  	s7 =	simm.s32 $0x6A00;
	v5 =	vperm.xlane v5, v4  }
0x92: {  	[tilespmem:s7], [sflag:$0x2] =	stream.indirect_vreg.gather [hbm4b:s9+s3], $0x80, v6, vm0, $0xb8;
	[tilespmem:$0x16200] =	vst v63  }
0x93: {  	v5 =	vadd.s32 v3, v5;
	s7 =	simm.s32 $0x7200  }
0x94: {  	[tilespmem:s7], [sflag:$0x2] =	stream.indirect_vreg.gather [hbm4b:s10+s3], $0x80, v6, vm0, $0xb8;
	[tilespmem:$0x16200] =	vst v63  }
0x95: {  	s8 =	simm.s32 $0x7A00  }
0x96: {  	[tilespmem:s8], [sflag:$0x2] =	stream.indirect_vreg.gather [hbm4b:s11+s3], $0x80, v6, vm0, $0xb8;
	[tilespmem:$0x16200] =	vst v63  }
0x97: {  	s6 =	simm.s32 $0x8200  }
0x98: {  	[tilespmem:s6], [sflag:$0x2] =	stream.indirect_vreg.gather [hbm4b:s1+s3], $0x80, v5, vm0, $0xb8;
	[tilespmem:$0x16200] =	vst v63  }
0x99: {  	s23 =	simm.s32 $0x8A00  }
0x9a: {  	[tilespmem:s23], [sflag:$0x2] =	stream.indirect_vreg.gather [hbm4b:s9+s3], $0x80, v5, vm0, $0xb8;
	[tilespmem:$0x16200] =	vst v63  }
0x9b: {  	s26 =	simm.s32 $0x9200  }
0x9c: {  	[tilespmem:s26], [sflag:$0x2] =	stream.indirect_vreg.gather [hbm4b:s10+s3], $0x80, v5, vm0, $0xb8;
	[tilespmem:$0x16200] =	vst v63  }
0x9d: {  	s12 =	simm.s32 $0x9A00  }
0x9e: {  	[tilespmem:s12], [sflag:$0x2] =	stream.indirect_vreg.gather [hbm4b:s11+s3], $0x80, v5, vm0, $0xb8;
	[tilespmem:$0x16200] =	vst v63  }
0x9f: {  	v5 =	vld [tilespmem:$0x6050];
	_ =	sdelay $0x4  }
0xa0: {  	v6 =	vshll.u32 v5, $0x3  }
0xa1: {  	v5 =	vand.u32 $0x7, v5;
	v6 =	vand.u32 $0xFFFFFFC0, v6  }
0xa2: {  	v5 =	vor.u32 v5, v6  }
0xa3: {  	v6 =	vperm.xlane v5, v2;
	_ =	sdelay $0x1  }
0xa4: {  	v6 =	vadd.s32 v3, v6;
	_ =	sdelay $0x3  }
0xa5: {  	s4 =	simm.s32 $0xA200  }
0xa6: {  	[tilespmem:s4], [sflag:$0x2] =	stream.indirect_vreg.gather [hbm4b:s1+s3], $0x80, v6, vm0, $0xb8;
	[tilespmem:$0x16200] =	vst v63  }
0xa7: {  	s5 =	simm.s32 $0xAA00;
	v5 =	vperm.xlane v5, v4  }
0xa8: {  	[tilespmem:s5], [sflag:$0x2] =	stream.indirect_vreg.gather [hbm4b:s9+s3], $0x80, v6, vm0, $0xb8;
	[tilespmem:$0x16200] =	vst v63  }
0xa9: {  	s2 =	simm.s32 $0xB200;
	v5 =	vadd.s32 v3, v5  }
0xaa: {  	[tilespmem:s2], [sflag:$0x2] =	stream.indirect_vreg.gather [hbm4b:s10+s3], $0x80, v6, vm0, $0xb8;
	[tilespmem:$0x16200] =	vst v63  }
0xab: {  	s23 =	simm.s32 $0xBA00  }
0xac: {  	[tilespmem:s23], [sflag:$0x2] =	stream.indirect_vreg.gather [hbm4b:s11+s3], $0x80, v6, vm0, $0xb8;
	[tilespmem:$0x16200] =	vst v63  }
0xad: {  	s26 =	simm.s32 $0xC200  }
0xae: {  	[tilespmem:s26], [sflag:$0x2] =	stream.indirect_vreg.gather [hbm4b:s1+s3], $0x80, v5, vm0, $0xb8;
	[tilespmem:$0x16200] =	vst v63  }
0xaf: {  	s4 =	simm.s32 $0xCA00  }
0xb0: {  	[tilespmem:s4], [sflag:$0x2] =	stream.indirect_vreg.gather [hbm4b:s9+s3], $0x80, v5, vm0, $0xb8;
	[tilespmem:$0x16200] =	vst v63  }
0xb1: {  	s5 =	simm.s32 $0xD200  }
0xb2: {  	[tilespmem:s5], [sflag:$0x2] =	stream.indirect_vreg.gather [hbm4b:s10+s3], $0x80, v5, vm0, $0xb8;
	[tilespmem:$0x16200] =	vst v63  }
0xb3: {  	s6 =	simm.s32 $0xDA00  }
0xb4: {  	[tilespmem:s6], [sflag:$0x2] =	stream.indirect_vreg.gather [hbm4b:s11+s3], $0x80, v5, vm0, $0xb8;
	[tilespmem:$0x16200] =	vst v63  }
0xb5: {  	s15 =	rddreg [dreg:$0xf]  }
0xb6: {  	[hbm4b:s15+s3] =	stream.linear.scatter [tilespmem:s25], [sflag:$0x4], $0x8000, $0x38;
	[tilespmem:$0x16200] =	vst v63  }
0xb7: {  	_ =	swait.ge [sflag:s30], $0x8000  }
0xb8: {  	[sflag:s30] =	ssyncset.done $0x0  }
0xb9: {  	[sflag:s30] =	ssyncadd.s32 $0xFFFF8000  }
0xba: {  	_ =	swait.ge [sflag:s24], $0x8000  }
0xbb: {  	[sflag:s24] =	ssyncset.done $0x0  }
0xbc: {  	[sflag:s24] =	ssyncadd.s32 $0xFFFF8000  }
0xbd: {  	v5 =	vld [tilespmem:$0x6060];
	_ =	sdelay $0x4  }
0xbe: {  	v6 =	vshll.u32 v5, $0x3  }
0xbf: {  	v5 =	vand.u32 $0x7, v5;
	v6 =	vand.u32 $0xFFFFFFC0, v6  }
0xc0: {  	v5 =	vor.u32 v5, v6  }
0xc1: {  	v6 =	vperm.xlane v5, v2;
	_ =	sdelay $0x1  }
0xc2: {  	v6 =	vadd.s32 v3, v6;
	_ =	sdelay $0x4  }
0xc3: {  	[tilespmem:s25], [sflag:$0x3] =	stream.indirect_vreg.gather [hbm4b:s1+s3], $0x80, v6, vm0, $0xb8;
	[tilespmem:$0x16200] =	vst v63  }
0xc4: {  	s13 =	simm.s32 $0xEA00;
	v5 =	vperm.xlane v5, v4  }
0xc5: {  	[tilespmem:s13], [sflag:$0x3] =	stream.indirect_vreg.gather [hbm4b:s9+s3], $0x80, v6, vm0, $0xb8;
	[tilespmem:$0x16200] =	vst v63  }
0xc6: {  	s21 =	simm.s32 $0xF200;
	v5 =	vadd.s32 v3, v5  }
0xc7: {  	[tilespmem:s21], [sflag:$0x3] =	stream.indirect_vreg.gather [hbm4b:s10+s3], $0x80, v6, vm0, $0xb8;
	[tilespmem:$0x16200] =	vst v63  }
0xc8: {  	s18 =	simm.s32 $0xFA00  }
0xc9: {  	[tilespmem:s18], [sflag:$0x3] =	stream.indirect_vreg.gather [hbm4b:s11+s3], $0x80, v6, vm0, $0xb8;
	[tilespmem:$0x16200] =	vst v63  }
0xca: {  	s22 =	simm.s32 $0x10200  }
0xcb: {  	[tilespmem:s22], [sflag:$0x3] =	stream.indirect_vreg.gather [hbm4b:s1+s3], $0x80, v5, vm0, $0xb8;
	[tilespmem:$0x16200] =	vst v63  }
0xcc: {  	s16 =	simm.s32 $0x10A00  }
0xcd: {  	[tilespmem:s16], [sflag:$0x3] =	stream.indirect_vreg.gather [hbm4b:s9+s3], $0x80, v5, vm0, $0xb8;
	[tilespmem:$0x16200] =	vst v63  }
0xce: {  	s16 =	simm.s32 $0x11200  }
0xcf: {  	[tilespmem:s16], [sflag:$0x3] =	stream.indirect_vreg.gather [hbm4b:s10+s3], $0x80, v5, vm0, $0xb8;
	[tilespmem:$0x16200] =	vst v63  }
0xd0: {  	s20 =	simm.s32 $0x11A00  }
0xd1: {  	[tilespmem:s20], [sflag:$0x3] =	stream.indirect_vreg.gather [hbm4b:s11+s3], $0x80, v5, vm0, $0xb8;
	[tilespmem:$0x16200] =	vst v63  }
0xd2: {  	v5 =	vld [tilespmem:$0x6070];
	_ =	sdelay $0x4  }
0xd3: {  	v6 =	vshll.u32 v5, $0x3  }
0xd4: {  	v5 =	vand.u32 $0x7, v5;
	v6 =	vand.u32 $0xFFFFFFC0, v6  }
0xd5: {  	v5 =	vor.u32 v5, v6  }
0xd6: {  	v6 =	vperm.xlane v5, v2;
	_ =	sdelay $0x1  }
0xd7: {  	v6 =	vadd.s32 v3, v6;
	_ =	sdelay $0x3  }
0xd8: {  	s29 =	simm.s32 $0x12200  }
0xd9: {  	[tilespmem:s29], [sflag:$0x3] =	stream.indirect_vreg.gather [hbm4b:s1+s3], $0x80, v6, vm0, $0xb8;
	[tilespmem:$0x16200] =	vst v63  }
0xda: {  	s28 =	simm.s32 $0x12A00;
	v5 =	vperm.xlane v5, v4  }
0xdb: {  	[tilespmem:s28], [sflag:$0x3] =	stream.indirect_vreg.gather [hbm4b:s9+s3], $0x80, v6, vm0, $0xb8;
	[tilespmem:$0x16200] =	vst v63  }
0xdc: {  	s17 =	simm.s32 $0x13200;
	v5 =	vadd.s32 v3, v5  }
0xdd: {  	[tilespmem:s17], [sflag:$0x3] =	stream.indirect_vreg.gather [hbm4b:s10+s3], $0x80, v6, vm0, $0xb8;
	[tilespmem:$0x16200] =	vst v63  }
0xde: {  	s17 =	simm.s32 $0x13A00  }
0xdf: {  	[tilespmem:s17], [sflag:$0x3] =	stream.indirect_vreg.gather [hbm4b:s11+s3], $0x80, v6, vm0, $0xb8;
	[tilespmem:$0x16200] =	vst v63  }
0xe0: {  	s20 =	simm.s32 $0x14200  }
0xe1: {  	[tilespmem:s20], [sflag:$0x3] =	stream.indirect_vreg.gather [hbm4b:s1+s3], $0x80, v5, vm0, $0xb8;
	[tilespmem:$0x16200] =	vst v63  }
0xe2: {  	s28 =	simm.s32 $0x14A00  }
0xe3: {  	[tilespmem:s28], [sflag:$0x3] =	stream.indirect_vreg.gather [hbm4b:s9+s3], $0x80, v5, vm0, $0xb8;
	[tilespmem:$0x16200] =	vst v63  }
0xe4: {  	s29 =	simm.s32 $0x15200  }
0xe5: {  	[tilespmem:s29], [sflag:$0x3] =	stream.indirect_vreg.gather [hbm4b:s10+s3], $0x80, v5, vm0, $0xb8;
	[tilespmem:$0x16200] =	vst v63  }
0xe6: {  	s15 =	simm.s32 $0x15A00  }
0xe7: {  	[tilespmem:s15], [sflag:$0x3] =	stream.indirect_vreg.gather [hbm4b:s11+s3], $0x80, v5, vm0, $0xb8;
	[tilespmem:$0x16200] =	vst v63  }
0xe8: {  	s15 =	rddreg [dreg:$0x10]  }
0xe9: {  	[hbm4b:s15+s3] =	stream.linear.scatter [tilespmem:s14], [sflag:$0x4], $0x8000, $0x38;
	[tilespmem:$0x16200] =	vst v63  }
0xea: {  	_ =	swait.ge [sflag:s30], $0x8000  }
0xeb: {  	[sflag:s30] =	ssyncset.done $0x0  }
0xec: {  	[sflag:s30] =	ssyncadd.s32 $0xFFFF8000  }
0xed: {  	_ =	swait.ge [sflag:s19], $0x8000  }
0xee: {  	[sflag:s19] =	ssyncset.done $0x0  }
0xef: {  	[sflag:s19] =	ssyncadd.s32 $0xFFFF8000  }
0xf0: {  	v5 =	vld [tilespmem:$0x6080];
	_ =	sdelay $0x4  }
0xf1: {  	v6 =	vshll.u32 v5, $0x3  }
0xf2: {  	v5 =	vand.u32 $0x7, v5;
	v6 =	vand.u32 $0xFFFFFFC0, v6  }
0xf3: {  	v5 =	vor.u32 v5, v6  }
0xf4: {  	v6 =	vperm.xlane v5, v2;
	_ =	sdelay $0x1  }
0xf5: {  	v6 =	vadd.s32 v3, v6;
	_ =	sdelay $0x4  }
0xf6: {  	[tilespmem:s14], [sflag:$0x2] =	stream.indirect_vreg.gather [hbm4b:s1+s3], $0x80, v6, vm0, $0xb8;
	[tilespmem:$0x16200] =	vst v63  }
0xf7: {  	s15 =	simm.s32 $0x6A00;
	v5 =	vperm.xlane v5, v4  }
0xf8: {  	[tilespmem:s15], [sflag:$0x2] =	stream.indirect_vreg.gather [hbm4b:s9+s3], $0x80, v6, vm0, $0xb8;
	[tilespmem:$0x16200] =	vst v63  }
0xf9: {  	v5 =	vadd.s32 v3, v5  }
0xfa: {  	[tilespmem:s7], [sflag:$0x2] =	stream.indirect_vreg.gather [hbm4b:s10+s3], $0x80, v6, vm0, $0xb8;
	[tilespmem:$0x16200] =	vst v63  }
0xfb: {  	_ = 	snop  }
0xfc: {  	[tilespmem:s8], [sflag:$0x2] =	stream.indirect_vreg.gather [hbm4b:s11+s3], $0x80, v6, vm0, $0xb8;
	[tilespmem:$0x16200] =	vst v63  }
0xfd: {  	s15 =	simm.s32 $0x8200  }
0xfe: {  	[tilespmem:s15], [sflag:$0x2] =	stream.indirect_vreg.gather [hbm4b:s1+s3], $0x80, v5, vm0, $0xb8;
	[tilespmem:$0x16200] =	vst v63  }
0xff: {  	s15 =	simm.s32 $0x8A00  }
0x100: {  	[tilespmem:s15], [sflag:$0x2] =	stream.indirect_vreg.gather [hbm4b:s9+s3], $0x80, v5, vm0, $0xb8;
	[tilespmem:$0x16200] =	vst v63  }
0x101: {  	s15 =	simm.s32 $0x9200  }
0x102: {  	[tilespmem:s15], [sflag:$0x2] =	stream.indirect_vreg.gather [hbm4b:s10+s3], $0x80, v5, vm0, $0xb8;
	[tilespmem:$0x16200] =	vst v63  }
0x103: {  	_ = 	snop  }
0x104: {  	[tilespmem:s12], [sflag:$0x2] =	stream.indirect_vreg.gather [hbm4b:s11+s3], $0x80, v5, vm0, $0xb8;
	[tilespmem:$0x16200] =	vst v63  }
0x105: {  	v5 =	vld [tilespmem:$0x6090];
	_ =	sdelay $0x4  }
0x106: {  	v6 =	vshll.u32 v5, $0x3  }
0x107: {  	v5 =	vand.u32 $0x7, v5;
	v6 =	vand.u32 $0xFFFFFFC0, v6  }
0x108: {  	v5 =	vor.u32 v5, v6  }
0x109: {  	v6 =	vperm.xlane v5, v2;
	_ =	sdelay $0x1  }
0x10a: {  	v6 =	vadd.s32 v3, v6;
	_ =	sdelay $0x3  }
0x10b: {  	s15 =	simm.s32 $0xA200  }
0x10c: {  	[tilespmem:s15], [sflag:$0x2] =	stream.indirect_vreg.gather [hbm4b:s1+s3], $0x80, v6, vm0, $0xb8;
	[tilespmem:$0x16200] =	vst v63  }
0x10d: {  	v5 =	vperm.xlane v5, v4;
	s15 =	simm.s32 $0xAA00  }
0x10e: {  	[tilespmem:s15], [sflag:$0x2] =	stream.indirect_vreg.gather [hbm4b:s9+s3], $0x80, v6, vm0, $0xb8;
	[tilespmem:$0x16200] =	vst v63  }
0x10f: {  	v5 =	vadd.s32 v3, v5  }
0x110: {  	[tilespmem:s2], [sflag:$0x2] =	stream.indirect_vreg.gather [hbm4b:s10+s3], $0x80, v6, vm0, $0xb8;
	[tilespmem:$0x16200] =	vst v63  }
0x111: {  	_ = 	snop  }
0x112: {  	[tilespmem:s23], [sflag:$0x2] =	stream.indirect_vreg.gather [hbm4b:s11+s3], $0x80, v6, vm0, $0xb8;
	[tilespmem:$0x16200] =	vst v63  }
0x113: {  	_ = 	snop  }
0x114: {  	[tilespmem:s26], [sflag:$0x2] =	stream.indirect_vreg.gather [hbm4b:s1+s3], $0x80, v5, vm0, $0xb8;
	[tilespmem:$0x16200] =	vst v63  }
0x115: {  	_ = 	snop  }
0x116: {  	[tilespmem:s4], [sflag:$0x2] =	stream.indirect_vreg.gather [hbm4b:s9+s3], $0x80, v5, vm0, $0xb8;
	[tilespmem:$0x16200] =	vst v63  }
0x117: {  	_ = 	snop  }
0x118: {  	[tilespmem:s5], [sflag:$0x2] =	stream.indirect_vreg.gather [hbm4b:s10+s3], $0x80, v5, vm0, $0xb8;
	[tilespmem:$0x16200] =	vst v63  }
0x119: {  	_ = 	snop  }
0x11a: {  	[tilespmem:s6], [sflag:$0x2] =	stream.indirect_vreg.gather [hbm4b:s11+s3], $0x80, v5, vm0, $0xb8;
	[tilespmem:$0x16200] =	vst v63  }
0x11b: {  	s5 =	rddreg [dreg:$0x11]  }
0x11c: {  	[hbm4b:s5+s3] =	stream.linear.scatter [tilespmem:s25], [sflag:$0x4], $0x8000, $0x38;
	[tilespmem:$0x16200] =	vst v63  }
0x11d: {  	_ =	swait.ge [sflag:s30], $0x8000  }
0x11e: {  	[sflag:s30] =	ssyncset.done $0x0  }
0x11f: {  	[sflag:s30] =	ssyncadd.s32 $0xFFFF8000  }
0x120: {  	_ =	swait.ge [sflag:s24], $0x8000  }
0x121: {  	[sflag:s24] =	ssyncset.done $0x0  }
0x122: {  	[sflag:s24] =	ssyncadd.s32 $0xFFFF8000  }
0x123: {  	v5 =	vld [tilespmem:$0x60A0];
	_ =	sdelay $0x4  }
0x124: {  	v6 =	vshll.u32 v5, $0x3  }
0x125: {  	v5 =	vand.u32 $0x7, v5;
	v6 =	vand.u32 $0xFFFFFFC0, v6  }
0x126: {  	v5 =	vor.u32 v5, v6  }
0x127: {  	v6 =	vperm.xlane v5, v2;
	_ =	sdelay $0x1  }
0x128: {  	v6 =	vadd.s32 v3, v6;
	_ =	sdelay $0x4  }
0x129: {  	[tilespmem:s25], [sflag:$0x3] =	stream.indirect_vreg.gather [hbm4b:s1+s3], $0x80, v6, vm0, $0xb8;
	[tilespmem:$0x16200] =	vst v63  }
0x12a: {  	s6 =	simm.s32 $0xEA00;
	v5 =	vperm.xlane v5, v4  }
0x12b: {  	[tilespmem:s6], [sflag:$0x3] =	stream.indirect_vreg.gather [hbm4b:s9+s3], $0x80, v6, vm0, $0xb8;
	[tilespmem:$0x16200] =	vst v63  }
0x12c: {  	s21 =	simm.s32 $0xF200;
	v5 =	vadd.s32 v3, v5  }
0x12d: {  	[tilespmem:s21], [sflag:$0x3] =	stream.indirect_vreg.gather [hbm4b:s10+s3], $0x80, v6, vm0, $0xb8;
	[tilespmem:$0x16200] =	vst v63  }
0x12e: {  	s15 =	simm.s32 $0xFA00  }
0x12f: {  	[tilespmem:s15], [sflag:$0x3] =	stream.indirect_vreg.gather [hbm4b:s11+s3], $0x80, v6, vm0, $0xb8;
	[tilespmem:$0x16200] =	vst v63  }
0x130: {  	s22 =	simm.s32 $0x10200  }
0x131: {  	[tilespmem:s22], [sflag:$0x3] =	stream.indirect_vreg.gather [hbm4b:s1+s3], $0x80, v5, vm0, $0xb8;
	[tilespmem:$0x16200] =	vst v63  }
0x132: {  	s13 =	simm.s32 $0x10A00  }
0x133: {  	[tilespmem:s13], [sflag:$0x3] =	stream.indirect_vreg.gather [hbm4b:s9+s3], $0x80, v5, vm0, $0xb8;
	[tilespmem:$0x16200] =	vst v63  }
0x134: {  	s16 =	simm.s32 $0x11200  }
0x135: {  	[tilespmem:s16], [sflag:$0x3] =	stream.indirect_vreg.gather [hbm4b:s10+s3], $0x80, v5, vm0, $0xb8;
	[tilespmem:$0x16200] =	vst v63  }
0x136: {  	s16 =	simm.s32 $0x11A00  }
0x137: {  	[tilespmem:s16], [sflag:$0x3] =	stream.indirect_vreg.gather [hbm4b:s11+s3], $0x80, v5, vm0, $0xb8;
	[tilespmem:$0x16200] =	vst v63  }
0x138: {  	v5 =	vld [tilespmem:$0x60B0];
	_ =	sdelay $0x4  }
0x139: {  	v6 =	vshll.u32 v5, $0x3  }
0x13a: {  	v5 =	vand.u32 $0x7, v5;
	v6 =	vand.u32 $0xFFFFFFC0, v6  }
0x13b: {  	v5 =	vor.u32 v5, v6  }
0x13c: {  	v6 =	vperm.xlane v5, v2;
	_ =	sdelay $0x1  }
0x13d: {  	v6 =	vadd.s32 v3, v6;
	_ =	sdelay $0x3  }
0x13e: {  	s15 =	simm.s32 $0x12200  }
0x13f: {  	[tilespmem:s15], [sflag:$0x3] =	stream.indirect_vreg.gather [hbm4b:s1+s3], $0x80, v6, vm0, $0xb8;
	[tilespmem:$0x16200] =	vst v63  }
0x140: {  	s16 =	simm.s32 $0x12A00;
	v5 =	vperm.xlane v5, v4  }
0x141: {  	[tilespmem:s16], [sflag:$0x3] =	stream.indirect_vreg.gather [hbm4b:s9+s3], $0x80, v6, vm0, $0xb8;
	[tilespmem:$0x16200] =	vst v63  }
0x142: {  	s18 =	simm.s32 $0x13200;
	v5 =	vadd.s32 v3, v5  }
0x143: {  	[tilespmem:s18], [sflag:$0x3] =	stream.indirect_vreg.gather [hbm4b:s10+s3], $0x80, v6, vm0, $0xb8;
	[tilespmem:$0x16200] =	vst v63  }
0x144: {  	s17 =	simm.s32 $0x13A00  }
0x145: {  	[tilespmem:s17], [sflag:$0x3] =	stream.indirect_vreg.gather [hbm4b:s11+s3], $0x80, v6, vm0, $0xb8;
	[tilespmem:$0x16200] =	vst v63  }
0x146: {  	s20 =	simm.s32 $0x14200  }
0x147: {  	[tilespmem:s20], [sflag:$0x3] =	stream.indirect_vreg.gather [hbm4b:s1+s3], $0x80, v5, vm0, $0xb8;
	[tilespmem:$0x16200] =	vst v63  }
0x148: {  	s28 =	simm.s32 $0x14A00  }
0x149: {  	[tilespmem:s28], [sflag:$0x3] =	stream.indirect_vreg.gather [hbm4b:s9+s3], $0x80, v5, vm0, $0xb8;
	[tilespmem:$0x16200] =	vst v63  }
0x14a: {  	s29 =	simm.s32 $0x15200  }
0x14b: {  	[tilespmem:s29], [sflag:$0x3] =	stream.indirect_vreg.gather [hbm4b:s10+s3], $0x80, v5, vm0, $0xb8;
	[tilespmem:$0x16200] =	vst v63  }
0x14c: {  	s29 =	simm.s32 $0x15A00  }
0x14d: {  	[tilespmem:s29], [sflag:$0x3] =	stream.indirect_vreg.gather [hbm4b:s11+s3], $0x80, v5, vm0, $0xb8;
	[tilespmem:$0x16200] =	vst v63  }
0x14e: {  	s28 =	rddreg [dreg:$0x12]  }
0x14f: {  	[hbm4b:s28+s3] =	stream.linear.scatter [tilespmem:s14], [sflag:$0x4], $0x8000, $0x38;
	[tilespmem:$0x16200] =	vst v63  }
0x150: {  	_ =	swait.ge [sflag:s30], $0x8000  }
0x151: {  	[sflag:s30] =	ssyncset.done $0x0  }
0x152: {  	[sflag:s30] =	ssyncadd.s32 $0xFFFF8000  }
0x153: {  	_ =	swait.ge [sflag:s19], $0x8000  }
0x154: {  	[sflag:s19] =	ssyncset.done $0x0  }
0x155: {  	[sflag:s19] =	ssyncadd.s32 $0xFFFF8000  }
0x156: {  	v5 =	vld [tilespmem:$0x60C0];
	_ =	sdelay $0x4  }
0x157: {  	v6 =	vshll.u32 v5, $0x3  }
0x158: {  	v5 =	vand.u32 $0x7, v5;
	v6 =	vand.u32 $0xFFFFFFC0, v6  }
0x159: {  	v5 =	vor.u32 v5, v6  }
0x15a: {  	v6 =	vperm.xlane v5, v2;
	_ =	sdelay $0x1  }
0x15b: {  	v6 =	vadd.s32 v3, v6;
	_ =	sdelay $0x4  }
0x15c: {  	[tilespmem:s14], [sflag:$0x2] =	stream.indirect_vreg.gather [hbm4b:s1+s3], $0x80, v6, vm0, $0xb8;
	[tilespmem:$0x16200] =	vst v63  }
0x15d: {  	s29 =	simm.s32 $0x6A00;
	v5 =	vperm.xlane v5, v4  }
0x15e: {  	[tilespmem:s29], [sflag:$0x2] =	stream.indirect_vreg.gather [hbm4b:s9+s3], $0x80, v6, vm0, $0xb8;
	[tilespmem:$0x16200] =	vst v63  }
0x15f: {  	s28 =	simm.s32 $0x7200;
	v5 =	vadd.s32 v3, v5  }
0x160: {  	[tilespmem:s28], [sflag:$0x2] =	stream.indirect_vreg.gather [hbm4b:s10+s3], $0x80, v6, vm0, $0xb8;
	[tilespmem:$0x16200] =	vst v63  }
0x161: {  	s8 =	simm.s32 $0x7A00  }
0x162: {  	[tilespmem:s8], [sflag:$0x2] =	stream.indirect_vreg.gather [hbm4b:s11+s3], $0x80, v6, vm0, $0xb8;
	[tilespmem:$0x16200] =	vst v63  }
0x163: {  	s29 =	simm.s32 $0x8200  }
0x164: {  	[tilespmem:s29], [sflag:$0x2] =	stream.indirect_vreg.gather [hbm4b:s1+s3], $0x80, v5, vm0, $0xb8;
	[tilespmem:$0x16200] =	vst v63  }
0x165: {  	s29 =	simm.s32 $0x8A00  }
0x166: {  	[tilespmem:s29], [sflag:$0x2] =	stream.indirect_vreg.gather [hbm4b:s9+s3], $0x80, v5, vm0, $0xb8;
	[tilespmem:$0x16200] =	vst v63  }
0x167: {  	s29 =	simm.s32 $0x9200  }
0x168: {  	[tilespmem:s29], [sflag:$0x2] =	stream.indirect_vreg.gather [hbm4b:s10+s3], $0x80, v5, vm0, $0xb8;
	[tilespmem:$0x16200] =	vst v63  }
0x169: {  	s12 =	simm.s32 $0x9A00  }
0x16a: {  	[tilespmem:s12], [sflag:$0x2] =	stream.indirect_vreg.gather [hbm4b:s11+s3], $0x80, v5, vm0, $0xb8;
	[tilespmem:$0x16200] =	vst v63  }
0x16b: {  	v5 =	vld [tilespmem:$0x60D0];
	_ =	sdelay $0x4  }
0x16c: {  	v6 =	vshll.u32 v5, $0x3  }
0x16d: {  	v5 =	vand.u32 $0x7, v5;
	v6 =	vand.u32 $0xFFFFFFC0, v6  }
0x16e: {  	v5 =	vor.u32 v5, v6  }
0x16f: {  	v6 =	vperm.xlane v5, v2;
	_ =	sdelay $0x1  }
0x170: {  	v6 =	vadd.s32 v3, v6;
	_ =	sdelay $0x3  }
0x171: {  	s29 =	simm.s32 $0xA200  }
0x172: {  	[tilespmem:s29], [sflag:$0x2] =	stream.indirect_vreg.gather [hbm4b:s1+s3], $0x80, v6, vm0, $0xb8;
	[tilespmem:$0x16200] =	vst v63  }
0x173: {  	v5 =	vperm.xlane v5, v4;
	s29 =	simm.s32 $0xAA00  }
0x174: {  	[tilespmem:s29], [sflag:$0x2] =	stream.indirect_vreg.gather [hbm4b:s9+s3], $0x80, v6, vm0, $0xb8;
	[tilespmem:$0x16200] =	vst v63  }
0x175: {  	s2 =	simm.s32 $0xB200;
	v5 =	vadd.s32 v3, v5  }
0x176: {  	[tilespmem:s2], [sflag:$0x2] =	stream.indirect_vreg.gather [hbm4b:s10+s3], $0x80, v6, vm0, $0xb8;
	[tilespmem:$0x16200] =	vst v63  }
0x177: {  	s7 =	simm.s32 $0xBA00  }
0x178: {  	[tilespmem:s7], [sflag:$0x2] =	stream.indirect_vreg.gather [hbm4b:s11+s3], $0x80, v6, vm0, $0xb8;
	[tilespmem:$0x16200] =	vst v63  }
0x179: {  	s23 =	simm.s32 $0xC200  }
0x17a: {  	[tilespmem:s23], [sflag:$0x2] =	stream.indirect_vreg.gather [hbm4b:s1+s3], $0x80, v5, vm0, $0xb8;
	[tilespmem:$0x16200] =	vst v63  }
0x17b: {  	s26 =	simm.s32 $0xCA00  }
0x17c: {  	[tilespmem:s26], [sflag:$0x2] =	stream.indirect_vreg.gather [hbm4b:s9+s3], $0x80, v5, vm0, $0xb8;
	[tilespmem:$0x16200] =	vst v63  }
0x17d: {  	s4 =	simm.s32 $0xD200  }
0x17e: {  	[tilespmem:s4], [sflag:$0x2] =	stream.indirect_vreg.gather [hbm4b:s10+s3], $0x80, v5, vm0, $0xb8;
	[tilespmem:$0x16200] =	vst v63  }
0x17f: {  	s29 =	simm.s32 $0xDA00  }
0x180: {  	[tilespmem:s29], [sflag:$0x2] =	stream.indirect_vreg.gather [hbm4b:s11+s3], $0x80, v5, vm0, $0xb8;
	[tilespmem:$0x16200] =	vst v63  }
0x181: {  	s29 =	rddreg [dreg:$0x13]  }
0x182: {  	[hbm4b:s29+s3] =	stream.linear.scatter [tilespmem:s25], [sflag:$0x4], $0x8000, $0x38;
	[tilespmem:$0x16200] =	vst v63  }
0x183: {  	_ =	swait.ge [sflag:s30], $0x8000  }
0x184: {  	[sflag:s30] =	ssyncset.done $0x0  }
0x185: {  	[sflag:s30] =	ssyncadd.s32 $0xFFFF8000  }
0x186: {  	_ =	swait.ge [sflag:s24], $0x8000  }
0x187: {  	[sflag:s24] =	ssyncset.done $0x0  }
0x188: {  	[sflag:s24] =	ssyncadd.s32 $0xFFFF8000  }
0x189: {  	v5 =	vld [tilespmem:$0x60E0];
	_ =	sdelay $0x4  }
0x18a: {  	v6 =	vshll.u32 v5, $0x3  }
0x18b: {  	v5 =	vand.u32 $0x7, v5;
	v6 =	vand.u32 $0xFFFFFFC0, v6  }
0x18c: {  	v5 =	vor.u32 v5, v6  }
0x18d: {  	v6 =	vperm.xlane v5, v2;
	_ =	sdelay $0x1  }
0x18e: {  	v6 =	vadd.s32 v3, v6;
	_ =	sdelay $0x4  }
0x18f: {  	[tilespmem:s25], [sflag:$0x3] =	stream.indirect_vreg.gather [hbm4b:s1+s3], $0x80, v6, vm0, $0xb8;
	[tilespmem:$0x16200] =	vst v63  }
0x190: {  	s29 =	simm.s32 $0xEA00;
	v5 =	vperm.xlane v5, v4  }
0x191: {  	[tilespmem:s29], [sflag:$0x3] =	stream.indirect_vreg.gather [hbm4b:s9+s3], $0x80, v6, vm0, $0xb8;
	[tilespmem:$0x16200] =	vst v63  }
0x192: {  	s6 =	simm.s32 $0xF200;
	v5 =	vadd.s32 v3, v5  }
0x193: {  	[tilespmem:s6], [sflag:$0x3] =	stream.indirect_vreg.gather [hbm4b:s10+s3], $0x80, v6, vm0, $0xb8;
	[tilespmem:$0x16200] =	vst v63  }
0x194: {  	s29 =	simm.s32 $0xFA00  }
0x195: {  	[tilespmem:s29], [sflag:$0x3] =	stream.indirect_vreg.gather [hbm4b:s11+s3], $0x80, v6, vm0, $0xb8;
	[tilespmem:$0x16200] =	vst v63  }
0x196: {  	s22 =	simm.s32 $0x10200  }
0x197: {  	[tilespmem:s22], [sflag:$0x3] =	stream.indirect_vreg.gather [hbm4b:s1+s3], $0x80, v5, vm0, $0xb8;
	[tilespmem:$0x16200] =	vst v63  }
0x198: {  	s21 =	simm.s32 $0x10A00  }
0x199: {  	[tilespmem:s21], [sflag:$0x3] =	stream.indirect_vreg.gather [hbm4b:s9+s3], $0x80, v5, vm0, $0xb8;
	[tilespmem:$0x16200] =	vst v63  }
0x19a: {  	s5 =	simm.s32 $0x11200  }
0x19b: {  	[tilespmem:s5], [sflag:$0x3] =	stream.indirect_vreg.gather [hbm4b:s10+s3], $0x80, v5, vm0, $0xb8;
	[tilespmem:$0x16200] =	vst v63  }
0x19c: {  	s15 =	simm.s32 $0x11A00  }
0x19d: {  	[tilespmem:s15], [sflag:$0x3] =	stream.indirect_vreg.gather [hbm4b:s11+s3], $0x80, v5, vm0, $0xb8;
	[tilespmem:$0x16200] =	vst v63  }
0x19e: {  	v5 =	vld [tilespmem:$0x60F0];
	_ =	sdelay $0x4  }
0x19f: {  	v6 =	vshll.u32 v5, $0x3  }
0x1a0: {  	v5 =	vand.u32 $0x7, v5;
	v6 =	vand.u32 $0xFFFFFFC0, v6  }
0x1a1: {  	v5 =	vor.u32 v5, v6  }
0x1a2: {  	v6 =	vperm.xlane v5, v2;
	_ =	sdelay $0x1  }
0x1a3: {  	v6 =	vadd.s32 v3, v6;
	_ =	sdelay $0x3  }
0x1a4: {  	s15 =	simm.s32 $0x12200  }
0x1a5: {  	[tilespmem:s15], [sflag:$0x3] =	stream.indirect_vreg.gather [hbm4b:s1+s3], $0x80, v6, vm0, $0xb8;
	[tilespmem:$0x16200] =	vst v63  }
0x1a6: {  	v5 =	vperm.xlane v5, v4;
	s15 =	simm.s32 $0x12A00  }
0x1a7: {  	[tilespmem:s15], [sflag:$0x3] =	stream.indirect_vreg.gather [hbm4b:s9+s3], $0x80, v6, vm0, $0xb8;
	[tilespmem:$0x16200] =	vst v63  }
0x1a8: {  	s16 =	simm.s32 $0x13200;
	v5 =	vadd.s32 v3, v5  }
0x1a9: {  	[tilespmem:s16], [sflag:$0x3] =	stream.indirect_vreg.gather [hbm4b:s10+s3], $0x80, v6, vm0, $0xb8;
	[tilespmem:$0x16200] =	vst v63  }
0x1aa: {  	s13 =	simm.s32 $0x13A00  }
0x1ab: {  	[tilespmem:s13], [sflag:$0x3] =	stream.indirect_vreg.gather [hbm4b:s11+s3], $0x80, v6, vm0, $0xb8;
	[tilespmem:$0x16200] =	vst v63  }
0x1ac: {  	s17 =	simm.s32 $0x14200  }
0x1ad: {  	[tilespmem:s17], [sflag:$0x3] =	stream.indirect_vreg.gather [hbm4b:s1+s3], $0x80, v5, vm0, $0xb8;
	[tilespmem:$0x16200] =	vst v63  }
0x1ae: {  	s18 =	simm.s32 $0x14A00  }
0x1af: {  	[tilespmem:s18], [sflag:$0x3] =	stream.indirect_vreg.gather [hbm4b:s9+s3], $0x80, v5, vm0, $0xb8;
	[tilespmem:$0x16200] =	vst v63  }
0x1b0: {  	s20 =	simm.s32 $0x15200  }
0x1b1: {  	[tilespmem:s20], [sflag:$0x3] =	stream.indirect_vreg.gather [hbm4b:s10+s3], $0x80, v5, vm0, $0xb8;
	[tilespmem:$0x16200] =	vst v63  }
0x1b2: {  	s15 =	simm.s32 $0x15A00  }
0x1b3: {  	[tilespmem:s15], [sflag:$0x3] =	stream.indirect_vreg.gather [hbm4b:s11+s3], $0x80, v5, vm0, $0xb8;
	[tilespmem:$0x16200] =	vst v63  }
0x1b4: {  	s15 =	rddreg [dreg:$0x14]  }
0x1b5: {  	[hbm4b:s15+s3] =	stream.linear.scatter [tilespmem:s14], [sflag:$0x4], $0x8000, $0x38;
	[tilespmem:$0x16200] =	vst v63  }
0x1b6: {  	_ =	swait.ge [sflag:s30], $0x8000  }
0x1b7: {  	[sflag:s30] =	ssyncset.done $0x0  }
0x1b8: {  	[sflag:s30] =	ssyncadd.s32 $0xFFFF8000  }
0x1b9: {  	_ =	swait.ge [sflag:s19], $0x8000  }
0x1ba: {  	[sflag:s19] =	ssyncset.done $0x0  }
0x1bb: {  	[sflag:s19] =	ssyncadd.s32 $0xFFFF8000  }
0x1bc: {  	v5 =	vld [tilespmem:$0x6100];
	_ =	sdelay $0x4  }
0x1bd: {  	v6 =	vshll.u32 v5, $0x3  }
0x1be: {  	v5 =	vand.u32 $0x7, v5;
	v6 =	vand.u32 $0xFFFFFFC0, v6  }
0x1bf: {  	v5 =	vor.u32 v5, v6  }
0x1c0: {  	v6 =	vperm.xlane v5, v2;
	_ =	sdelay $0x1  }
0x1c1: {  	v6 =	vadd.s32 v3, v6;
	_ =	sdelay $0x4  }
0x1c2: {  	[tilespmem:s14], [sflag:$0x2] =	stream.indirect_vreg.gather [hbm4b:s1+s3], $0x80, v6, vm0, $0xb8;
	[tilespmem:$0x16200] =	vst v63  }
0x1c3: {  	s15 =	simm.s32 $0x6A00;
	v5 =	vperm.xlane v5, v4  }
0x1c4: {  	[tilespmem:s15], [sflag:$0x2] =	stream.indirect_vreg.gather [hbm4b:s9+s3], $0x80, v6, vm0, $0xb8;
	[tilespmem:$0x16200] =	vst v63  }
0x1c5: {  	s28 =	simm.s32 $0x7200;
	v5 =	vadd.s32 v3, v5  }
0x1c6: {  	[tilespmem:s28], [sflag:$0x2] =	stream.indirect_vreg.gather [hbm4b:s10+s3], $0x80, v6, vm0, $0xb8;
	[tilespmem:$0x16200] =	vst v63  }
0x1c7: {  	s8 =	simm.s32 $0x7A00  }
0x1c8: {  	[tilespmem:s8], [sflag:$0x2] =	stream.indirect_vreg.gather [hbm4b:s11+s3], $0x80, v6, vm0, $0xb8;
	[tilespmem:$0x16200] =	vst v63  }
0x1c9: {  	s15 =	simm.s32 $0x8200  }
0x1ca: {  	[tilespmem:s15], [sflag:$0x2] =	stream.indirect_vreg.gather [hbm4b:s1+s3], $0x80, v5, vm0, $0xb8;
	[tilespmem:$0x16200] =	vst v63  }
0x1cb: {  	s15 =	simm.s32 $0x8A00  }
0x1cc: {  	[tilespmem:s15], [sflag:$0x2] =	stream.indirect_vreg.gather [hbm4b:s9+s3], $0x80, v5, vm0, $0xb8;
	[tilespmem:$0x16200] =	vst v63  }
0x1cd: {  	s15 =	simm.s32 $0x9200  }
0x1ce: {  	[tilespmem:s15], [sflag:$0x2] =	stream.indirect_vreg.gather [hbm4b:s10+s3], $0x80, v5, vm0, $0xb8;
	[tilespmem:$0x16200] =	vst v63  }
0x1cf: {  	s12 =	simm.s32 $0x9A00  }
0x1d0: {  	[tilespmem:s12], [sflag:$0x2] =	stream.indirect_vreg.gather [hbm4b:s11+s3], $0x80, v5, vm0, $0xb8;
	[tilespmem:$0x16200] =	vst v63  }
0x1d1: {  	v5 =	vld [tilespmem:$0x6110];
	_ =	sdelay $0x4  }
0x1d2: {  	v6 =	vshll.u32 v5, $0x3  }
0x1d3: {  	v5 =	vand.u32 $0x7, v5;
	v6 =	vand.u32 $0xFFFFFFC0, v6  }
0x1d4: {  	v5 =	vor.u32 v5, v6  }
0x1d5: {  	v6 =	vperm.xlane v5, v2;
	_ =	sdelay $0x1  }
0x1d6: {  	v6 =	vadd.s32 v3, v6;
	_ =	sdelay $0x3  }
0x1d7: {  	s15 =	simm.s32 $0xA200  }
0x1d8: {  	[tilespmem:s15], [sflag:$0x2] =	stream.indirect_vreg.gather [hbm4b:s1+s3], $0x80, v6, vm0, $0xb8;
	[tilespmem:$0x16200] =	vst v63  }
0x1d9: {  	v5 =	vperm.xlane v5, v4;
	s15 =	simm.s32 $0xAA00  }
0x1da: {  	[tilespmem:s15], [sflag:$0x2] =	stream.indirect_vreg.gather [hbm4b:s9+s3], $0x80, v6, vm0, $0xb8;
	[tilespmem:$0x16200] =	vst v63  }
0x1db: {  	s2 =	simm.s32 $0xB200;
	v5 =	vadd.s32 v3, v5  }
0x1dc: {  	[tilespmem:s2], [sflag:$0x2] =	stream.indirect_vreg.gather [hbm4b:s10+s3], $0x80, v6, vm0, $0xb8;
	[tilespmem:$0x16200] =	vst v63  }
0x1dd: {  	s7 =	simm.s32 $0xBA00  }
0x1de: {  	[tilespmem:s7], [sflag:$0x2] =	stream.indirect_vreg.gather [hbm4b:s11+s3], $0x80, v6, vm0, $0xb8;
	[tilespmem:$0x16200] =	vst v63  }
0x1df: {  	s23 =	simm.s32 $0xC200  }
0x1e0: {  	[tilespmem:s23], [sflag:$0x2] =	stream.indirect_vreg.gather [hbm4b:s1+s3], $0x80, v5, vm0, $0xb8;
	[tilespmem:$0x16200] =	vst v63  }
0x1e1: {  	s26 =	simm.s32 $0xCA00  }
0x1e2: {  	[tilespmem:s26], [sflag:$0x2] =	stream.indirect_vreg.gather [hbm4b:s9+s3], $0x80, v5, vm0, $0xb8;
	[tilespmem:$0x16200] =	vst v63  }
0x1e3: {  	s4 =	simm.s32 $0xD200  }
0x1e4: {  	[tilespmem:s4], [sflag:$0x2] =	stream.indirect_vreg.gather [hbm4b:s10+s3], $0x80, v5, vm0, $0xb8;
	[tilespmem:$0x16200] =	vst v63  }
0x1e5: {  	s15 =	simm.s32 $0xDA00  }
0x1e6: {  	[tilespmem:s15], [sflag:$0x2] =	stream.indirect_vreg.gather [hbm4b:s11+s3], $0x80, v5, vm0, $0xb8;
	[tilespmem:$0x16200] =	vst v63  }
0x1e7: {  	s15 =	rddreg [dreg:$0x15]  }
0x1e8: {  	[hbm4b:s15+s3] =	stream.linear.scatter [tilespmem:s25], [sflag:$0x4], $0x8000, $0x38;
	[tilespmem:$0x16200] =	vst v63  }
0x1e9: {  	_ =	swait.ge [sflag:s30], $0x8000  }
0x1ea: {  	[sflag:s30] =	ssyncset.done $0x0  }
0x1eb: {  	[sflag:s30] =	ssyncadd.s32 $0xFFFF8000  }
0x1ec: {  	_ =	swait.ge [sflag:s24], $0x8000  }
0x1ed: {  	[sflag:s24] =	ssyncset.done $0x0  }
0x1ee: {  	[sflag:s24] =	ssyncadd.s32 $0xFFFF8000  }
0x1ef: {  	v5 =	vld [tilespmem:$0x6120];
	_ =	sdelay $0x4  }
0x1f0: {  	v6 =	vshll.u32 v5, $0x3  }
0x1f1: {  	v5 =	vand.u32 $0x7, v5;
	v6 =	vand.u32 $0xFFFFFFC0, v6  }
0x1f2: {  	v5 =	vor.u32 v5, v6  }
0x1f3: {  	v6 =	vperm.xlane v5, v2;
	_ =	sdelay $0x1  }
0x1f4: {  	v6 =	vadd.s32 v3, v6;
	_ =	sdelay $0x4  }
0x1f5: {  	[tilespmem:s25], [sflag:$0x3] =	stream.indirect_vreg.gather [hbm4b:s1+s3], $0x80, v6, vm0, $0xb8;
	[tilespmem:$0x16200] =	vst v63  }
0x1f6: {  	s15 =	simm.s32 $0xEA00;
	v5 =	vperm.xlane v5, v4  }
0x1f7: {  	[tilespmem:s15], [sflag:$0x3] =	stream.indirect_vreg.gather [hbm4b:s9+s3], $0x80, v6, vm0, $0xb8;
	[tilespmem:$0x16200] =	vst v63  }
0x1f8: {  	s6 =	simm.s32 $0xF200;
	v5 =	vadd.s32 v3, v5  }
0x1f9: {  	[tilespmem:s6], [sflag:$0x3] =	stream.indirect_vreg.gather [hbm4b:s10+s3], $0x80, v6, vm0, $0xb8;
	[tilespmem:$0x16200] =	vst v63  }
0x1fa: {  	s29 =	simm.s32 $0xFA00  }
0x1fb: {  	[tilespmem:s29], [sflag:$0x3] =	stream.indirect_vreg.gather [hbm4b:s11+s3], $0x80, v6, vm0, $0xb8;
	[tilespmem:$0x16200] =	vst v63  }
0x1fc: {  	s22 =	simm.s32 $0x10200  }
0x1fd: {  	[tilespmem:s22], [sflag:$0x3] =	stream.indirect_vreg.gather [hbm4b:s1+s3], $0x80, v5, vm0, $0xb8;
	[tilespmem:$0x16200] =	vst v63  }
0x1fe: {  	s21 =	simm.s32 $0x10A00  }
0x1ff: {  	[tilespmem:s21], [sflag:$0x3] =	stream.indirect_vreg.gather [hbm4b:s9+s3], $0x80, v5, vm0, $0xb8;
	[tilespmem:$0x16200] =	vst v63  }
0x200: {  	s5 =	simm.s32 $0x11200  }
0x201: {  	[tilespmem:s5], [sflag:$0x3] =	stream.indirect_vreg.gather [hbm4b:s10+s3], $0x80, v5, vm0, $0xb8;
	[tilespmem:$0x16200] =	vst v63  }
0x202: {  	s15 =	simm.s32 $0x11A00  }
0x203: {  	[tilespmem:s15], [sflag:$0x3] =	stream.indirect_vreg.gather [hbm4b:s11+s3], $0x80, v5, vm0, $0xb8;
	[tilespmem:$0x16200] =	vst v63  }
0x204: {  	v5 =	vld [tilespmem:$0x6130];
	_ =	sdelay $0x4  }
0x205: {  	v6 =	vshll.u32 v5, $0x3  }
0x206: {  	v5 =	vand.u32 $0x7, v5;
	v6 =	vand.u32 $0xFFFFFFC0, v6  }
0x207: {  	v5 =	vor.u32 v5, v6  }
0x208: {  	v6 =	vperm.xlane v5, v2;
	_ =	sdelay $0x1  }
0x209: {  	v6 =	vadd.s32 v3, v6;
	_ =	sdelay $0x3  }
0x20a: {  	s15 =	simm.s32 $0x12200  }
0x20b: {  	[tilespmem:s15], [sflag:$0x3] =	stream.indirect_vreg.gather [hbm4b:s1+s3], $0x80, v6, vm0, $0xb8;
	[tilespmem:$0x16200] =	vst v63  }
0x20c: {  	v5 =	vperm.xlane v5, v4;
	s15 =	simm.s32 $0x12A00  }
0x20d: {  	[tilespmem:s15], [sflag:$0x3] =	stream.indirect_vreg.gather [hbm4b:s9+s3], $0x80, v6, vm0, $0xb8;
	[tilespmem:$0x16200] =	vst v63  }
0x20e: {  	s16 =	simm.s32 $0x13200;
	v5 =	vadd.s32 v3, v5  }
0x20f: {  	[tilespmem:s16], [sflag:$0x3] =	stream.indirect_vreg.gather [hbm4b:s10+s3], $0x80, v6, vm0, $0xb8;
	[tilespmem:$0x16200] =	vst v63  }
0x210: {  	s13 =	simm.s32 $0x13A00  }
0x211: {  	[tilespmem:s13], [sflag:$0x3] =	stream.indirect_vreg.gather [hbm4b:s11+s3], $0x80, v6, vm0, $0xb8;
	[tilespmem:$0x16200] =	vst v63  }
0x212: {  	s17 =	simm.s32 $0x14200  }
0x213: {  	[tilespmem:s17], [sflag:$0x3] =	stream.indirect_vreg.gather [hbm4b:s1+s3], $0x80, v5, vm0, $0xb8;
	[tilespmem:$0x16200] =	vst v63  }
0x214: {  	s18 =	simm.s32 $0x14A00  }
0x215: {  	[tilespmem:s18], [sflag:$0x3] =	stream.indirect_vreg.gather [hbm4b:s9+s3], $0x80, v5, vm0, $0xb8;
	[tilespmem:$0x16200] =	vst v63  }
0x216: {  	s20 =	simm.s32 $0x15200  }
0x217: {  	[tilespmem:s20], [sflag:$0x3] =	stream.indirect_vreg.gather [hbm4b:s10+s3], $0x80, v5, vm0, $0xb8;
	[tilespmem:$0x16200] =	vst v63  }
0x218: {  	s15 =	simm.s32 $0x15A00  }
0x219: {  	[tilespmem:s15], [sflag:$0x3] =	stream.indirect_vreg.gather [hbm4b:s11+s3], $0x80, v5, vm0, $0xb8;
	[tilespmem:$0x16200] =	vst v63  }
0x21a: {  	s15 =	rddreg [dreg:$0x16]  }
0x21b: {  	[hbm4b:s15+s3] =	stream.linear.scatter [tilespmem:s14], [sflag:$0x4], $0x8000, $0x38;
	[tilespmem:$0x16200] =	vst v63  }
0x21c: {  	_ =	swait.ge [sflag:s30], $0x8000  }
0x21d: {  	[sflag:s30] =	ssyncset.done $0x0  }
0x21e: {  	[sflag:s30] =	ssyncadd.s32 $0xFFFF8000  }
0x21f: {  	_ =	swait.ge [sflag:s19], $0x8000  }
0x220: {  	[sflag:s19] =	ssyncset.done $0x0  }
0x221: {  	[sflag:s19] =	ssyncadd.s32 $0xFFFF8000  }
0x222: {  	v5 =	vld [tilespmem:$0x6140];
	_ =	sdelay $0x4  }
0x223: {  	v6 =	vshll.u32 v5, $0x3  }
0x224: {  	v5 =	vand.u32 $0x7, v5;
	v6 =	vand.u32 $0xFFFFFFC0, v6  }
0x225: {  	v5 =	vor.u32 v5, v6  }
0x226: {  	v6 =	vperm.xlane v5, v2;
	_ =	sdelay $0x1  }
0x227: {  	v6 =	vadd.s32 v3, v6;
	_ =	sdelay $0x4  }
0x228: {  	[tilespmem:s14], [sflag:$0x2] =	stream.indirect_vreg.gather [hbm4b:s1+s3], $0x80, v6, vm0, $0xb8;
	[tilespmem:$0x16200] =	vst v63  }
0x229: {  	s15 =	simm.s32 $0x6A00;
	v5 =	vperm.xlane v5, v4  }
0x22a: {  	[tilespmem:s15], [sflag:$0x2] =	stream.indirect_vreg.gather [hbm4b:s9+s3], $0x80, v6, vm0, $0xb8;
	[tilespmem:$0x16200] =	vst v63  }
0x22b: {  	s28 =	simm.s32 $0x7200;
	v5 =	vadd.s32 v3, v5  }
0x22c: {  	[tilespmem:s28], [sflag:$0x2] =	stream.indirect_vreg.gather [hbm4b:s10+s3], $0x80, v6, vm0, $0xb8;
	[tilespmem:$0x16200] =	vst v63  }
0x22d: {  	s8 =	simm.s32 $0x7A00  }
0x22e: {  	[tilespmem:s8], [sflag:$0x2] =	stream.indirect_vreg.gather [hbm4b:s11+s3], $0x80, v6, vm0, $0xb8;
	[tilespmem:$0x16200] =	vst v63  }
0x22f: {  	s28 =	simm.s32 $0x8200  }
0x230: {  	[tilespmem:s28], [sflag:$0x2] =	stream.indirect_vreg.gather [hbm4b:s1+s3], $0x80, v5, vm0, $0xb8;
	[tilespmem:$0x16200] =	vst v63  }
0x231: {  	s28 =	simm.s32 $0x8A00  }
0x232: {  	[tilespmem:s28], [sflag:$0x2] =	stream.indirect_vreg.gather [hbm4b:s9+s3], $0x80, v5, vm0, $0xb8;
	[tilespmem:$0x16200] =	vst v63  }
0x233: {  	s28 =	simm.s32 $0x9200  }
0x234: {  	[tilespmem:s28], [sflag:$0x2] =	stream.indirect_vreg.gather [hbm4b:s10+s3], $0x80, v5, vm0, $0xb8;
	[tilespmem:$0x16200] =	vst v63  }
0x235: {  	s12 =	simm.s32 $0x9A00  }
0x236: {  	[tilespmem:s12], [sflag:$0x2] =	stream.indirect_vreg.gather [hbm4b:s11+s3], $0x80, v5, vm0, $0xb8;
	[tilespmem:$0x16200] =	vst v63  }
0x237: {  	v5 =	vld [tilespmem:$0x6150];
	_ =	sdelay $0x4  }
0x238: {  	v6 =	vshll.u32 v5, $0x3  }
0x239: {  	v5 =	vand.u32 $0x7, v5;
	v6 =	vand.u32 $0xFFFFFFC0, v6  }
0x23a: {  	v5 =	vor.u32 v5, v6  }
0x23b: {  	v6 =	vperm.xlane v5, v2;
	_ =	sdelay $0x1  }
0x23c: {  	v6 =	vadd.s32 v3, v6;
	_ =	sdelay $0x3  }
0x23d: {  	s28 =	simm.s32 $0xA200  }
0x23e: {  	[tilespmem:s28], [sflag:$0x2] =	stream.indirect_vreg.gather [hbm4b:s1+s3], $0x80, v6, vm0, $0xb8;
	[tilespmem:$0x16200] =	vst v63  }
0x23f: {  	v5 =	vperm.xlane v5, v4;
	s28 =	simm.s32 $0xAA00  }
0x240: {  	[tilespmem:s28], [sflag:$0x2] =	stream.indirect_vreg.gather [hbm4b:s9+s3], $0x80, v6, vm0, $0xb8;
	[tilespmem:$0x16200] =	vst v63  }
0x241: {  	s2 =	simm.s32 $0xB200;
	v5 =	vadd.s32 v3, v5  }
0x242: {  	[tilespmem:s2], [sflag:$0x2] =	stream.indirect_vreg.gather [hbm4b:s10+s3], $0x80, v6, vm0, $0xb8;
	[tilespmem:$0x16200] =	vst v63  }
0x243: {  	s7 =	simm.s32 $0xBA00  }
0x244: {  	[tilespmem:s7], [sflag:$0x2] =	stream.indirect_vreg.gather [hbm4b:s11+s3], $0x80, v6, vm0, $0xb8;
	[tilespmem:$0x16200] =	vst v63  }
0x245: {  	s23 =	simm.s32 $0xC200  }
0x246: {  	[tilespmem:s23], [sflag:$0x2] =	stream.indirect_vreg.gather [hbm4b:s1+s3], $0x80, v5, vm0, $0xb8;
	[tilespmem:$0x16200] =	vst v63  }
0x247: {  	s26 =	simm.s32 $0xCA00  }
0x248: {  	[tilespmem:s26], [sflag:$0x2] =	stream.indirect_vreg.gather [hbm4b:s9+s3], $0x80, v5, vm0, $0xb8;
	[tilespmem:$0x16200] =	vst v63  }
0x249: {  	s4 =	simm.s32 $0xD200  }
0x24a: {  	[tilespmem:s4], [sflag:$0x2] =	stream.indirect_vreg.gather [hbm4b:s10+s3], $0x80, v5, vm0, $0xb8;
	[tilespmem:$0x16200] =	vst v63  }
0x24b: {  	s15 =	simm.s32 $0xDA00  }
0x24c: {  	[tilespmem:s15], [sflag:$0x2] =	stream.indirect_vreg.gather [hbm4b:s11+s3], $0x80, v5, vm0, $0xb8;
	[tilespmem:$0x16200] =	vst v63  }
0x24d: {  	s4 =	rddreg [dreg:$0x17]  }
0x24e: {  	[hbm4b:s4+s3] =	stream.linear.scatter [tilespmem:s25], [sflag:$0x4], $0x8000, $0x38;
	[tilespmem:$0x16200] =	vst v63  }
0x24f: {  	_ =	swait.ge [sflag:s30], $0x8000  }
0x250: {  	[sflag:s30] =	ssyncset.done $0x0  }
0x251: {  	[sflag:s30] =	ssyncadd.s32 $0xFFFF8000  }
0x252: {  	_ =	swait.ge [sflag:s24], $0x8000  }
0x253: {  	[sflag:s24] =	ssyncset.done $0x0  }
0x254: {  	[sflag:s24] =	ssyncadd.s32 $0xFFFF8000  }
0x255: {  	v5 =	vld [tilespmem:$0x6160];
	_ =	sdelay $0x4  }
0x256: {  	v6 =	vshll.u32 v5, $0x3  }
0x257: {  	v5 =	vand.u32 $0x7, v5;
	v6 =	vand.u32 $0xFFFFFFC0, v6  }
0x258: {  	v5 =	vor.u32 v5, v6  }
0x259: {  	v6 =	vperm.xlane v5, v2;
	_ =	sdelay $0x1  }
0x25a: {  	v6 =	vadd.s32 v3, v6;
	_ =	sdelay $0x4  }
0x25b: {  	[tilespmem:s25], [sflag:$0x3] =	stream.indirect_vreg.gather [hbm4b:s1+s3], $0x80, v6, vm0, $0xb8;
	[tilespmem:$0x16200] =	vst v63  }
0x25c: {  	s15 =	simm.s32 $0xEA00;
	v5 =	vperm.xlane v5, v4  }
0x25d: {  	[tilespmem:s15], [sflag:$0x3] =	stream.indirect_vreg.gather [hbm4b:s9+s3], $0x80, v6, vm0, $0xb8;
	[tilespmem:$0x16200] =	vst v63  }
0x25e: {  	s6 =	simm.s32 $0xF200;
	v5 =	vadd.s32 v3, v5  }
0x25f: {  	[tilespmem:s6], [sflag:$0x3] =	stream.indirect_vreg.gather [hbm4b:s10+s3], $0x80, v6, vm0, $0xb8;
	[tilespmem:$0x16200] =	vst v63  }
0x260: {  	s29 =	simm.s32 $0xFA00  }
0x261: {  	[tilespmem:s29], [sflag:$0x3] =	stream.indirect_vreg.gather [hbm4b:s11+s3], $0x80, v6, vm0, $0xb8;
	[tilespmem:$0x16200] =	vst v63  }
0x262: {  	s22 =	simm.s32 $0x10200  }
0x263: {  	[tilespmem:s22], [sflag:$0x3] =	stream.indirect_vreg.gather [hbm4b:s1+s3], $0x80, v5, vm0, $0xb8;
	[tilespmem:$0x16200] =	vst v63  }
0x264: {  	s21 =	simm.s32 $0x10A00  }
0x265: {  	[tilespmem:s21], [sflag:$0x3] =	stream.indirect_vreg.gather [hbm4b:s9+s3], $0x80, v5, vm0, $0xb8;
	[tilespmem:$0x16200] =	vst v63  }
0x266: {  	s5 =	simm.s32 $0x11200  }
0x267: {  	[tilespmem:s5], [sflag:$0x3] =	stream.indirect_vreg.gather [hbm4b:s10+s3], $0x80, v5, vm0, $0xb8;
	[tilespmem:$0x16200] =	vst v63  }
0x268: {  	s21 =	simm.s32 $0x11A00  }
0x269: {  	[tilespmem:s21], [sflag:$0x3] =	stream.indirect_vreg.gather [hbm4b:s11+s3], $0x80, v5, vm0, $0xb8;
	[tilespmem:$0x16200] =	vst v63  }
0x26a: {  	v5 =	vld [tilespmem:$0x6170];
	_ =	sdelay $0x4  }
0x26b: {  	v6 =	vshll.u32 v5, $0x3  }
0x26c: {  	v5 =	vand.u32 $0x7, v5;
	v6 =	vand.u32 $0xFFFFFFC0, v6  }
0x26d: {  	v5 =	vor.u32 v5, v6  }
0x26e: {  	v6 =	vperm.xlane v5, v2;
	_ =	sdelay $0x1  }
0x26f: {  	v6 =	vadd.s32 v3, v6;
	_ =	sdelay $0x3  }
0x270: {  	s29 =	simm.s32 $0x12200  }
0x271: {  	[tilespmem:s29], [sflag:$0x3] =	stream.indirect_vreg.gather [hbm4b:s1+s3], $0x80, v6, vm0, $0xb8;
	[tilespmem:$0x16200] =	vst v63  }
0x272: {  	s15 =	simm.s32 $0x12A00;
	v5 =	vperm.xlane v5, v4  }
0x273: {  	[tilespmem:s15], [sflag:$0x3] =	stream.indirect_vreg.gather [hbm4b:s9+s3], $0x80, v6, vm0, $0xb8;
	[tilespmem:$0x16200] =	vst v63  }
0x274: {  	s16 =	simm.s32 $0x13200;
	v5 =	vadd.s32 v3, v5  }
0x275: {  	[tilespmem:s16], [sflag:$0x3] =	stream.indirect_vreg.gather [hbm4b:s10+s3], $0x80, v6, vm0, $0xb8;
	[tilespmem:$0x16200] =	vst v63  }
0x276: {  	s13 =	simm.s32 $0x13A00  }
0x277: {  	[tilespmem:s13], [sflag:$0x3] =	stream.indirect_vreg.gather [hbm4b:s11+s3], $0x80, v6, vm0, $0xb8;
	[tilespmem:$0x16200] =	vst v63  }
0x278: {  	s17 =	simm.s32 $0x14200  }
0x279: {  	[tilespmem:s17], [sflag:$0x3] =	stream.indirect_vreg.gather [hbm4b:s1+s3], $0x80, v5, vm0, $0xb8;
	[tilespmem:$0x16200] =	vst v63  }
0x27a: {  	s18 =	simm.s32 $0x14A00  }
0x27b: {  	[tilespmem:s18], [sflag:$0x3] =	stream.indirect_vreg.gather [hbm4b:s9+s3], $0x80, v5, vm0, $0xb8;
	[tilespmem:$0x16200] =	vst v63  }
0x27c: {  	s20 =	simm.s32 $0x15200  }
0x27d: {  	[tilespmem:s20], [sflag:$0x3] =	stream.indirect_vreg.gather [hbm4b:s10+s3], $0x80, v5, vm0, $0xb8;
	[tilespmem:$0x16200] =	vst v63  }
0x27e: {  	s18 =	simm.s32 $0x15A00  }
0x27f: {  	[tilespmem:s18], [sflag:$0x3] =	stream.indirect_vreg.gather [hbm4b:s11+s3], $0x80, v5, vm0, $0xb8;
	[tilespmem:$0x16200] =	vst v63  }
0x280: {  	s13 =	rddreg [dreg:$0x18]  }
0x281: {  	[hbm4b:s13+s3] =	stream.linear.scatter [tilespmem:s14], [sflag:$0x4], $0x8000, $0x38;
	[tilespmem:$0x16200] =	vst v63  }
0x282: {  	_ =	swait.ge [sflag:s30], $0x8000  }
0x283: {  	[sflag:s30] =	ssyncset.done $0x0  }
0x284: {  	[sflag:s30] =	ssyncadd.s32 $0xFFFF8000  }
0x285: {  	_ =	swait.ge [sflag:s19], $0x8000  }
0x286: {  	[sflag:s19] =	ssyncset.done $0x0  }
0x287: {  	[sflag:s19] =	ssyncadd.s32 $0xFFFF8000  }
0x288: {  	v5 =	vld [tilespmem:$0x6180];
	_ =	sdelay $0x4  }
0x289: {  	v6 =	vshll.u32 v5, $0x3  }
0x28a: {  	v5 =	vand.u32 $0x7, v5;
	v6 =	vand.u32 $0xFFFFFFC0, v6  }
0x28b: {  	v5 =	vor.u32 v5, v6  }
0x28c: {  	v6 =	vperm.xlane v5, v2;
	_ =	sdelay $0x1  }
0x28d: {  	v6 =	vadd.s32 v3, v6;
	_ =	sdelay $0x4  }
0x28e: {  	[tilespmem:s14], [sflag:$0x2] =	stream.indirect_vreg.gather [hbm4b:s1+s3], $0x80, v6, vm0, $0xb8;
	[tilespmem:$0x16200] =	vst v63  }
0x28f: {  	s15 =	simm.s32 $0x6A00;
	v5 =	vperm.xlane v5, v4  }
0x290: {  	[tilespmem:s15], [sflag:$0x2] =	stream.indirect_vreg.gather [hbm4b:s9+s3], $0x80, v6, vm0, $0xb8;
	[tilespmem:$0x16200] =	vst v63  }
0x291: {  	s16 =	simm.s32 $0x7200;
	v5 =	vadd.s32 v3, v5  }
0x292: {  	[tilespmem:s16], [sflag:$0x2] =	stream.indirect_vreg.gather [hbm4b:s10+s3], $0x80, v6, vm0, $0xb8;
	[tilespmem:$0x16200] =	vst v63  }
0x293: {  	s8 =	simm.s32 $0x7A00  }
0x294: {  	[tilespmem:s8], [sflag:$0x2] =	stream.indirect_vreg.gather [hbm4b:s11+s3], $0x80, v6, vm0, $0xb8;
	[tilespmem:$0x16200] =	vst v63  }
0x295: {  	s17 =	simm.s32 $0x8200  }
0x296: {  	[tilespmem:s17], [sflag:$0x2] =	stream.indirect_vreg.gather [hbm4b:s1+s3], $0x80, v5, vm0, $0xb8;
	[tilespmem:$0x16200] =	vst v63  }
0x297: {  	s18 =	simm.s32 $0x8A00  }
0x298: {  	[tilespmem:s18], [sflag:$0x2] =	stream.indirect_vreg.gather [hbm4b:s9+s3], $0x80, v5, vm0, $0xb8;
	[tilespmem:$0x16200] =	vst v63  }
0x299: {  	s13 =	simm.s32 $0x9200  }
0x29a: {  	[tilespmem:s13], [sflag:$0x2] =	stream.indirect_vreg.gather [hbm4b:s10+s3], $0x80, v5, vm0, $0xb8;
	[tilespmem:$0x16200] =	vst v63  }
0x29b: {  	s12 =	simm.s32 $0x9A00  }
0x29c: {  	[tilespmem:s12], [sflag:$0x2] =	stream.indirect_vreg.gather [hbm4b:s11+s3], $0x80, v5, vm0, $0xb8;
	[tilespmem:$0x16200] =	vst v63  }
0x29d: {  	v5 =	vld [tilespmem:$0x6190];
	_ =	sdelay $0x4  }
0x29e: {  	v6 =	vshll.u32 v5, $0x3  }
0x29f: {  	v5 =	vand.u32 $0x7, v5;
	v6 =	vand.u32 $0xFFFFFFC0, v6  }
0x2a0: {  	v5 =	vor.u32 v5, v6  }
0x2a1: {  	v6 =	vperm.xlane v5, v2;
	_ =	sdelay $0x1  }
0x2a2: {  	v6 =	vadd.s32 v3, v6;
	_ =	sdelay $0x3  }
0x2a3: {  	s15 =	simm.s32 $0xA200  }
0x2a4: {  	[tilespmem:s15], [sflag:$0x2] =	stream.indirect_vreg.gather [hbm4b:s1+s3], $0x80, v6, vm0, $0xb8;
	[tilespmem:$0x16200] =	vst v63  }
0x2a5: {  	s17 =	simm.s32 $0xAA00;
	v5 =	vperm.xlane v5, v4  }
0x2a6: {  	[tilespmem:s17], [sflag:$0x2] =	stream.indirect_vreg.gather [hbm4b:s9+s3], $0x80, v6, vm0, $0xb8;
	[tilespmem:$0x16200] =	vst v63  }
0x2a7: {  	s2 =	simm.s32 $0xB200;
	v5 =	vadd.s32 v3, v5  }
0x2a8: {  	[tilespmem:s2], [sflag:$0x2] =	stream.indirect_vreg.gather [hbm4b:s10+s3], $0x80, v6, vm0, $0xb8;
	[tilespmem:$0x16200] =	vst v63  }
0x2a9: {  	s7 =	simm.s32 $0xBA00  }
0x2aa: {  	[tilespmem:s7], [sflag:$0x2] =	stream.indirect_vreg.gather [hbm4b:s11+s3], $0x80, v6, vm0, $0xb8;
	[tilespmem:$0x16200] =	vst v63  }
0x2ab: {  	s28 =	simm.s32 $0xC200  }
0x2ac: {  	[tilespmem:s28], [sflag:$0x2] =	stream.indirect_vreg.gather [hbm4b:s1+s3], $0x80, v5, vm0, $0xb8;
	[tilespmem:$0x16200] =	vst v63  }
0x2ad: {  	s26 =	simm.s32 $0xCA00  }
0x2ae: {  	[tilespmem:s26], [sflag:$0x2] =	stream.indirect_vreg.gather [hbm4b:s9+s3], $0x80, v5, vm0, $0xb8;
	[tilespmem:$0x16200] =	vst v63  }
0x2af: {  	s23 =	simm.s32 $0xD200  }
0x2b0: {  	[tilespmem:s23], [sflag:$0x2] =	stream.indirect_vreg.gather [hbm4b:s10+s3], $0x80, v5, vm0, $0xb8;
	[tilespmem:$0x16200] =	vst v63  }
0x2b1: {  	s18 =	simm.s32 $0xDA00  }
0x2b2: {  	[tilespmem:s18], [sflag:$0x2] =	stream.indirect_vreg.gather [hbm4b:s11+s3], $0x80, v5, vm0, $0xb8;
	[tilespmem:$0x16200] =	vst v63  }
0x2b3: {  	s23 =	rddreg [dreg:$0x19]  }
0x2b4: {  	[hbm4b:s23+s3] =	stream.linear.scatter [tilespmem:s25], [sflag:$0x4], $0x8000, $0x38;
	[tilespmem:$0x16200] =	vst v63  }
0x2b5: {  	_ =	swait.ge [sflag:s30], $0x8000  }
0x2b6: {  	[sflag:s30] =	ssyncset.done $0x0  }
0x2b7: {  	[sflag:s30] =	ssyncadd.s32 $0xFFFF8000  }
0x2b8: {  	_ =	swait.ge [sflag:s24], $0x8000  }
0x2b9: {  	[sflag:s24] =	ssyncset.done $0x0  }
0x2ba: {  	[sflag:s24] =	ssyncadd.s32 $0xFFFF8000  }
0x2bb: {  	v5 =	vld [tilespmem:$0x61A0];
	_ =	sdelay $0x4  }
0x2bc: {  	v6 =	vshll.u32 v5, $0x3  }
0x2bd: {  	v5 =	vand.u32 $0x7, v5;
	v6 =	vand.u32 $0xFFFFFFC0, v6  }
0x2be: {  	v5 =	vor.u32 v5, v6  }
0x2bf: {  	v6 =	vperm.xlane v5, v2;
	_ =	sdelay $0x1  }
0x2c0: {  	v6 =	vadd.s32 v3, v6;
	_ =	sdelay $0x4  }
0x2c1: {  	[tilespmem:s25], [sflag:$0x3] =	stream.indirect_vreg.gather [hbm4b:s1+s3], $0x80, v6, vm0, $0xb8;
	[tilespmem:$0x16200] =	vst v63  }
0x2c2: {  	s26 =	simm.s32 $0xEA00;
	v5 =	vperm.xlane v5, v4  }
0x2c3: {  	[tilespmem:s26], [sflag:$0x3] =	stream.indirect_vreg.gather [hbm4b:s9+s3], $0x80, v6, vm0, $0xb8;
	[tilespmem:$0x16200] =	vst v63  }
0x2c4: {  	s6 =	simm.s32 $0xF200;
	v5 =	vadd.s32 v3, v5  }
0x2c5: {  	[tilespmem:s6], [sflag:$0x3] =	stream.indirect_vreg.gather [hbm4b:s10+s3], $0x80, v6, vm0, $0xb8;
	[tilespmem:$0x16200] =	vst v63  }
0x2c6: {  	s17 =	simm.s32 $0xFA00  }
0x2c7: {  	[tilespmem:s17], [sflag:$0x3] =	stream.indirect_vreg.gather [hbm4b:s11+s3], $0x80, v6, vm0, $0xb8;
	[tilespmem:$0x16200] =	vst v63  }
0x2c8: {  	s18 =	simm.s32 $0x10200  }
0x2c9: {  	[tilespmem:s18], [sflag:$0x3] =	stream.indirect_vreg.gather [hbm4b:s1+s3], $0x80, v5, vm0, $0xb8;
	[tilespmem:$0x16200] =	vst v63  }
0x2ca: {  	s22 =	simm.s32 $0x10A00  }
0x2cb: {  	[tilespmem:s22], [sflag:$0x3] =	stream.indirect_vreg.gather [hbm4b:s9+s3], $0x80, v5, vm0, $0xb8;
	[tilespmem:$0x16200] =	vst v63  }
0x2cc: {  	s5 =	simm.s32 $0x11200  }
0x2cd: {  	[tilespmem:s5], [sflag:$0x3] =	stream.indirect_vreg.gather [hbm4b:s10+s3], $0x80, v5, vm0, $0xb8;
	[tilespmem:$0x16200] =	vst v63  }
0x2ce: {  	s22 =	simm.s32 $0x11A00  }
0x2cf: {  	[tilespmem:s22], [sflag:$0x3] =	stream.indirect_vreg.gather [hbm4b:s11+s3], $0x80, v5, vm0, $0xb8;
	[tilespmem:$0x16200] =	vst v63  }
0x2d0: {  	v5 =	vld [tilespmem:$0x61B0];
	_ =	sdelay $0x4  }
0x2d1: {  	v6 =	vshll.u32 v5, $0x3  }
0x2d2: {  	v5 =	vand.u32 $0x7, v5;
	v6 =	vand.u32 $0xFFFFFFC0, v6  }
0x2d3: {  	v5 =	vor.u32 v5, v6  }
0x2d4: {  	v6 =	vperm.xlane v5, v2;
	_ =	sdelay $0x1  }
0x2d5: {  	v6 =	vadd.s32 v3, v6;
	_ =	sdelay $0x3  }
0x2d6: {  	s26 =	simm.s32 $0x12200  }
0x2d7: {  	[tilespmem:s26], [sflag:$0x3] =	stream.indirect_vreg.gather [hbm4b:s1+s3], $0x80, v6, vm0, $0xb8;
	[tilespmem:$0x16200] =	vst v63  }
0x2d8: {  	s15 =	simm.s32 $0x12A00;
	v5 =	vperm.xlane v5, v4  }
0x2d9: {  	[tilespmem:s15], [sflag:$0x3] =	stream.indirect_vreg.gather [hbm4b:s9+s3], $0x80, v6, vm0, $0xb8;
	[tilespmem:$0x16200] =	vst v63  }
0x2da: {  	s29 =	simm.s32 $0x13200;
	v5 =	vadd.s32 v3, v5  }
0x2db: {  	[tilespmem:s29], [sflag:$0x3] =	stream.indirect_vreg.gather [hbm4b:s10+s3], $0x80, v6, vm0, $0xb8;
	[tilespmem:$0x16200] =	vst v63  }
0x2dc: {  	s21 =	simm.s32 $0x13A00  }
0x2dd: {  	[tilespmem:s21], [sflag:$0x3] =	stream.indirect_vreg.gather [hbm4b:s11+s3], $0x80, v6, vm0, $0xb8;
	[tilespmem:$0x16200] =	vst v63  }
0x2de: {  	s21 =	simm.s32 $0x14200  }
0x2df: {  	[tilespmem:s21], [sflag:$0x3] =	stream.indirect_vreg.gather [hbm4b:s1+s3], $0x80, v5, vm0, $0xb8;
	[tilespmem:$0x16200] =	vst v63  }
0x2e0: {  	s29 =	simm.s32 $0x14A00  }
0x2e1: {  	[tilespmem:s29], [sflag:$0x3] =	stream.indirect_vreg.gather [hbm4b:s9+s3], $0x80, v5, vm0, $0xb8;
	[tilespmem:$0x16200] =	vst v63  }
0x2e2: {  	s20 =	simm.s32 $0x15200  }
0x2e3: {  	[tilespmem:s20], [sflag:$0x3] =	stream.indirect_vreg.gather [hbm4b:s10+s3], $0x80, v5, vm0, $0xb8;
	[tilespmem:$0x16200] =	vst v63  }
0x2e4: {  	s15 =	simm.s32 $0x15A00  }
0x2e5: {  	[tilespmem:s15], [sflag:$0x3] =	stream.indirect_vreg.gather [hbm4b:s11+s3], $0x80, v5, vm0, $0xb8;
	[tilespmem:$0x16200] =	vst v63  }
0x2e6: {  	s15 =	rddreg [dreg:$0x9]  }
0x2e7: {  	[hbm4b:s15+s3] =	stream.linear.scatter [tilespmem:s14], [sflag:$0x4], $0x8000, $0x38;
	[tilespmem:$0x16200] =	vst v63  }
0x2e8: {  	_ =	swait.ge [sflag:s30], $0x8000  }
0x2e9: {  	[sflag:s30] =	ssyncset.done $0x0  }
0x2ea: {  	[sflag:s30] =	ssyncadd.s32 $0xFFFF8000  }
0x2eb: {  	_ =	swait.ge [sflag:s19], $0x8000  }
0x2ec: {  	[sflag:s19] =	ssyncset.done $0x0  }
0x2ed: {  	[sflag:s19] =	ssyncadd.s32 $0xFFFF8000  }
0x2ee: {  	v5 =	vld [tilespmem:$0x61C0];
	_ =	sdelay $0x4  }
0x2ef: {  	v6 =	vshll.u32 v5, $0x3  }
0x2f0: {  	v5 =	vand.u32 $0x7, v5;
	v6 =	vand.u32 $0xFFFFFFC0, v6  }
0x2f1: {  	v5 =	vor.u32 v5, v6  }
0x2f2: {  	v6 =	vperm.xlane v5, v2;
	_ =	sdelay $0x1  }
0x2f3: {  	v6 =	vadd.s32 v3, v6;
	_ =	sdelay $0x4  }
0x2f4: {  	[tilespmem:s14], [sflag:$0x2] =	stream.indirect_vreg.gather [hbm4b:s1+s3], $0x80, v6, vm0, $0xb8;
	[tilespmem:$0x16200] =	vst v63  }
0x2f5: {  	s15 =	simm.s32 $0x6A00;
	v5 =	vperm.xlane v5, v4  }
0x2f6: {  	[tilespmem:s15], [sflag:$0x2] =	stream.indirect_vreg.gather [hbm4b:s9+s3], $0x80, v6, vm0, $0xb8;
	[tilespmem:$0x16200] =	vst v63  }
0x2f7: {  	s16 =	simm.s32 $0x7200;
	v5 =	vadd.s32 v3, v5  }
0x2f8: {  	[tilespmem:s16], [sflag:$0x2] =	stream.indirect_vreg.gather [hbm4b:s10+s3], $0x80, v6, vm0, $0xb8;
	[tilespmem:$0x16200] =	vst v63  }
0x2f9: {  	s4 =	simm.s32 $0x7A00  }
0x2fa: {  	[tilespmem:s4], [sflag:$0x2] =	stream.indirect_vreg.gather [hbm4b:s11+s3], $0x80, v6, vm0, $0xb8;
	[tilespmem:$0x16200] =	vst v63  }
0x2fb: {  	s16 =	simm.s32 $0x8200  }
0x2fc: {  	[tilespmem:s16], [sflag:$0x2] =	stream.indirect_vreg.gather [hbm4b:s1+s3], $0x80, v5, vm0, $0xb8;
	[tilespmem:$0x16200] =	vst v63  }
0x2fd: {  	s15 =	simm.s32 $0x8A00  }
0x2fe: {  	[tilespmem:s15], [sflag:$0x2] =	stream.indirect_vreg.gather [hbm4b:s9+s3], $0x80, v5, vm0, $0xb8;
	[tilespmem:$0x16200] =	vst v63  }
0x2ff: {  	s16 =	simm.s32 $0x9200  }
0x300: {  	[tilespmem:s16], [sflag:$0x2] =	stream.indirect_vreg.gather [hbm4b:s10+s3], $0x80, v5, vm0, $0xb8;
	[tilespmem:$0x16200] =	vst v63  }
0x301: {  	s8 =	simm.s32 $0x9A00  }
0x302: {  	[tilespmem:s8], [sflag:$0x2] =	stream.indirect_vreg.gather [hbm4b:s11+s3], $0x80, v5, vm0, $0xb8;
	[tilespmem:$0x16200] =	vst v63  }
0x303: {  	v5 =	vld [tilespmem:$0x61D0];
	_ =	sdelay $0x4  }
0x304: {  	v6 =	vshll.u32 v5, $0x3  }
0x305: {  	v5 =	vand.u32 $0x7, v5;
	v6 =	vand.u32 $0xFFFFFFC0, v6  }
0x306: {  	v5 =	vor.u32 v5, v6  }
0x307: {  	v6 =	vperm.xlane v5, v2;
	_ =	sdelay $0x1  }
0x308: {  	v6 =	vadd.s32 v3, v6;
	_ =	sdelay $0x3  }
0x309: {  	s15 =	simm.s32 $0xA200  }
0x30a: {  	[tilespmem:s15], [sflag:$0x2] =	stream.indirect_vreg.gather [hbm4b:s1+s3], $0x80, v6, vm0, $0xb8;
	[tilespmem:$0x16200] =	vst v63  }
0x30b: {  	s16 =	simm.s32 $0xAA00;
	v5 =	vperm.xlane v5, v4  }
0x30c: {  	[tilespmem:s16], [sflag:$0x2] =	stream.indirect_vreg.gather [hbm4b:s9+s3], $0x80, v6, vm0, $0xb8;
	[tilespmem:$0x16200] =	vst v63  }
0x30d: {  	s2 =	simm.s32 $0xB200;
	v5 =	vadd.s32 v3, v5  }
0x30e: {  	[tilespmem:s2], [sflag:$0x2] =	stream.indirect_vreg.gather [hbm4b:s10+s3], $0x80, v6, vm0, $0xb8;
	[tilespmem:$0x16200] =	vst v63  }
0x30f: {  	s12 =	simm.s32 $0xBA00  }
0x310: {  	[tilespmem:s12], [sflag:$0x2] =	stream.indirect_vreg.gather [hbm4b:s11+s3], $0x80, v6, vm0, $0xb8;
	[tilespmem:$0x16200] =	vst v63  }
0x311: {  	s13 =	simm.s32 $0xC200  }
0x312: {  	[tilespmem:s13], [sflag:$0x2] =	stream.indirect_vreg.gather [hbm4b:s1+s3], $0x80, v5, vm0, $0xb8;
	[tilespmem:$0x16200] =	vst v63  }
0x313: {  	s28 =	simm.s32 $0xCA00  }
0x314: {  	[tilespmem:s28], [sflag:$0x2] =	stream.indirect_vreg.gather [hbm4b:s9+s3], $0x80, v5, vm0, $0xb8;
	[tilespmem:$0x16200] =	vst v63  }
0x315: {  	s7 =	simm.s32 $0xD200  }
0x316: {  	[tilespmem:s7], [sflag:$0x2] =	stream.indirect_vreg.gather [hbm4b:s10+s3], $0x80, v5, vm0, $0xb8;
	[tilespmem:$0x16200] =	vst v63  }
0x317: {  	s8 =	simm.s32 $0xDA00  }
0x318: {  	[tilespmem:s8], [sflag:$0x2] =	stream.indirect_vreg.gather [hbm4b:s11+s3], $0x80, v5, vm0, $0xb8;
	[tilespmem:$0x16200] =	vst v63  }
0x319: {  	s12 =	rddreg [dreg:$0xa]  }
0x31a: {  	[hbm4b:s12+s3] =	stream.linear.scatter [tilespmem:s25], [sflag:$0x4], $0x8000, $0x38;
	[tilespmem:$0x16200] =	vst v63  }
0x31b: {  	_ =	swait.ge [sflag:s30], $0x8000  }
0x31c: {  	[sflag:s30] =	ssyncset.done $0x0  }
0x31d: {  	[sflag:s30] =	ssyncadd.s32 $0xFFFF8000  }
0x31e: {  	_ =	swait.ge [sflag:s24], $0x8000  }
0x31f: {  	[sflag:s24] =	ssyncset.done $0x0  }
0x320: {  	[sflag:s24] =	ssyncadd.s32 $0xFFFF8000  }
0x321: {  	v5 =	vld [tilespmem:$0x61E0];
	_ =	sdelay $0x4  }
0x322: {  	v6 =	vshll.u32 v5, $0x3  }
0x323: {  	v5 =	vand.u32 $0x7, v5;
	v6 =	vand.u32 $0xFFFFFFC0, v6  }
0x324: {  	v5 =	vor.u32 v5, v6  }
0x325: {  	v6 =	vperm.xlane v5, v2;
	_ =	sdelay $0x1  }
0x326: {  	v6 =	vadd.s32 v3, v6;
	_ =	sdelay $0x4  }
0x327: {  	[tilespmem:s25], [sflag:$0x3] =	stream.indirect_vreg.gather [hbm4b:s1+s3], $0x80, v6, vm0, $0xb8;
	[tilespmem:$0x16200] =	vst v63  }
0x328: {  	s13 =	simm.s32 $0xEA00;
	v5 =	vperm.xlane v5, v4  }
0x329: {  	[tilespmem:s13], [sflag:$0x3] =	stream.indirect_vreg.gather [hbm4b:s9+s3], $0x80, v6, vm0, $0xb8;
	[tilespmem:$0x16200] =	vst v63  }
0x32a: {  	s23 =	simm.s32 $0xF200;
	v5 =	vadd.s32 v3, v5  }
0x32b: {  	[tilespmem:s23], [sflag:$0x3] =	stream.indirect_vreg.gather [hbm4b:s10+s3], $0x80, v6, vm0, $0xb8;
	[tilespmem:$0x16200] =	vst v63  }
0x32c: {  	s15 =	simm.s32 $0xFA00  }
0x32d: {  	[tilespmem:s15], [sflag:$0x3] =	stream.indirect_vreg.gather [hbm4b:s11+s3], $0x80, v6, vm0, $0xb8;
	[tilespmem:$0x16200] =	vst v63  }
0x32e: {  	s18 =	simm.s32 $0x10200  }
0x32f: {  	[tilespmem:s18], [sflag:$0x3] =	stream.indirect_vreg.gather [hbm4b:s1+s3], $0x80, v5, vm0, $0xb8;
	[tilespmem:$0x16200] =	vst v63  }
0x330: {  	s17 =	simm.s32 $0x10A00  }
0x331: {  	[tilespmem:s17], [sflag:$0x3] =	stream.indirect_vreg.gather [hbm4b:s9+s3], $0x80, v5, vm0, $0xb8;
	[tilespmem:$0x16200] =	vst v63  }
0x332: {  	s6 =	simm.s32 $0x11200  }
0x333: {  	[tilespmem:s6], [sflag:$0x3] =	stream.indirect_vreg.gather [hbm4b:s10+s3], $0x80, v5, vm0, $0xb8;
	[tilespmem:$0x16200] =	vst v63  }
0x334: {  	s16 =	simm.s32 $0x11A00  }
0x335: {  	[tilespmem:s16], [sflag:$0x3] =	stream.indirect_vreg.gather [hbm4b:s11+s3], $0x80, v5, vm0, $0xb8;
	[tilespmem:$0x16200] =	vst v63  }
0x336: {  	v5 =	vld [tilespmem:$0x61F0];
	_ =	sdelay $0x4  }
0x337: {  	v6 =	vshll.u32 v5, $0x3  }
0x338: {  	v5 =	vand.u32 $0x7, v5;
	v6 =	vand.u32 $0xFFFFFFC0, v6  }
0x339: {  	v5 =	vor.u32 v5, v6  }
0x33a: {  	v6 =	vperm.xlane v5, v2;
	_ =	sdelay $0x1  }
0x33b: {  	v6 =	vadd.s32 v3, v6;
	_ =	sdelay $0x3  }
0x33c: {  	s17 =	simm.s32 $0x12200  }
0x33d: {  	[tilespmem:s17], [sflag:$0x3] =	stream.indirect_vreg.gather [hbm4b:s1+s3], $0x80, v6, vm0, $0xb8;
	[tilespmem:$0x16200] =	vst v63  }
0x33e: {  	s18 =	simm.s32 $0x12A00;
	v5 =	vperm.xlane v5, v4  }
0x33f: {  	[tilespmem:s18], [sflag:$0x3] =	stream.indirect_vreg.gather [hbm4b:s9+s3], $0x80, v6, vm0, $0xb8;
	[tilespmem:$0x16200] =	vst v63  }
0x340: {  	s22 =	simm.s32 $0x13200;
	v5 =	vadd.s32 v3, v5  }
0x341: {  	[tilespmem:s22], [sflag:$0x3] =	stream.indirect_vreg.gather [hbm4b:s10+s3], $0x80, v6, vm0, $0xb8;
	[tilespmem:$0x16200] =	vst v63  }
0x342: {  	s26 =	simm.s32 $0x13A00  }
0x343: {  	[tilespmem:s26], [sflag:$0x3] =	stream.indirect_vreg.gather [hbm4b:s11+s3], $0x80, v6, vm0, $0xb8;
	[tilespmem:$0x16200] =	vst v63  }
0x344: {  	s21 =	simm.s32 $0x14200  }
0x345: {  	[tilespmem:s21], [sflag:$0x3] =	stream.indirect_vreg.gather [hbm4b:s1+s3], $0x80, v5, vm0, $0xb8;
	[tilespmem:$0x16200] =	vst v63  }
0x346: {  	s29 =	simm.s32 $0x14A00  }
0x347: {  	[tilespmem:s29], [sflag:$0x3] =	stream.indirect_vreg.gather [hbm4b:s9+s3], $0x80, v5, vm0, $0xb8;
	[tilespmem:$0x16200] =	vst v63  }
0x348: {  	s20 =	simm.s32 $0x15200  }
0x349: {  	[tilespmem:s20], [sflag:$0x3] =	stream.indirect_vreg.gather [hbm4b:s10+s3], $0x80, v5, vm0, $0xb8;
	[tilespmem:$0x16200] =	vst v63  }
0x34a: {  	s5 =	simm.s32 $0x15A00  }
0x34b: {  	[tilespmem:s5], [sflag:$0x3] =	stream.indirect_vreg.gather [hbm4b:s11+s3], $0x80, v5, vm0, $0xb8;
	[tilespmem:$0x16200] =	vst v63  }
0x34c: {  	s23 =	rddreg [dreg:$0xb]  }
0x34d: {  	[hbm4b:s23+s3] =	stream.linear.scatter [tilespmem:s14], [sflag:$0x4], $0x8000, $0x38;
	[tilespmem:$0x16200] =	vst v63  }
0x34e: {  	_ =	swait.ge [sflag:s30], $0x8000  }
0x34f: {  	[sflag:s30] =	ssyncset.done $0x0  }
0x350: {  	[sflag:s30] =	ssyncadd.s32 $0xFFFF8000  }
0x351: {  	_ =	swait.ge [sflag:s19], $0x8000  }
0x352: {  	[sflag:s19] =	ssyncset.done $0x0  }
0x353: {  	s26 =	rddreg [dreg:$0xc];
	[sflag:s19] =	ssyncadd.s32 $0xFFFF8000  }
0x354: {  	[hbm4b:s26+s3] =	stream.linear.scatter [tilespmem:s25], [sflag:$0x4], $0x8000, $0x38;
	[tilespmem:$0x16200] =	vst v63  }
0x355: {  	_ =	swait.ge [sflag:s30], $0x8000  }
0x356: {  	s28 =	rddreg [dreg:$0x1b]  }
0x357: {  	s29 =	rddreg [dreg:$0x1a];
	s22 =	sadd.s32 $0x1, s28  }
0x358: {  	p1 =	sne.s32 s22, s29  }
.Ltmp1:
0x359: {  	_ = 	snop;
	(pc) =	sbr.rel @!p1 .LBB2_6-.Ltmp1, $3  }
0x35a: {  	_ =	sdelay $0x1  }
0x35b: {  	[sflag:s30] =	ssyncset.done $0x0  }
0x35c: {  	[sflag:s30] =	ssyncadd.s32 $0xFFFF8000  }
.LBB2_1:
.Ltmp2:
0x35d: {  	(pc) =	sbr.rel @p0 .LBB2_5-.Ltmp2, $1  }
0x35e: {  	_ =	sdelay $0x3  }
0x35f: {  	s29 =	simm.s32 $0x0;
	s21 =	rddreg [dreg:$0x5]  }
0x360: {  	[tilespmem:s29], [sflag:$0x4] =	stream.linear.gather [hbm4b:s21+s29], $0x2000, $0x38;
	[tilespmem:$0x16200] =	vst v63  }
0x361: {  	_ =	swait.ge [sflag:s30], $0x2000  }
0x362: {  	[sflag:s30] =	ssyncset.done $0x0  }
0x363: {  	s21 =	simm.s32 $0x2000;
	s23 =	rddreg [dreg:$0x6];
	[sflag:s30] =	ssyncadd.s32 $0xFFFFE000  }
0x364: {  	[tilespmem:s21], [sflag:$0x4] =	stream.linear.gather [hbm4b:s23+s29], $0x2000, $0x38;
	[tilespmem:$0x16200] =	vst v63  }
0x365: {  	_ =	swait.ge [sflag:s30], $0x2000  }
0x366: {  	[sflag:s30] =	ssyncset.done $0x0  }
0x367: {  	[sflag:s30] =	ssyncadd.s32 $0xFFFFE000  }
0x368: {  	v5 =	vld [tilespmem:s29+$0x0];
	_ =	sdelay $0x2  }
0x369: {  	v6 =	vld [tilespmem:s21+$0x0];
	_ =	sdelay $0x1  }
0x36a: {  	vm1 =	vne.s32 v5, $0x0;
	_ =	sdelay $0x4  }
0x36b: {  	v5 =	vor.u32 s29, v0  }
0x36c: {  	[tilespmem:v6+s31+$0x0] =	vst.idx.msk vm1, v5;
	v5 =	vor.u32 s29, v1  }
0x36d: {  	s28 =	smov.u32 s22;
	s22 =	simm.s32 $0x10;
	[tilespmem:v6+s0+$0x0] =	vst.idx.msk vm1, v5  }
0x36e: {  	v5 =	vld [tilespmem:s22+$0x0]  }
0x36f: {  	s26 =	simm.s32 $0x10;
	s23 =	simm.s32 $0x20  }
.LBB2_3:
0x370: {  	p1 =	sne.s32 s23, $0x1FF0;
	s21 =	sadd.s32 $0x10, s21  }
0x371: {  	v6 =	vld [tilespmem:s21+$0x0];
	_ =	sdelay $0x1  }
0x372: {  	vm1 =	vne.s32 v5, $0x0;
	_ =	sdelay $0x4  }
.Ltmp3:
0x373: {  	v5 =	vor.u32 s22, v0;
	(pc) =	sbr.rel @p1 .LBB2_3-.Ltmp3, $4  }
0x374: {  	[tilespmem:v6+s31+$0x0] =	vst.idx.msk vm1, v5;
	v5 =	vor.u32 s22, v1;
	s22 =	smov.u32 s23  }
0x375: {  	s26 =	sadd.s32 $0x10, s26;
	[tilespmem:v6+s0+$0x0] =	vst.idx.msk vm1, v5  }
0x376: {  	v5 =	vld [tilespmem:s26+$0x0]  }
0x377: {  	s23 =	sadd.s32 $0x10, s23  }
0x378: {  	s21 =	sadd.s32 $0x10, s21  }
0x379: {  	v6 =	vld [tilespmem:s21+$0x0];
	_ =	sdelay $0x1  }
0x37a: {  	vm1 =	vne.s32 v5, $0x0;
	_ =	sdelay $0x4  }
0x37b: {  	v5 =	vor.u32 s22, v0  }
0x37c: {  	[tilespmem:v6+s31+$0x0] =	vst.idx.msk vm1, v5;
	v5 =	vor.u32 s22, v1  }
0x37d: {  	s26 =	rddreg [dreg:$0x7];
	[tilespmem:v6+s0+$0x0] =	vst.idx.msk vm1, v5  }
0x37e: {  	[hbm4b:s26+s3] =	stream.linear.scatter [tilespmem:s31], [sflag:$0x4], $0x1000, $0x38;
	[tilespmem:$0x16200] =	vst v63  }
0x37f: {  	_ =	swait.ge [sflag:s30], $0x1000  }
0x380: {  	[sflag:s30] =	ssyncset.done $0x0  }
.Ltmp4:
0x381: {  	s29 =	rddreg [dreg:$0x8];
	[sflag:s30] =	ssyncadd.s32 $0xFFFFF000;
	(pc) =	sbr.rel .LBB2_5-.Ltmp4, $4  }
0x382: {  	[hbm4b:s29+s3] =	stream.linear.scatter [tilespmem:s0], [sflag:$0x4], $0x1000, $0x38;
	[tilespmem:$0x16200] =	vst v63  }
0x383: {  	_ =	swait.ge [sflag:s30], $0x1000  }
0x384: {  	[sflag:s30] =	ssyncset.done $0x0  }
0x385: {  	s22 =	smov.u32 s28;
	[sflag:s30] =	ssyncadd.s32 $0xFFFFF000  }
.LBB2_6:
0x386: {  	_ =	sfence.sel $0x180000  }
0x387: {  	[bflag:$0x0] =	sbarrier.arrive $0xFFFF  }
0x388: {  	_ =	strace $0x90000047  }
0x389: {  	s0 =	stileid.u32;
	[bflag:$0x2] =	sbarrier.arrive $0xFFFF  }
0x38a: {  	p0 =	sne.s32 s0, $0x0;
	s0 =	rddreg [dreg:$0x4]  }
0x38b: {  	s0 =	sadd.s32 @!p0 $0x100000, s0  }
0x38c: {  	[sflag:s0] =	ssyncadd.tile.s32 @!p0 $0x1;
	_ =	shalt  }
.Lfunc_end2:
_tile_overlayer_lowered:
.L_overlay_start_2:
0x38d: {  	(tag) =	ssettag $0x2  }
0x38e: {  	s0 =	rddreg [dreg:$0x0];
	s2 =	stileid.u32  }
0x38f: {  	s1 =	rddreg [dreg:$0x1];
	p0 =	sne.s32 s2, $0x0  }
0x390: {  	s3 =	rddreg [dreg:$0x2];
	[bflag:$0x3] =	sbarrier.arrive $0xFFFF;
	s2 =	simm.s32 @!p0 $0x1C04  }
0x391: {  	[timem:s3], [sflag:s2] =	dma.local @!p0 [hbm:s0], s1  }
0x392: {  	s0 =	simm.s32 @!p0 $0x4  }
0x393: {  	_ =	swait.ge @!p0 [sflag:s0], s1  }
0x394: {  	s1 =	ssub.s32 @!p0 $0x0, s1;
	[sflag:s0] =	ssyncset.done @!p0 $0x0  }
0x395: {  	[sflag:s0] =	ssyncadd.s32 @!p0 s1  }
0x396: {  	[bflag:$0x3] =	sbarrier.arrive $0xFFFF  }
0x397: {  	_ =	shalt  }

</sc_bundles>
